<compile_context>
chip_gen: v7x
topology: tpu7x:2x2x1
jax: 0.10.2.dev20260603
libtpu: 0.0.44.dev20260713+nightly
codegen_flags: <defaults>
</compile_context>

<pallas_src>
import jax
import jax.numpy as jnp
from jax import lax
from jax.experimental import pallas as pl
from jax.experimental.pallas import tpu as pltpu
from jax.experimental.pallas import tpu_sc as plsc

NC, NS, L = 2, 16, 16
NW = NC * NS
B, S, H = 32, 1024, 1024
SW = S // NW
R = 8
CPB = SW // R


def _emb_body(x_hbm, pix_hbm, pos_hbm, out_hbm,
              idx_v, pos_v, g0, g1, g2, g3, o0, o1, o2, o3,
              gsem0, gsem1, gsem2, gsem3, stsem0, stsem1, stsem2, stsem3):
    wid = lax.axis_index("s") * NC + lax.axis_index("c")
    col0 = pl.multiple_of(wid * SW, SW)
    xblk = pl.multiple_of((wid // 4) * 128, 128)
    coff = (wid % 4) * SW
    G = (g0, g1, g2, g3)
    O = (o0, o1, o2, o3)
    GSEM = (gsem0, gsem1, gsem2, gsem3)
    STSEM = (stsem0, stsem1, stsem2, stsem3)

    pltpu.sync_copy(x_hbm.at[:, pl.ds(xblk, 128)], idx_v)
    pos_copy = pltpu.async_copy(pos_hbm.at[pl.ds(col0, SW), :], pos_v, stsem0)

    def start_gather(b, j):
        pltpu.async_copy(
            pix_hbm.at[idx_v.at[b, pl.ds(coff + j * R, R)]], G[j], GSEM[j]
        )

    def wait_gather(b, j):
        pltpu.make_async_copy(
            pix_hbm.at[idx_v.at[b, pl.ds(coff + j * R, R)]], G[j], GSEM[j]
        ).wait()

    def wait_store(b, j):
        pltpu.make_async_copy(
            O[j], out_hbm.at[b, pl.ds(col0 + j * R, R), :], STSEM[j]
        ).wait()

    for j in range(CPB):
        start_gather(0, j)
    pos_copy.wait()

    def step(b, carry):
        for j in range(CPB):
            srow = j * R
            gbuf, obuf = G[j], O[j]
            wait_gather(b, j)
            @pl.when(b > 0)
            def _():
                wait_store(b, j)
            @plsc.parallel_loop(0, H // L, step=1, unroll=2)
            def _(u, _obuf=obuf, _gbuf=gbuf, _srow=srow):
                cs = pl.ds(u * L, L)
                for r in range(R):
                    _obuf[r, cs] = _gbuf[r, cs] + pos_v[_srow + r, cs]
            @pl.when(b + 1 < B)
            def _():
                start_gather(b + 1, j)
            pltpu.async_copy(
                obuf, out_hbm.at[b, pl.ds(col0 + srow, R), :], STSEM[j]
            )
        return carry

    lax.fori_loop(0, B, step, 0, unroll=False)

    for j in range(4):
        wait_store(B - 1, j)


@jax.jit
def _emb(x, pix_table, pos_table):
    reps = 4
    pix_rep = jnp.tile(pix_table, (reps, 1))
    off = ((jnp.arange(S, dtype=jnp.int32)[None, :] // SW
            + jnp.arange(B, dtype=jnp.int32)[:, None]) % reps) * jnp.int32(512)
    x_off = x + off
    run = pl.kernel(
        _emb_body,
        out_type=jax.ShapeDtypeStruct((B, S, H), jnp.float32),
        mesh=plsc.VectorSubcoreMesh(core_axis_name="c", subcore_axis_name="s"),
        scratch_types=[
            pltpu.VMEM((B, 128), jnp.int32),
            pltpu.VMEM((SW, H), jnp.float32),
            pltpu.VMEM((R, H), jnp.float32),
            pltpu.VMEM((R, H), jnp.float32),
            pltpu.VMEM((R, H), jnp.float32),
            pltpu.VMEM((R, H), jnp.float32),
            pltpu.VMEM((R, H), jnp.float32),
            pltpu.VMEM((R, H), jnp.float32),
            pltpu.VMEM((R, H), jnp.float32),
            pltpu.VMEM((R, H), jnp.float32),
            pltpu.SemaphoreType.DMA,
            pltpu.SemaphoreType.DMA,
            pltpu.SemaphoreType.DMA,
            pltpu.SemaphoreType.DMA,
            pltpu.SemaphoreType.DMA,
            pltpu.SemaphoreType.DMA,
            pltpu.SemaphoreType.DMA,
            pltpu.SemaphoreType.DMA,
        ],
    )
    return run(x_off, pix_rep, pos_table)


def kernel(x, pix_table, pos_table):
    return _emb(x, pix_table, pos_table)

# --- scband reference (transcript-rebuilt; emitter-appended) ---
"""Pipeline reference for scband-embeddings-16252156248381 (READ-ONLY COPY).

The authoritative reference and input builder live on the scoring server;
editing this copy changes nothing except your own understanding.
"""

import jax, jax.numpy as jnp
import numpy as np

N_CLUSTERS = 512
HIDDEN = 1024
SEQ_LEN = 32 * 32  # n_pixels ** 2
BATCH = 32

def setup_inputs(seed: int = 0) -> dict:
    key = jax.random.key(seed)
    k_x, k_pix, k_pos = jax.random.split(key, 3)
    x = jax.random.randint(k_x, (BATCH, SEQ_LEN), 0, N_CLUSTERS, dtype=jnp.int32)
    pix_table = jax.random.normal(k_pix, (N_CLUSTERS, HIDDEN), dtype=jnp.float32)
    pos_table = jax.random.normal(k_pos, (SEQ_LEN, HIDDEN), dtype=jnp.float32)
    return {"x": x, "pix_table": pix_table, "pos_table": pos_table}

def reference(x, pix_table, pos_table):
    # position_ids = arange(seq_len) expanded to x's shape
    seq_length = x.shape[1]
    position_ids = jnp.arange(seq_length, dtype=jnp.int32)
    position_ids = jnp.broadcast_to(position_ids[None, :], x.shape)
    pix_embeddings = jnp.take(pix_table, x, axis=0)
    pos_embeddings = jnp.take(pos_table, position_ids, axis=0)
    # dropout is identity in eval mode
    embeddings = pix_embeddings + pos_embeddings
    return embeddings

if __name__ == "__main__":
    import jax
    _d = setup_inputs()
    print(jax.jit(kernel)(*tuple(_d.values())))

</pallas_src>

<mosaic_0001>
#map = affine_map<(d0, d1) -> (0, 0)>
#map1 = affine_map<(d0, d1) -> (0, 0, 0)>
module attributes {stable_mosaic.version = 14 : i64} {
  func.func @_emb_body(%arg0: i32, %arg1: i32, %arg2: memref<32x1024xi32, #tpu.memory_space<hbm>>, %arg3: memref<2048x1024xf32, #tpu.memory_space<hbm>>, %arg4: memref<1024x1024xf32, #tpu.memory_space<hbm>>, %arg5: memref<32x1024x1024xf32, #tpu.memory_space<hbm>>, %arg6: memref<32x128xi32, #tpu.memory_space<vmem>>, %arg7: memref<32x1024xf32, #tpu.memory_space<vmem>>, %arg8: memref<8x1024xf32, #tpu.memory_space<vmem>>, %arg9: memref<8x1024xf32, #tpu.memory_space<vmem>>, %arg10: memref<8x1024xf32, #tpu.memory_space<vmem>>, %arg11: memref<8x1024xf32, #tpu.memory_space<vmem>>, %arg12: memref<8x1024xf32, #tpu.memory_space<vmem>>, %arg13: memref<8x1024xf32, #tpu.memory_space<vmem>>, %arg14: memref<8x1024xf32, #tpu.memory_space<vmem>>, %arg15: memref<8x1024xf32, #tpu.memory_space<vmem>>, %arg16: memref<!tpu.dma_semaphore, #tpu.memory_space<semaphore_mem>>, %arg17: memref<!tpu.dma_semaphore, #tpu.memory_space<semaphore_mem>>, %arg18: memref<!tpu.dma_semaphore, #tpu.memory_space<semaphore_mem>>, %arg19: memref<!tpu.dma_semaphore, #tpu.memory_space<semaphore_mem>>, %arg20: memref<!tpu.dma_semaphore, #tpu.memory_space<semaphore_mem>>, %arg21: memref<!tpu.dma_semaphore, #tpu.memory_space<semaphore_mem>>, %arg22: memref<!tpu.dma_semaphore, #tpu.memory_space<semaphore_mem>>, %arg23: memref<!tpu.dma_semaphore, #tpu.memory_space<semaphore_mem>>) attributes {dimension_semantics = [#tpu.dimension_semantics<core_parallel>, #tpu.dimension_semantics<subcore_parallel>], iteration_bounds = array<i64: 2, 16>, scalar_prefetch = 0 : i64, scratch_operands = 18 : i64, tpu.core_type = #tpu.core_type<sc_vector_subcore>, window_params = [{transform_indices = #map}, {transform_indices = #map}, {transform_indices = #map}, {transform_indices = #map1}]} {
    %mul3A = arith.constant 2 : i32
    %mul3A_0 = arith.muli %arg1, %mul3A : i32
    %add3A = arith.addi %mul3A_0, %arg0 : i32
    %mul3A_1 = arith.constant 32 : i32
    %mul3A_2 = arith.muli %add3A, %mul3A_1 : i32
    %multiple_of3A = tpu.assume_multiple %mul3A_2, 32 : i32
    %jit3A = arith.constant 4 : i32
    %div3A = arith.divsi %add3A, %jit3A : i32
    %sign3A = arith.constant 0 : i32
    %sign3A_3 = arith.cmpi sgt, %add3A, %sign3A : i32
    %sign3A_4 = arith.extui %sign3A_3 : i1 to i32
    %sign3A_5 = arith.constant 0 : i32
    %sign3A_6 = arith.cmpi slt, %add3A, %sign3A_5 : i32
    %sign3A_7 = arith.extui %sign3A_6 : i1 to i32
    %sign3A_8 = arith.subi %sign3A_4, %sign3A_7 : i32
    %sign3A_9 = arith.constant 0 : i32
    %sign3A_10 = arith.cmpi sgt, %jit3A, %sign3A_9 : i32
    %sign3A_11 = arith.extui %sign3A_10 : i1 to i32
    %sign3A_12 = arith.constant 0 : i32
    %sign3A_13 = arith.cmpi slt, %jit3A, %sign3A_12 : i32
    %sign3A_14 = arith.extui %sign3A_13 : i1 to i32
    %sign3A_15 = arith.subi %sign3A_11, %sign3A_14 : i32
    %ne3A = arith.cmpi ne, %sign3A_8, %sign3A_15 : i32
    %rem3A = arith.remsi %add3A, %jit3A : i32
    %ne3A_16 = arith.constant 0 : i32
    %ne3A_17 = arith.cmpi ne, %rem3A, %ne3A_16 : i32
    %and3A = arith.andi %ne3A, %ne3A_17 : i1
    %sub3A = arith.constant 1 : i32
    %sub3A_18 = arith.subi %div3A, %sub3A : i32
    %select_n3A = arith.select %and3A, %sub3A_18, %div3A : i32
    %mul3A_19 = arith.constant 128 : i32
    %mul3A_20 = arith.muli %select_n3A, %mul3A_19 : i32
    %multiple_of3A_21 = tpu.assume_multiple %mul3A_20, 128 : i32
    %jit3A_22 = arith.constant 4 : i32
    %eq3A = arith.constant 0 : i32
    %eq3A_23 = arith.cmpi eq, %jit3A_22, %eq3A : i32
    %jit3A_24 = arith.constant 1 : i32
    %select_n3A_25 = arith.select %eq3A_23, %jit3A_24, %jit3A_22 : i32
    %rem3A_26 = arith.remsi %add3A, %select_n3A_25 : i32
    %ne3A_27 = arith.constant 0 : i32
    %ne3A_28 = arith.cmpi ne, %rem3A_26, %ne3A_27 : i32
    %lt3A = arith.constant 0 : i32
    %lt3A_29 = arith.cmpi slt, %rem3A_26, %lt3A : i32
    %lt3A_30 = arith.constant 0 : i32
    %lt3A_31 = arith.cmpi slt, %select_n3A_25, %lt3A_30 : i32
    %ne3A_32 = arith.xori %lt3A_29, %lt3A_31 : i1
    %and3A_33 = arith.andi %ne3A_32, %ne3A_28 : i1
    %add3A_34 = arith.addi %rem3A_26, %select_n3A_25 : i32
    %select_n3A_35 = arith.select %and3A_33, %add3A_34, %rem3A_26 : i32
    %mul3A_36 = arith.constant 32 : i32
    %mul3A_37 = arith.muli %select_n3A_35, %mul3A_36 : i32
    "tpu.region"() ({
      %run_scoped3A = tpu.sem_alloc : memref<!tpu.dma_semaphore, #tpu.memory_space<semaphore_mem>>
      %dma_start3A_117 = arith.constant 0 : i32
      %dma_start3A_118 = tpu.memref_slice %arg2[%dma_start3A_117, %multiple_of3A_21] : memref<32x1024xi32, #tpu.memory_space<hbm>> -> memref<32x128xi32, #tpu.memory_space<hbm>>
      %dma_start3A_119 = arith.constant 0 : i32
      %dma_start3A_120 = tpu.memref_slice %arg2[%dma_start3A_119, %multiple_of3A_21] : memref<32x1024xi32, #tpu.memory_space<hbm>> -> memref<32x128xi32, #tpu.memory_space<hbm>>
      tpu.enqueue_dma source(%dma_start3A_120 : memref<32x128xi32, #tpu.memory_space<hbm>>) target(%arg6 : memref<32x128xi32, #tpu.memory_space<vmem>>) target_semaphore(%run_scoped3A : memref<!tpu.dma_semaphore, #tpu.memory_space<semaphore_mem>>)
      %dma_wait3A_121 = arith.constant 0 : i32
      %dma_wait3A_122 = tpu.memref_slice %arg2[%dma_wait3A_121, %multiple_of3A_21] : memref<32x1024xi32, #tpu.memory_space<hbm>> -> memref<32x128xi32, #tpu.memory_space<hbm>>
      %dma_wait3A_123 = arith.constant 0 : i32
      %dma_wait3A_124 = tpu.memref_slice %arg2[%dma_wait3A_123, %multiple_of3A_21] : memref<32x1024xi32, #tpu.memory_space<hbm>> -> memref<32x128xi32, #tpu.memory_space<hbm>>
      tpu.wait_dma2 semaphore(%run_scoped3A : memref<!tpu.dma_semaphore, #tpu.memory_space<semaphore_mem>>) src(%dma_wait3A_124 : memref<32x128xi32, #tpu.memory_space<hbm>>) dst(%arg6 : memref<32x128xi32, #tpu.memory_space<vmem>>)
      tpu.yield
    }) : () -> ()
    %dma_start3A = arith.constant 0 : i32
    %dma_start3A_38 = tpu.memref_slice %arg4[%multiple_of3A, %dma_start3A] : memref<1024x1024xf32, #tpu.memory_space<hbm>> -> memref<32x1024xf32, #tpu.memory_space<hbm>>
    %dma_start3A_39 = arith.constant 0 : i32
    %dma_start3A_40 = tpu.memref_slice %arg4[%multiple_of3A, %dma_start3A_39] : memref<1024x1024xf32, #tpu.memory_space<hbm>> -> memref<32x1024xf32, #tpu.memory_space<hbm>>
    tpu.enqueue_dma source(%dma_start3A_40 : memref<32x1024xf32, #tpu.memory_space<hbm>>) target(%arg7 : memref<32x1024xf32, #tpu.memory_space<vmem>>) target_semaphore(%arg20 : memref<!tpu.dma_semaphore, #tpu.memory_space<semaphore_mem>>)
    %add3A_41 = arith.constant 0 : i32
    %add3A_42 = arith.addi %mul3A_37, %add3A_41 : i32
    %dma_start3A_43 = arith.constant 0 : i32
    %dma_start3A_44 = tpu.memref_slice %arg6[%dma_start3A_43, %add3A_42] : memref<32x128xi32, #tpu.memory_space<vmem>> -> memref<1x8xi32, #tpu.memory_space<vmem>>
    %dma_start3A_45 = tpu.memref_squeeze %dma_start3A_44 : memref<1x8xi32, #tpu.memory_space<vmem>> -> memref<8xi32, #tpu.memory_space<vmem>>
    %dma_start3A_46 = arith.constant 0 : i32
    %dma_start3A_47 = arith.constant 0 : i32
    %dma_start3A_48 = tpu.memref_slice %arg3[%dma_start3A_46, %dma_start3A_47] : memref<2048x1024xf32, #tpu.memory_space<hbm>> -> memref<2048x1024xf32, #tpu.memory_space<hbm>>
    tpu.enqueue_indirect_dma source(%dma_start3A_48 : memref<2048x1024xf32, #tpu.memory_space<hbm>>) target(%arg8 : memref<8x1024xf32, #tpu.memory_space<vmem>>) offsets(%dma_start3A_45 : memref<8xi32, #tpu.memory_space<vmem>>) semaphore(%arg16 : memref<!tpu.dma_semaphore, #tpu.memory_space<semaphore_mem>>)
    %add3A_49 = arith.constant 8 : i32
    %add3A_50 = arith.addi %mul3A_37, %add3A_49 : i32
    %dma_start3A_51 = arith.constant 0 : i32
    %dma_start3A_52 = tpu.memref_slice %arg6[%dma_start3A_51, %add3A_50] : memref<32x128xi32, #tpu.memory_space<vmem>> -> memref<1x8xi32, #tpu.memory_space<vmem>>
    %dma_start3A_53 = tpu.memref_squeeze %dma_start3A_52 : memref<1x8xi32, #tpu.memory_space<vmem>> -> memref<8xi32, #tpu.memory_space<vmem>>
    %dma_start3A_54 = arith.constant 0 : i32
    %dma_start3A_55 = arith.constant 0 : i32
    %dma_start3A_56 = tpu.memref_slice %arg3[%dma_start3A_54, %dma_start3A_55] : memref<2048x1024xf32, #tpu.memory_space<hbm>> -> memref<2048x1024xf32, #tpu.memory_space<hbm>>
    tpu.enqueue_indirect_dma source(%dma_start3A_56 : memref<2048x1024xf32, #tpu.memory_space<hbm>>) target(%arg9 : memref<8x1024xf32, #tpu.memory_space<vmem>>) offsets(%dma_start3A_53 : memref<8xi32, #tpu.memory_space<vmem>>) semaphore(%arg17 : memref<!tpu.dma_semaphore, #tpu.memory_space<semaphore_mem>>)
    %add3A_57 = arith.constant 16 : i32
    %add3A_58 = arith.addi %mul3A_37, %add3A_57 : i32
    %dma_start3A_59 = arith.constant 0 : i32
    %dma_start3A_60 = tpu.memref_slice %arg6[%dma_start3A_59, %add3A_58] : memref<32x128xi32, #tpu.memory_space<vmem>> -> memref<1x8xi32, #tpu.memory_space<vmem>>
    %dma_start3A_61 = tpu.memref_squeeze %dma_start3A_60 : memref<1x8xi32, #tpu.memory_space<vmem>> -> memref<8xi32, #tpu.memory_space<vmem>>
    %dma_start3A_62 = arith.constant 0 : i32
    %dma_start3A_63 = arith.constant 0 : i32
    %dma_start3A_64 = tpu.memref_slice %arg3[%dma_start3A_62, %dma_start3A_63] : memref<2048x1024xf32, #tpu.memory_space<hbm>> -> memref<2048x1024xf32, #tpu.memory_space<hbm>>
    tpu.enqueue_indirect_dma source(%dma_start3A_64 : memref<2048x1024xf32, #tpu.memory_space<hbm>>) target(%arg10 : memref<8x1024xf32, #tpu.memory_space<vmem>>) offsets(%dma_start3A_61 : memref<8xi32, #tpu.memory_space<vmem>>) semaphore(%arg18 : memref<!tpu.dma_semaphore, #tpu.memory_space<semaphore_mem>>)
    %add3A_65 = arith.constant 24 : i32
    %add3A_66 = arith.addi %mul3A_37, %add3A_65 : i32
    %dma_start3A_67 = arith.constant 0 : i32
    %dma_start3A_68 = tpu.memref_slice %arg6[%dma_start3A_67, %add3A_66] : memref<32x128xi32, #tpu.memory_space<vmem>> -> memref<1x8xi32, #tpu.memory_space<vmem>>
    %dma_start3A_69 = tpu.memref_squeeze %dma_start3A_68 : memref<1x8xi32, #tpu.memory_space<vmem>> -> memref<8xi32, #tpu.memory_space<vmem>>
    %dma_start3A_70 = arith.constant 0 : i32
    %dma_start3A_71 = arith.constant 0 : i32
    %dma_start3A_72 = tpu.memref_slice %arg3[%dma_start3A_70, %dma_start3A_71] : memref<2048x1024xf32, #tpu.memory_space<hbm>> -> memref<2048x1024xf32, #tpu.memory_space<hbm>>
    tpu.enqueue_indirect_dma source(%dma_start3A_72 : memref<2048x1024xf32, #tpu.memory_space<hbm>>) target(%arg11 : memref<8x1024xf32, #tpu.memory_space<vmem>>) offsets(%dma_start3A_69 : memref<8xi32, #tpu.memory_space<vmem>>) semaphore(%arg19 : memref<!tpu.dma_semaphore, #tpu.memory_space<semaphore_mem>>)
    %dma_wait3A = arith.constant 0 : i32
    %dma_wait3A_73 = tpu.memref_slice %arg4[%multiple_of3A, %dma_wait3A] : memref<1024x1024xf32, #tpu.memory_space<hbm>> -> memref<32x1024xf32, #tpu.memory_space<hbm>>
    %dma_wait3A_74 = arith.constant 0 : i32
    %dma_wait3A_75 = tpu.memref_slice %arg4[%multiple_of3A, %dma_wait3A_74] : memref<1024x1024xf32, #tpu.memory_space<hbm>> -> memref<32x1024xf32, #tpu.memory_space<hbm>>
    tpu.wait_dma2 semaphore(%arg20 : memref<!tpu.dma_semaphore, #tpu.memory_space<semaphore_mem>>) src(%dma_wait3A_75 : memref<32x1024xf32, #tpu.memory_space<hbm>>) dst(%arg7 : memref<32x1024xf32, #tpu.memory_space<vmem>>)
    %scan3A = arith.constant 0 : i32
    %scan3A_76 = arith.constant 0 : i32
    %scan3A_77 = arith.constant 32 : i32
    %scan3A_78 = arith.addi %scan3A_76, %scan3A_77 : i32
    %scan3A_79 = arith.constant 1 : i32
    scf.for %scan3A_117 = %scan3A_76 to %scan3A_78 step %scan3A_79  : i32 {
      %add3A_118 = arith.constant 0 : i32
      %add3A_119 = arith.addi %mul3A_37, %add3A_118 : i32
      %dma_wait3A_120 = tpu.memref_slice %arg6[%scan3A_117, %add3A_119] : memref<32x128xi32, #tpu.memory_space<vmem>> -> memref<1x8xi32, #tpu.memory_space<vmem>>
      %dma_wait3A_121 = tpu.memref_squeeze %dma_wait3A_120 : memref<1x8xi32, #tpu.memory_space<vmem>> -> memref<8xi32, #tpu.memory_space<vmem>>
      %dma_wait3A_122 = arith.constant 0 : i32
      %dma_wait3A_123 = arith.constant 0 : i32
      %dma_wait3A_124 = tpu.memref_slice %arg3[%dma_wait3A_122, %dma_wait3A_123] : memref<2048x1024xf32, #tpu.memory_space<hbm>> -> memref<2048x1024xf32, #tpu.memory_space<hbm>>
      tpu.wait_indirect_dma semaphore(%arg16 : memref<!tpu.dma_semaphore, #tpu.memory_space<semaphore_mem>>) src(%dma_wait3A_124 : memref<2048x1024xf32, #tpu.memory_space<hbm>>) dst(%arg8 : memref<8x1024xf32, #tpu.memory_space<vmem>>)
      %gt3A = arith.constant 0 : i32
      %gt3A_125 = arith.cmpi sgt, %scan3A_117, %gt3A : i32
      %convert_element_type3A = arith.extui %gt3A_125 : i1 to i32
      %cond3A = arith.constant 0 : i32
      %cond3A_126 = arith.cmpi ne, %convert_element_type3A, %cond3A : i32
      scf.if %cond3A_126 {
        %add3A_234 = arith.constant 0 : i32
        %add3A_235 = arith.addi %multiple_of3A, %add3A_234 : i32
        %dma_wait3A_236 = arith.constant 0 : i32
        %dma_wait3A_237 = tpu.memref_slice %arg5[%scan3A_117, %add3A_235, %dma_wait3A_236] : memref<32x1024x1024xf32, #tpu.memory_space<hbm>> -> memref<1x8x1024xf32, #tpu.memory_space<hbm>>
        %dma_wait3A_238 = tpu.memref_squeeze %dma_wait3A_237 : memref<1x8x1024xf32, #tpu.memory_space<hbm>> -> memref<8x1024xf32, #tpu.memory_space<hbm>>
        %dma_wait3A_239 = arith.constant 0 : i32
        %dma_wait3A_240 = tpu.memref_slice %arg5[%scan3A_117, %add3A_235, %dma_wait3A_239] : memref<32x1024x1024xf32, #tpu.memory_space<hbm>> -> memref<1x8x1024xf32, #tpu.memory_space<hbm>>
        %dma_wait3A_241 = tpu.memref_squeeze %dma_wait3A_240 : memref<1x8x1024xf32, #tpu.memory_space<hbm>> -> memref<8x1024xf32, #tpu.memory_space<hbm>>
        tpu.wait_dma2 semaphore(%arg20 : memref<!tpu.dma_semaphore, #tpu.memory_space<semaphore_mem>>) src(%arg12 : memref<8x1024xf32, #tpu.memory_space<vmem>>) dst(%dma_wait3A_241 : memref<8x1024xf32, #tpu.memory_space<hbm>>)
      } else {
      }
      %parallel_loop3A = arith.constant 0 : i32
      %parallel_loop3A_127 = arith.constant 64 : i32
      %parallel_loop3A_128 = arith.constant 1 : i32
      scf.for %parallel_loop3A_234 = %parallel_loop3A to %parallel_loop3A_127 step %parallel_loop3A_128  : i32 {
        %parallel_loop3A_235 = arith.constant 16 : i32
        %parallel_loop3A_236 = arith.muli %parallel_loop3A_234, %parallel_loop3A_235 : i32
        %parallel_loop3A_237 = arith.constant 0 : i32
        %parallel_loop3A_238 = arith.index_cast %parallel_loop3A_237 : i32 to index
        %parallel_loop3A_239 = arith.index_cast %parallel_loop3A_236 : i32 to index
        %parallel_loop3A_240 = tpu.vector_load %arg8[%parallel_loop3A_238, %parallel_loop3A_239] {strides = array<i32>} : memref<8x1024xf32, #tpu.memory_space<vmem>>, vector<1x16xf32>,
        %parallel_loop3A_241 = vector.shape_cast %parallel_loop3A_240 : vector<1x16xf32> to vector<16xf32>
        %parallel_loop3A_242 = arith.constant 0 : i32
        %parallel_loop3A_243 = arith.index_cast %parallel_loop3A_242 : i32 to index
        %parallel_loop3A_244 = arith.index_cast %parallel_loop3A_236 : i32 to index
        %parallel_loop3A_245 = tpu.vector_load %arg7[%parallel_loop3A_243, %parallel_loop3A_244] {strides = array<i32>} : memref<32x1024xf32, #tpu.memory_space<vmem>>, vector<1x16xf32>,
        %parallel_loop3A_246 = vector.shape_cast %parallel_loop3A_245 : vector<1x16xf32> to vector<16xf32>
        %parallel_loop3A_247 = arith.addf %parallel_loop3A_241, %parallel_loop3A_246 : vector<16xf32>
        %parallel_loop3A_248 = arith.constant 0 : i32
        %parallel_loop3A_249 = arith.index_cast %parallel_loop3A_248 : i32 to index
        %parallel_loop3A_250 = arith.index_cast %parallel_loop3A_236 : i32 to index
        %parallel_loop3A_251 = tpu.vector_load %arg12[%parallel_loop3A_249, %parallel_loop3A_250] {strides = array<i32>} : memref<8x1024xf32, #tpu.memory_space<vmem>>, vector<1x16xf32>,
        %parallel_loop3A_252 = vector.shape_cast %parallel_loop3A_251 : vector<1x16xf32> to vector<16xf32>
        %parallel_loop3A_253 = vector.shape_cast %parallel_loop3A_247 : vector<16xf32> to vector<1x16xf32>
        tpu.vector_store %arg12[%parallel_loop3A_249, %parallel_loop3A_250], %parallel_loop3A_253 {strides = array<i32>} : memref<8x1024xf32, #tpu.memory_space<vmem>>, vector<1x16xf32>,
        %parallel_loop3A_254 = arith.constant 1 : i32
        %parallel_loop3A_255 = arith.index_cast %parallel_loop3A_254 : i32 to index
        %parallel_loop3A_256 = arith.index_cast %parallel_loop3A_236 : i32 to index
        %parallel_loop3A_257 = tpu.vector_load %arg8[%parallel_loop3A_255, %parallel_loop3A_256] {strides = array<i32>} : memref<8x1024xf32, #tpu.memory_space<vmem>>, vector<1x16xf32>,
        %parallel_loop3A_258 = vector.shape_cast %parallel_loop3A_257 : vector<1x16xf32> to vector<16xf32>
        %parallel_loop3A_259 = arith.constant 1 : i32
        %parallel_loop3A_260 = arith.index_cast %parallel_loop3A_259 : i32 to index
        %parallel_loop3A_261 = arith.index_cast %parallel_loop3A_236 : i32 to index
        %parallel_loop3A_262 = tpu.vector_load %arg7[%parallel_loop3A_260, %parallel_loop3A_261] {strides = array<i32>} : memref<32x1024xf32, #tpu.memory_space<vmem>>, vector<1x16xf32>,
        %parallel_loop3A_263 = vector.shape_cast %parallel_loop3A_262 : vector<1x16xf32> to vector<16xf32>
        %parallel_loop3A_264 = arith.addf %parallel_loop3A_258, %parallel_loop3A_263 : vector<16xf32>
        %parallel_loop3A_265 = arith.constant 1 : i32
        %parallel_loop3A_266 = arith.index_cast %parallel_loop3A_265 : i32 to index
        %parallel_loop3A_267 = arith.index_cast %parallel_loop3A_236 : i32 to index
        %parallel_loop3A_268 = tpu.vector_load %arg12[%parallel_loop3A_266, %parallel_loop3A_267] {strides = array<i32>} : memref<8x1024xf32, #tpu.memory_space<vmem>>, vector<1x16xf32>,
        %parallel_loop3A_269 = vector.shape_cast %parallel_loop3A_268 : vector<1x16xf32> to vector<16xf32>
        %parallel_loop3A_270 = vector.shape_cast %parallel_loop3A_264 : vector<16xf32> to vector<1x16xf32>
        tpu.vector_store %arg12[%parallel_loop3A_266, %parallel_loop3A_267], %parallel_loop3A_270 {strides = array<i32>} : memref<8x1024xf32, #tpu.memory_space<vmem>>, vector<1x16xf32>,
        %parallel_loop3A_271 = arith.constant 2 : i32
        %parallel_loop3A_272 = arith.index_cast %parallel_loop3A_271 : i32 to index
        %parallel_loop3A_273 = arith.index_cast %parallel_loop3A_236 : i32 to index
        %parallel_loop3A_274 = tpu.vector_load %arg8[%parallel_loop3A_272, %parallel_loop3A_273] {strides = array<i32>} : memref<8x1024xf32, #tpu.memory_space<vmem>>, vector<1x16xf32>,
        %parallel_loop3A_275 = vector.shape_cast %parallel_loop3A_274 : vector<1x16xf32> to vector<16xf32>
        %parallel_loop3A_276 = arith.constant 2 : i32
        %parallel_loop3A_277 = arith.index_cast %parallel_loop3A_276 : i32 to index
        %parallel_loop3A_278 = arith.index_cast %parallel_loop3A_236 : i32 to index
        %parallel_loop3A_279 = tpu.vector_load %arg7[%parallel_loop3A_277, %parallel_loop3A_278] {strides = array<i32>} : memref<32x1024xf32, #tpu.memory_space<vmem>>, vector<1x16xf32>,
        %parallel_loop3A_280 = vector.shape_cast %parallel_loop3A_279 : vector<1x16xf32> to vector<16xf32>
        %parallel_loop3A_281 = arith.addf %parallel_loop3A_275, %parallel_loop3A_280 : vector<16xf32>
        %parallel_loop3A_282 = arith.constant 2 : i32
        %parallel_loop3A_283 = arith.index_cast %parallel_loop3A_282 : i32 to index
        %parallel_loop3A_284 = arith.index_cast %parallel_loop3A_236 : i32 to index
        %parallel_loop3A_285 = tpu.vector_load %arg12[%parallel_loop3A_283, %parallel_loop3A_284] {strides = array<i32>} : memref<8x1024xf32, #tpu.memory_space<vmem>>, vector<1x16xf32>,
        %parallel_loop3A_286 = vector.shape_cast %parallel_loop3A_285 : vector<1x16xf32> to vector<16xf32>
        %parallel_loop3A_287 = vector.shape_cast %parallel_loop3A_281 : vector<16xf32> to vector<1x16xf32>
        tpu.vector_store %arg12[%parallel_loop3A_283, %parallel_loop3A_284], %parallel_loop3A_287 {strides = array<i32>} : memref<8x1024xf32, #tpu.memory_space<vmem>>, vector<1x16xf32>,
        %parallel_loop3A_288 = arith.constant 3 : i32
        %parallel_loop3A_289 = arith.index_cast %parallel_loop3A_288 : i32 to index
        %parallel_loop3A_290 = arith.index_cast %parallel_loop3A_236 : i32 to index
        %parallel_loop3A_291 = tpu.vector_load %arg8[%parallel_loop3A_289, %parallel_loop3A_290] {strides = array<i32>} : memref<8x1024xf32, #tpu.memory_space<vmem>>, vector<1x16xf32>,
        %parallel_loop3A_292 = vector.shape_cast %parallel_loop3A_291 : vector<1x16xf32> to vector<16xf32>
        %parallel_loop3A_293 = arith.constant 3 : i32
        %parallel_loop3A_294 = arith.index_cast %parallel_loop3A_293 : i32 to index
        %parallel_loop3A_295 = arith.index_cast %parallel_loop3A_236 : i32 to index
        %parallel_loop3A_296 = tpu.vector_load %arg7[%parallel_loop3A_294, %parallel_loop3A_295] {strides = array<i32>} : memref<32x1024xf32, #tpu.memory_space<vmem>>, vector<1x16xf32>,
        %parallel_loop3A_297 = vector.shape_cast %parallel_loop3A_296 : vector<1x16xf32> to vector<16xf32>
        %parallel_loop3A_298 = arith.addf %parallel_loop3A_292, %parallel_loop3A_297 : vector<16xf32>
        %parallel_loop3A_299 = arith.constant 3 : i32
        %parallel_loop3A_300 = arith.index_cast %parallel_loop3A_299 : i32 to index
        %parallel_loop3A_301 = arith.index_cast %parallel_loop3A_236 : i32 to index
        %parallel_loop3A_302 = tpu.vector_load %arg12[%parallel_loop3A_300, %parallel_loop3A_301] {strides = array<i32>} : memref<8x1024xf32, #tpu.memory_space<vmem>>, vector<1x16xf32>,
        %parallel_loop3A_303 = vector.shape_cast %parallel_loop3A_302 : vector<1x16xf32> to vector<16xf32>
        %parallel_loop3A_304 = vector.shape_cast %parallel_loop3A_298 : vector<16xf32> to vector<1x16xf32>
        tpu.vector_store %arg12[%parallel_loop3A_300, %parallel_loop3A_301], %parallel_loop3A_304 {strides = array<i32>} : memref<8x1024xf32, #tpu.memory_space<vmem>>, vector<1x16xf32>,
        %parallel_loop3A_305 = arith.constant 4 : i32
        %parallel_loop3A_306 = arith.index_cast %parallel_loop3A_305 : i32 to index
        %parallel_loop3A_307 = arith.index_cast %parallel_loop3A_236 : i32 to index
        %parallel_loop3A_308 = tpu.vector_load %arg8[%parallel_loop3A_306, %parallel_loop3A_307] {strides = array<i32>} : memref<8x1024xf32, #tpu.memory_space<vmem>>, vector<1x16xf32>,
        %parallel_loop3A_309 = vector.shape_cast %parallel_loop3A_308 : vector<1x16xf32> to vector<16xf32>
        %parallel_loop3A_310 = arith.constant 4 : i32
        %parallel_loop3A_311 = arith.index_cast %parallel_loop3A_310 : i32 to index
        %parallel_loop3A_312 = arith.index_cast %parallel_loop3A_236 : i32 to index
        %parallel_loop3A_313 = tpu.vector_load %arg7[%parallel_loop3A_311, %parallel_loop3A_312] {strides = array<i32>} : memref<32x1024xf32, #tpu.memory_space<vmem>>, vector<1x16xf32>,
        %parallel_loop3A_314 = vector.shape_cast %parallel_loop3A_313 : vector<1x16xf32> to vector<16xf32>
        %parallel_loop3A_315 = arith.addf %parallel_loop3A_309, %parallel_loop3A_314 : vector<16xf32>
        %parallel_loop3A_316 = arith.constant 4 : i32
        %parallel_loop3A_317 = arith.index_cast %parallel_loop3A_316 : i32 to index
        %parallel_loop3A_318 = arith.index_cast %parallel_loop3A_236 : i32 to index
        %parallel_loop3A_319 = tpu.vector_load %arg12[%parallel_loop3A_317, %parallel_loop3A_318] {strides = array<i32>} : memref<8x1024xf32, #tpu.memory_space<vmem>>, vector<1x16xf32>,
        %parallel_loop3A_320 = vector.shape_cast %parallel_loop3A_319 : vector<1x16xf32> to vector<16xf32>
        %parallel_loop3A_321 = vector.shape_cast %parallel_loop3A_315 : vector<16xf32> to vector<1x16xf32>
        tpu.vector_store %arg12[%parallel_loop3A_317, %parallel_loop3A_318], %parallel_loop3A_321 {strides = array<i32>} : memref<8x1024xf32, #tpu.memory_space<vmem>>, vector<1x16xf32>,
        %parallel_loop3A_322 = arith.constant 5 : i32
        %parallel_loop3A_323 = arith.index_cast %parallel_loop3A_322 : i32 to index
        %parallel_loop3A_324 = arith.index_cast %parallel_loop3A_236 : i32 to index
        %parallel_loop3A_325 = tpu.vector_load %arg8[%parallel_loop3A_323, %parallel_loop3A_324] {strides = array<i32>} : memref<8x1024xf32, #tpu.memory_space<vmem>>, vector<1x16xf32>,
        %parallel_loop3A_326 = vector.shape_cast %parallel_loop3A_325 : vector<1x16xf32> to vector<16xf32>
        %parallel_loop3A_327 = arith.constant 5 : i32
        %parallel_loop3A_328 = arith.index_cast %parallel_loop3A_327 : i32 to index
        %parallel_loop3A_329 = arith.index_cast %parallel_loop3A_236 : i32 to index
        %parallel_loop3A_330 = tpu.vector_load %arg7[%parallel_loop3A_328, %parallel_loop3A_329] {strides = array<i32>} : memref<32x1024xf32, #tpu.memory_space<vmem>>, vector<1x16xf32>,
        %parallel_loop3A_331 = vector.shape_cast %parallel_loop3A_330 : vector<1x16xf32> to vector<16xf32>
        %parallel_loop3A_332 = arith.addf %parallel_loop3A_326, %parallel_loop3A_331 : vector<16xf32>
        %parallel_loop3A_333 = arith.constant 5 : i32
        %parallel_loop3A_334 = arith.index_cast %parallel_loop3A_333 : i32 to index
        %parallel_loop3A_335 = arith.index_cast %parallel_loop3A_236 : i32 to index
        %parallel_loop3A_336 = tpu.vector_load %arg12[%parallel_loop3A_334, %parallel_loop3A_335] {strides = array<i32>} : memref<8x1024xf32, #tpu.memory_space<vmem>>, vector<1x16xf32>,
        %parallel_loop3A_337 = vector.shape_cast %parallel_loop3A_336 : vector<1x16xf32> to vector<16xf32>
        %parallel_loop3A_338 = vector.shape_cast %parallel_loop3A_332 : vector<16xf32> to vector<1x16xf32>
        tpu.vector_store %arg12[%parallel_loop3A_334, %parallel_loop3A_335], %parallel_loop3A_338 {strides = array<i32>} : memref<8x1024xf32, #tpu.memory_space<vmem>>, vector<1x16xf32>,
        %parallel_loop3A_339 = arith.constant 6 : i32
        %parallel_loop3A_340 = arith.index_cast %parallel_loop3A_339 : i32 to index
        %parallel_loop3A_341 = arith.index_cast %parallel_loop3A_236 : i32 to index
        %parallel_loop3A_342 = tpu.vector_load %arg8[%parallel_loop3A_340, %parallel_loop3A_341] {strides = array<i32>} : memref<8x1024xf32, #tpu.memory_space<vmem>>, vector<1x16xf32>,
        %parallel_loop3A_343 = vector.shape_cast %parallel_loop3A_342 : vector<1x16xf32> to vector<16xf32>
        %parallel_loop3A_344 = arith.constant 6 : i32
        %parallel_loop3A_345 = arith.index_cast %parallel_loop3A_344 : i32 to index
        %parallel_loop3A_346 = arith.index_cast %parallel_loop3A_236 : i32 to index
        %parallel_loop3A_347 = tpu.vector_load %arg7[%parallel_loop3A_345, %parallel_loop3A_346] {strides = array<i32>} : memref<32x1024xf32, #tpu.memory_space<vmem>>, vector<1x16xf32>,
        %parallel_loop3A_348 = vector.shape_cast %parallel_loop3A_347 : vector<1x16xf32> to vector<16xf32>
        %parallel_loop3A_349 = arith.addf %parallel_loop3A_343, %parallel_loop3A_348 : vector<16xf32>
        %parallel_loop3A_350 = arith.constant 6 : i32
        %parallel_loop3A_351 = arith.index_cast %parallel_loop3A_350 : i32 to index
        %parallel_loop3A_352 = arith.index_cast %parallel_loop3A_236 : i32 to index
        %parallel_loop3A_353 = tpu.vector_load %arg12[%parallel_loop3A_351, %parallel_loop3A_352] {strides = array<i32>} : memref<8x1024xf32, #tpu.memory_space<vmem>>, vector<1x16xf32>,
        %parallel_loop3A_354 = vector.shape_cast %parallel_loop3A_353 : vector<1x16xf32> to vector<16xf32>
        %parallel_loop3A_355 = vector.shape_cast %parallel_loop3A_349 : vector<16xf32> to vector<1x16xf32>
        tpu.vector_store %arg12[%parallel_loop3A_351, %parallel_loop3A_352], %parallel_loop3A_355 {strides = array<i32>} : memref<8x1024xf32, #tpu.memory_space<vmem>>, vector<1x16xf32>,
        %parallel_loop3A_356 = arith.constant 7 : i32
        %parallel_loop3A_357 = arith.index_cast %parallel_loop3A_356 : i32 to index
        %parallel_loop3A_358 = arith.index_cast %parallel_loop3A_236 : i32 to index
        %parallel_loop3A_359 = tpu.vector_load %arg8[%parallel_loop3A_357, %parallel_loop3A_358] {strides = array<i32>} : memref<8x1024xf32, #tpu.memory_space<vmem>>, vector<1x16xf32>,
        %parallel_loop3A_360 = vector.shape_cast %parallel_loop3A_359 : vector<1x16xf32> to vector<16xf32>
        %parallel_loop3A_361 = arith.constant 7 : i32
        %parallel_loop3A_362 = arith.index_cast %parallel_loop3A_361 : i32 to index
        %parallel_loop3A_363 = arith.index_cast %parallel_loop3A_236 : i32 to index
        %parallel_loop3A_364 = tpu.vector_load %arg7[%parallel_loop3A_362, %parallel_loop3A_363] {strides = array<i32>} : memref<32x1024xf32, #tpu.memory_space<vmem>>, vector<1x16xf32>,
        %parallel_loop3A_365 = vector.shape_cast %parallel_loop3A_364 : vector<1x16xf32> to vector<16xf32>
        %parallel_loop3A_366 = arith.addf %parallel_loop3A_360, %parallel_loop3A_365 : vector<16xf32>
        %parallel_loop3A_367 = arith.constant 7 : i32
        %parallel_loop3A_368 = arith.index_cast %parallel_loop3A_367 : i32 to index
        %parallel_loop3A_369 = arith.index_cast %parallel_loop3A_236 : i32 to index
        %parallel_loop3A_370 = tpu.vector_load %arg12[%parallel_loop3A_368, %parallel_loop3A_369] {strides = array<i32>} : memref<8x1024xf32, #tpu.memory_space<vmem>>, vector<1x16xf32>,
        %parallel_loop3A_371 = vector.shape_cast %parallel_loop3A_370 : vector<1x16xf32> to vector<16xf32>
        %parallel_loop3A_372 = vector.shape_cast %parallel_loop3A_366 : vector<16xf32> to vector<1x16xf32>
        tpu.vector_store %arg12[%parallel_loop3A_368, %parallel_loop3A_369], %parallel_loop3A_372 {strides = array<i32>} : memref<8x1024xf32, #tpu.memory_space<vmem>>, vector<1x16xf32>,
      } {sc.loop_unroll_factor = 2 : i64, sc.parallel_access}
      %add3A_129 = arith.constant 1 : i32
      %add3A_130 = arith.addi %scan3A_117, %add3A_129 : i32
      %lt3A_131 = arith.constant 32 : i32
      %lt3A_132 = arith.cmpi slt, %add3A_130, %lt3A_131 : i32
      %convert_element_type3A_133 = arith.extui %lt3A_132 : i1 to i32
      %cond3A_134 = arith.constant 0 : i32
      %cond3A_135 = arith.cmpi ne, %convert_element_type3A_133, %cond3A_134 : i32
      scf.if %cond3A_135 {
        %add3A_234 = arith.constant 1 : i32
        %add3A_235 = arith.addi %scan3A_117, %add3A_234 : i32
        %add3A_236 = arith.constant 0 : i32
        %add3A_237 = arith.addi %mul3A_37, %add3A_236 : i32
        %dma_start3A_238 = tpu.memref_slice %arg6[%add3A_235, %add3A_237] : memref<32x128xi32, #tpu.memory_space<vmem>> -> memref<1x8xi32, #tpu.memory_space<vmem>>
        %dma_start3A_239 = tpu.memref_squeeze %dma_start3A_238 : memref<1x8xi32, #tpu.memory_space<vmem>> -> memref<8xi32, #tpu.memory_space<vmem>>
        %dma_start3A_240 = arith.constant 0 : i32
        %dma_start3A_241 = arith.constant 0 : i32
        %dma_start3A_242 = tpu.memref_slice %arg3[%dma_start3A_240, %dma_start3A_241] : memref<2048x1024xf32, #tpu.memory_space<hbm>> -> memref<2048x1024xf32, #tpu.memory_space<hbm>>
        tpu.enqueue_indirect_dma source(%dma_start3A_242 : memref<2048x1024xf32, #tpu.memory_space<hbm>>) target(%arg8 : memref<8x1024xf32, #tpu.memory_space<vmem>>) offsets(%dma_start3A_239 : memref<8xi32, #tpu.memory_space<vmem>>) semaphore(%arg16 : memref<!tpu.dma_semaphore, #tpu.memory_space<semaphore_mem>>)
      } else {
      }
      %add3A_136 = arith.constant 0 : i32
      %add3A_137 = arith.addi %multiple_of3A, %add3A_136 : i32
      %dma_start3A_138 = arith.constant 0 : i32
      %dma_start3A_139 = tpu.memref_slice %arg5[%scan3A_117, %add3A_137, %dma_start3A_138] : memref<32x1024x1024xf32, #tpu.memory_space<hbm>> -> memref<1x8x1024xf32, #tpu.memory_space<hbm>>
      %dma_start3A_140 = tpu.memref_squeeze %dma_start3A_139 : memref<1x8x1024xf32, #tpu.memory_space<hbm>> -> memref<8x1024xf32, #tpu.memory_space<hbm>>
      %dma_start3A_141 = arith.constant 0 : i32
      %dma_start3A_142 = tpu.memref_slice %arg5[%scan3A_117, %add3A_137, %dma_start3A_141] : memref<32x1024x1024xf32, #tpu.memory_space<hbm>> -> memref<1x8x1024xf32, #tpu.memory_space<hbm>>
      %dma_start3A_143 = tpu.memref_squeeze %dma_start3A_142 : memref<1x8x1024xf32, #tpu.memory_space<hbm>> -> memref<8x1024xf32, #tpu.memory_space<hbm>>
      tpu.enqueue_dma source(%arg12 : memref<8x1024xf32, #tpu.memory_space<vmem>>) target(%dma_start3A_143 : memref<8x1024xf32, #tpu.memory_space<hbm>>) target_semaphore(%arg20 : memref<!tpu.dma_semaphore, #tpu.memory_space<semaphore_mem>>)
      %add3A_144 = arith.constant 8 : i32
      %add3A_145 = arith.addi %mul3A_37, %add3A_144 : i32
      %dma_wait3A_146 = tpu.memref_slice %arg6[%scan3A_117, %add3A_145] : memref<32x128xi32, #tpu.memory_space<vmem>> -> memref<1x8xi32, #tpu.memory_space<vmem>>
      %dma_wait3A_147 = tpu.memref_squeeze %dma_wait3A_146 : memref<1x8xi32, #tpu.memory_space<vmem>> -> memref<8xi32, #tpu.memory_space<vmem>>
      %dma_wait3A_148 = arith.constant 0 : i32
      %dma_wait3A_149 = arith.constant 0 : i32
      %dma_wait3A_150 = tpu.memref_slice %arg3[%dma_wait3A_148, %dma_wait3A_149] : memref<2048x1024xf32, #tpu.memory_space<hbm>> -> memref<2048x1024xf32, #tpu.memory_space<hbm>>
      tpu.wait_indirect_dma semaphore(%arg17 : memref<!tpu.dma_semaphore, #tpu.memory_space<semaphore_mem>>) src(%dma_wait3A_150 : memref<2048x1024xf32, #tpu.memory_space<hbm>>) dst(%arg9 : memref<8x1024xf32, #tpu.memory_space<vmem>>)
      %gt3A_151 = arith.constant 0 : i32
      %gt3A_152 = arith.cmpi sgt, %scan3A_117, %gt3A_151 : i32
      %convert_element_type3A_153 = arith.extui %gt3A_152 : i1 to i32
      %cond3A_154 = arith.constant 0 : i32
      %cond3A_155 = arith.cmpi ne, %convert_element_type3A_153, %cond3A_154 : i32
      scf.if %cond3A_155 {
        %add3A_234 = arith.constant 8 : i32
        %add3A_235 = arith.addi %multiple_of3A, %add3A_234 : i32
        %dma_wait3A_236 = arith.constant 0 : i32
        %dma_wait3A_237 = tpu.memref_slice %arg5[%scan3A_117, %add3A_235, %dma_wait3A_236] : memref<32x1024x1024xf32, #tpu.memory_space<hbm>> -> memref<1x8x1024xf32, #tpu.memory_space<hbm>>
        %dma_wait3A_238 = tpu.memref_squeeze %dma_wait3A_237 : memref<1x8x1024xf32, #tpu.memory_space<hbm>> -> memref<8x1024xf32, #tpu.memory_space<hbm>>
        %dma_wait3A_239 = arith.constant 0 : i32
        %dma_wait3A_240 = tpu.memref_slice %arg5[%scan3A_117, %add3A_235, %dma_wait3A_239] : memref<32x1024x1024xf32, #tpu.memory_space<hbm>> -> memref<1x8x1024xf32, #tpu.memory_space<hbm>>
        %dma_wait3A_241 = tpu.memref_squeeze %dma_wait3A_240 : memref<1x8x1024xf32, #tpu.memory_space<hbm>> -> memref<8x1024xf32, #tpu.memory_space<hbm>>
        tpu.wait_dma2 semaphore(%arg21 : memref<!tpu.dma_semaphore, #tpu.memory_space<semaphore_mem>>) src(%arg13 : memref<8x1024xf32, #tpu.memory_space<vmem>>) dst(%dma_wait3A_241 : memref<8x1024xf32, #tpu.memory_space<hbm>>)
      } else {
      }
      %parallel_loop3A_156 = arith.constant 0 : i32
      %parallel_loop3A_157 = arith.constant 64 : i32
      %parallel_loop3A_158 = arith.constant 1 : i32
      scf.for %parallel_loop3A_234 = %parallel_loop3A_156 to %parallel_loop3A_157 step %parallel_loop3A_158  : i32 {
        %parallel_loop3A_235 = arith.constant 16 : i32
        %parallel_loop3A_236 = arith.muli %parallel_loop3A_234, %parallel_loop3A_235 : i32
        %parallel_loop3A_237 = arith.constant 0 : i32
        %parallel_loop3A_238 = arith.index_cast %parallel_loop3A_237 : i32 to index
        %parallel_loop3A_239 = arith.index_cast %parallel_loop3A_236 : i32 to index
        %parallel_loop3A_240 = tpu.vector_load %arg9[%parallel_loop3A_238, %parallel_loop3A_239] {strides = array<i32>} : memref<8x1024xf32, #tpu.memory_space<vmem>>, vector<1x16xf32>,
        %parallel_loop3A_241 = vector.shape_cast %parallel_loop3A_240 : vector<1x16xf32> to vector<16xf32>
        %parallel_loop3A_242 = arith.constant 8 : i32
        %parallel_loop3A_243 = arith.index_cast %parallel_loop3A_242 : i32 to index
        %parallel_loop3A_244 = arith.index_cast %parallel_loop3A_236 : i32 to index
        %parallel_loop3A_245 = tpu.vector_load %arg7[%parallel_loop3A_243, %parallel_loop3A_244] {strides = array<i32>} : memref<32x1024xf32, #tpu.memory_space<vmem>>, vector<1x16xf32>,
        %parallel_loop3A_246 = vector.shape_cast %parallel_loop3A_245 : vector<1x16xf32> to vector<16xf32>
        %parallel_loop3A_247 = arith.addf %parallel_loop3A_241, %parallel_loop3A_246 : vector<16xf32>
        %parallel_loop3A_248 = arith.constant 0 : i32
        %parallel_loop3A_249 = arith.index_cast %parallel_loop3A_248 : i32 to index
        %parallel_loop3A_250 = arith.index_cast %parallel_loop3A_236 : i32 to index
        %parallel_loop3A_251 = tpu.vector_load %arg13[%parallel_loop3A_249, %parallel_loop3A_250] {strides = array<i32>} : memref<8x1024xf32, #tpu.memory_space<vmem>>, vector<1x16xf32>,
        %parallel_loop3A_252 = vector.shape_cast %parallel_loop3A_251 : vector<1x16xf32> to vector<16xf32>
        %parallel_loop3A_253 = vector.shape_cast %parallel_loop3A_247 : vector<16xf32> to vector<1x16xf32>
        tpu.vector_store %arg13[%parallel_loop3A_249, %parallel_loop3A_250], %parallel_loop3A_253 {strides = array<i32>} : memref<8x1024xf32, #tpu.memory_space<vmem>>, vector<1x16xf32>,
        %parallel_loop3A_254 = arith.constant 1 : i32
        %parallel_loop3A_255 = arith.index_cast %parallel_loop3A_254 : i32 to index
        %parallel_loop3A_256 = arith.index_cast %parallel_loop3A_236 : i32 to index
        %parallel_loop3A_257 = tpu.vector_load %arg9[%parallel_loop3A_255, %parallel_loop3A_256] {strides = array<i32>} : memref<8x1024xf32, #tpu.memory_space<vmem>>, vector<1x16xf32>,
        %parallel_loop3A_258 = vector.shape_cast %parallel_loop3A_257 : vector<1x16xf32> to vector<16xf32>
        %parallel_loop3A_259 = arith.constant 9 : i32
        %parallel_loop3A_260 = arith.index_cast %parallel_loop3A_259 : i32 to index
        %parallel_loop3A_261 = arith.index_cast %parallel_loop3A_236 : i32 to index
        %parallel_loop3A_262 = tpu.vector_load %arg7[%parallel_loop3A_260, %parallel_loop3A_261] {strides = array<i32>} : memref<32x1024xf32, #tpu.memory_space<vmem>>, vector<1x16xf32>,
        %parallel_loop3A_263 = vector.shape_cast %parallel_loop3A_262 : vector<1x16xf32> to vector<16xf32>
        %parallel_loop3A_264 = arith.addf %parallel_loop3A_258, %parallel_loop3A_263 : vector<16xf32>
        %parallel_loop3A_265 = arith.constant 1 : i32
        %parallel_loop3A_266 = arith.index_cast %parallel_loop3A_265 : i32 to index
        %parallel_loop3A_267 = arith.index_cast %parallel_loop3A_236 : i32 to index
        %parallel_loop3A_268 = tpu.vector_load %arg13[%parallel_loop3A_266, %parallel_loop3A_267] {strides = array<i32>} : memref<8x1024xf32, #tpu.memory_space<vmem>>, vector<1x16xf32>,
        %parallel_loop3A_269 = vector.shape_cast %parallel_loop3A_268 : vector<1x16xf32> to vector<16xf32>
        %parallel_loop3A_270 = vector.shape_cast %parallel_loop3A_264 : vector<16xf32> to vector<1x16xf32>
        tpu.vector_store %arg13[%parallel_loop3A_266, %parallel_loop3A_267], %parallel_loop3A_270 {strides = array<i32>} : memref<8x1024xf32, #tpu.memory_space<vmem>>, vector<1x16xf32>,
        %parallel_loop3A_271 = arith.constant 2 : i32
        %parallel_loop3A_272 = arith.index_cast %parallel_loop3A_271 : i32 to index
        %parallel_loop3A_273 = arith.index_cast %parallel_loop3A_236 : i32 to index
        %parallel_loop3A_274 = tpu.vector_load %arg9[%parallel_loop3A_272, %parallel_loop3A_273] {strides = array<i32>} : memref<8x1024xf32, #tpu.memory_space<vmem>>, vector<1x16xf32>,
        %parallel_loop3A_275 = vector.shape_cast %parallel_loop3A_274 : vector<1x16xf32> to vector<16xf32>
        %parallel_loop3A_276 = arith.constant 10 : i32
        %parallel_loop3A_277 = arith.index_cast %parallel_loop3A_276 : i32 to index
        %parallel_loop3A_278 = arith.index_cast %parallel_loop3A_236 : i32 to index
        %parallel_loop3A_279 = tpu.vector_load %arg7[%parallel_loop3A_277, %parallel_loop3A_278] {strides = array<i32>} : memref<32x1024xf32, #tpu.memory_space<vmem>>, vector<1x16xf32>,
        %parallel_loop3A_280 = vector.shape_cast %parallel_loop3A_279 : vector<1x16xf32> to vector<16xf32>
        %parallel_loop3A_281 = arith.addf %parallel_loop3A_275, %parallel_loop3A_280 : vector<16xf32>
        %parallel_loop3A_282 = arith.constant 2 : i32
        %parallel_loop3A_283 = arith.index_cast %parallel_loop3A_282 : i32 to index
        %parallel_loop3A_284 = arith.index_cast %parallel_loop3A_236 : i32 to index
        %parallel_loop3A_285 = tpu.vector_load %arg13[%parallel_loop3A_283, %parallel_loop3A_284] {strides = array<i32>} : memref<8x1024xf32, #tpu.memory_space<vmem>>, vector<1x16xf32>,
        %parallel_loop3A_286 = vector.shape_cast %parallel_loop3A_285 : vector<1x16xf32> to vector<16xf32>
        %parallel_loop3A_287 = vector.shape_cast %parallel_loop3A_281 : vector<16xf32> to vector<1x16xf32>
        tpu.vector_store %arg13[%parallel_loop3A_283, %parallel_loop3A_284], %parallel_loop3A_287 {strides = array<i32>} : memref<8x1024xf32, #tpu.memory_space<vmem>>, vector<1x16xf32>,
        %parallel_loop3A_288 = arith.constant 3 : i32
        %parallel_loop3A_289 = arith.index_cast %parallel_loop3A_288 : i32 to index
        %parallel_loop3A_290 = arith.index_cast %parallel_loop3A_236 : i32 to index
        %parallel_loop3A_291 = tpu.vector_load %arg9[%parallel_loop3A_289, %parallel_loop3A_290] {strides = array<i32>} : memref<8x1024xf32, #tpu.memory_space<vmem>>, vector<1x16xf32>,
        %parallel_loop3A_292 = vector.shape_cast %parallel_loop3A_291 : vector<1x16xf32> to vector<16xf32>
        %parallel_loop3A_293 = arith.constant 11 : i32
        %parallel_loop3A_294 = arith.index_cast %parallel_loop3A_293 : i32 to index
        %parallel_loop3A_295 = arith.index_cast %parallel_loop3A_236 : i32 to index
        %parallel_loop3A_296 = tpu.vector_load %arg7[%parallel_loop3A_294, %parallel_loop3A_295] {strides = array<i32>} : memref<32x1024xf32, #tpu.memory_space<vmem>>, vector<1x16xf32>,
        %parallel_loop3A_297 = vector.shape_cast %parallel_loop3A_296 : vector<1x16xf32> to vector<16xf32>
        %parallel_loop3A_298 = arith.addf %parallel_loop3A_292, %parallel_loop3A_297 : vector<16xf32>
        %parallel_loop3A_299 = arith.constant 3 : i32
        %parallel_loop3A_300 = arith.index_cast %parallel_loop3A_299 : i32 to index
        %parallel_loop3A_301 = arith.index_cast %parallel_loop3A_236 : i32 to index
        %parallel_loop3A_302 = tpu.vector_load %arg13[%parallel_loop3A_300, %parallel_loop3A_301] {strides = array<i32>} : memref<8x1024xf32, #tpu.memory_space<vmem>>, vector<1x16xf32>,
        %parallel_loop3A_303 = vector.shape_cast %parallel_loop3A_302 : vector<1x16xf32> to vector<16xf32>
        %parallel_loop3A_304 = vector.shape_cast %parallel_loop3A_298 : vector<16xf32> to vector<1x16xf32>
        tpu.vector_store %arg13[%parallel_loop3A_300, %parallel_loop3A_301], %parallel_loop3A_304 {strides = array<i32>} : memref<8x1024xf32, #tpu.memory_space<vmem>>, vector<1x16xf32>,
        %parallel_loop3A_305 = arith.constant 4 : i32
        %parallel_loop3A_306 = arith.index_cast %parallel_loop3A_305 : i32 to index
        %parallel_loop3A_307 = arith.index_cast %parallel_loop3A_236 : i32 to index
        %parallel_loop3A_308 = tpu.vector_load %arg9[%parallel_loop3A_306, %parallel_loop3A_307] {strides = array<i32>} : memref<8x1024xf32, #tpu.memory_space<vmem>>, vector<1x16xf32>,
        %parallel_loop3A_309 = vector.shape_cast %parallel_loop3A_308 : vector<1x16xf32> to vector<16xf32>
        %parallel_loop3A_310 = arith.constant 12 : i32
        %parallel_loop3A_311 = arith.index_cast %parallel_loop3A_310 : i32 to index
        %parallel_loop3A_312 = arith.index_cast %parallel_loop3A_236 : i32 to index
        %parallel_loop3A_313 = tpu.vector_load %arg7[%parallel_loop3A_311, %parallel_loop3A_312] {strides = array<i32>} : memref<32x1024xf32, #tpu.memory_space<vmem>>, vector<1x16xf32>,
        %parallel_loop3A_314 = vector.shape_cast %parallel_loop3A_313 : vector<1x16xf32> to vector<16xf32>
        %parallel_loop3A_315 = arith.addf %parallel_loop3A_309, %parallel_loop3A_314 : vector<16xf32>
        %parallel_loop3A_316 = arith.constant 4 : i32
        %parallel_loop3A_317 = arith.index_cast %parallel_loop3A_316 : i32 to index
        %parallel_loop3A_318 = arith.index_cast %parallel_loop3A_236 : i32 to index
        %parallel_loop3A_319 = tpu.vector_load %arg13[%parallel_loop3A_317, %parallel_loop3A_318] {strides = array<i32>} : memref<8x1024xf32, #tpu.memory_space<vmem>>, vector<1x16xf32>,
        %parallel_loop3A_320 = vector.shape_cast %parallel_loop3A_319 : vector<1x16xf32> to vector<16xf32>
        %parallel_loop3A_321 = vector.shape_cast %parallel_loop3A_315 : vector<16xf32> to vector<1x16xf32>
        tpu.vector_store %arg13[%parallel_loop3A_317, %parallel_loop3A_318], %parallel_loop3A_321 {strides = array<i32>} : memref<8x1024xf32, #tpu.memory_space<vmem>>, vector<1x16xf32>,
        %parallel_loop3A_322 = arith.constant 5 : i32
        %parallel_loop3A_323 = arith.index_cast %parallel_loop3A_322 : i32 to index
        %parallel_loop3A_324 = arith.index_cast %parallel_loop3A_236 : i32 to index
        %parallel_loop3A_325 = tpu.vector_load %arg9[%parallel_loop3A_323, %parallel_loop3A_324] {strides = array<i32>} : memref<8x1024xf32, #tpu.memory_space<vmem>>, vector<1x16xf32>,
        %parallel_loop3A_326 = vector.shape_cast %parallel_loop3A_325 : vector<1x16xf32> to vector<16xf32>
        %parallel_loop3A_327 = arith.constant 13 : i32
        %parallel_loop3A_328 = arith.index_cast %parallel_loop3A_327 : i32 to index
        %parallel_loop3A_329 = arith.index_cast %parallel_loop3A_236 : i32 to index
        %parallel_loop3A_330 = tpu.vector_load %arg7[%parallel_loop3A_328, %parallel_loop3A_329] {strides = array<i32>} : memref<32x1024xf32, #tpu.memory_space<vmem>>, vector<1x16xf32>,
        %parallel_loop3A_331 = vector.shape_cast %parallel_loop3A_330 : vector<1x16xf32> to vector<16xf32>
        %parallel_loop3A_332 = arith.addf %parallel_loop3A_326, %parallel_loop3A_331 : vector<16xf32>
        %parallel_loop3A_333 = arith.constant 5 : i32
        %parallel_loop3A_334 = arith.index_cast %parallel_loop3A_333 : i32 to index
        %parallel_loop3A_335 = arith.index_cast %parallel_loop3A_236 : i32 to index
        %parallel_loop3A_336 = tpu.vector_load %arg13[%parallel_loop3A_334, %parallel_loop3A_335] {strides = array<i32>} : memref<8x1024xf32, #tpu.memory_space<vmem>>, vector<1x16xf32>,
        %parallel_loop3A_337 = vector.shape_cast %parallel_loop3A_336 : vector<1x16xf32> to vector<16xf32>
        %parallel_loop3A_338 = vector.shape_cast %parallel_loop3A_332 : vector<16xf32> to vector<1x16xf32>
        tpu.vector_store %arg13[%parallel_loop3A_334, %parallel_loop3A_335], %parallel_loop3A_338 {strides = array<i32>} : memref<8x1024xf32, #tpu.memory_space<vmem>>, vector<1x16xf32>,
        %parallel_loop3A_339 = arith.constant 6 : i32
        %parallel_loop3A_340 = arith.index_cast %parallel_loop3A_339 : i32 to index
        %parallel_loop3A_341 = arith.index_cast %parallel_loop3A_236 : i32 to index
        %parallel_loop3A_342 = tpu.vector_load %arg9[%parallel_loop3A_340, %parallel_loop3A_341] {strides = array<i32>} : memref<8x1024xf32, #tpu.memory_space<vmem>>, vector<1x16xf32>,
        %parallel_loop3A_343 = vector.shape_cast %parallel_loop3A_342 : vector<1x16xf32> to vector<16xf32>
        %parallel_loop3A_344 = arith.constant 14 : i32
        %parallel_loop3A_345 = arith.index_cast %parallel_loop3A_344 : i32 to index
        %parallel_loop3A_346 = arith.index_cast %parallel_loop3A_236 : i32 to index
        %parallel_loop3A_347 = tpu.vector_load %arg7[%parallel_loop3A_345, %parallel_loop3A_346] {strides = array<i32>} : memref<32x1024xf32, #tpu.memory_space<vmem>>, vector<1x16xf32>,
        %parallel_loop3A_348 = vector.shape_cast %parallel_loop3A_347 : vector<1x16xf32> to vector<16xf32>
        %parallel_loop3A_349 = arith.addf %parallel_loop3A_343, %parallel_loop3A_348 : vector<16xf32>
        %parallel_loop3A_350 = arith.constant 6 : i32
        %parallel_loop3A_351 = arith.index_cast %parallel_loop3A_350 : i32 to index
        %parallel_loop3A_352 = arith.index_cast %parallel_loop3A_236 : i32 to index
        %parallel_loop3A_353 = tpu.vector_load %arg13[%parallel_loop3A_351, %parallel_loop3A_352] {strides = array<i32>} : memref<8x1024xf32, #tpu.memory_space<vmem>>, vector<1x16xf32>,
        %parallel_loop3A_354 = vector.shape_cast %parallel_loop3A_353 : vector<1x16xf32> to vector<16xf32>
        %parallel_loop3A_355 = vector.shape_cast %parallel_loop3A_349 : vector<16xf32> to vector<1x16xf32>
        tpu.vector_store %arg13[%parallel_loop3A_351, %parallel_loop3A_352], %parallel_loop3A_355 {strides = array<i32>} : memref<8x1024xf32, #tpu.memory_space<vmem>>, vector<1x16xf32>,
        %parallel_loop3A_356 = arith.constant 7 : i32
        %parallel_loop3A_357 = arith.index_cast %parallel_loop3A_356 : i32 to index
        %parallel_loop3A_358 = arith.index_cast %parallel_loop3A_236 : i32 to index
        %parallel_loop3A_359 = tpu.vector_load %arg9[%parallel_loop3A_357, %parallel_loop3A_358] {strides = array<i32>} : memref<8x1024xf32, #tpu.memory_space<vmem>>, vector<1x16xf32>,
        %parallel_loop3A_360 = vector.shape_cast %parallel_loop3A_359 : vector<1x16xf32> to vector<16xf32>
        %parallel_loop3A_361 = arith.constant 15 : i32
        %parallel_loop3A_362 = arith.index_cast %parallel_loop3A_361 : i32 to index
        %parallel_loop3A_363 = arith.index_cast %parallel_loop3A_236 : i32 to index
        %parallel_loop3A_364 = tpu.vector_load %arg7[%parallel_loop3A_362, %parallel_loop3A_363] {strides = array<i32>} : memref<32x1024xf32, #tpu.memory_space<vmem>>, vector<1x16xf32>,
        %parallel_loop3A_365 = vector.shape_cast %parallel_loop3A_364 : vector<1x16xf32> to vector<16xf32>
        %parallel_loop3A_366 = arith.addf %parallel_loop3A_360, %parallel_loop3A_365 : vector<16xf32>
        %parallel_loop3A_367 = arith.constant 7 : i32
        %parallel_loop3A_368 = arith.index_cast %parallel_loop3A_367 : i32 to index
        %parallel_loop3A_369 = arith.index_cast %parallel_loop3A_236 : i32 to index
        %parallel_loop3A_370 = tpu.vector_load %arg13[%parallel_loop3A_368, %parallel_loop3A_369] {strides = array<i32>} : memref<8x1024xf32, #tpu.memory_space<vmem>>, vector<1x16xf32>,
        %parallel_loop3A_371 = vector.shape_cast %parallel_loop3A_370 : vector<1x16xf32> to vector<16xf32>
        %parallel_loop3A_372 = vector.shape_cast %parallel_loop3A_366 : vector<16xf32> to vector<1x16xf32>
        tpu.vector_store %arg13[%parallel_loop3A_368, %parallel_loop3A_369], %parallel_loop3A_372 {strides = array<i32>} : memref<8x1024xf32, #tpu.memory_space<vmem>>, vector<1x16xf32>,
      } {sc.loop_unroll_factor = 2 : i64, sc.parallel_access}
      %add3A_159 = arith.constant 1 : i32
      %add3A_160 = arith.addi %scan3A_117, %add3A_159 : i32
      %lt3A_161 = arith.constant 32 : i32
      %lt3A_162 = arith.cmpi slt, %add3A_160, %lt3A_161 : i32
      %convert_element_type3A_163 = arith.extui %lt3A_162 : i1 to i32
      %cond3A_164 = arith.constant 0 : i32
      %cond3A_165 = arith.cmpi ne, %convert_element_type3A_163, %cond3A_164 : i32
      scf.if %cond3A_165 {
        %add3A_234 = arith.constant 1 : i32
        %add3A_235 = arith.addi %scan3A_117, %add3A_234 : i32
        %add3A_236 = arith.constant 8 : i32
        %add3A_237 = arith.addi %mul3A_37, %add3A_236 : i32
        %dma_start3A_238 = tpu.memref_slice %arg6[%add3A_235, %add3A_237] : memref<32x128xi32, #tpu.memory_space<vmem>> -> memref<1x8xi32, #tpu.memory_space<vmem>>
        %dma_start3A_239 = tpu.memref_squeeze %dma_start3A_238 : memref<1x8xi32, #tpu.memory_space<vmem>> -> memref<8xi32, #tpu.memory_space<vmem>>
        %dma_start3A_240 = arith.constant 0 : i32
        %dma_start3A_241 = arith.constant 0 : i32
        %dma_start3A_242 = tpu.memref_slice %arg3[%dma_start3A_240, %dma_start3A_241] : memref<2048x1024xf32, #tpu.memory_space<hbm>> -> memref<2048x1024xf32, #tpu.memory_space<hbm>>
        tpu.enqueue_indirect_dma source(%dma_start3A_242 : memref<2048x1024xf32, #tpu.memory_space<hbm>>) target(%arg9 : memref<8x1024xf32, #tpu.memory_space<vmem>>) offsets(%dma_start3A_239 : memref<8xi32, #tpu.memory_space<vmem>>) semaphore(%arg17 : memref<!tpu.dma_semaphore, #tpu.memory_space<semaphore_mem>>)
      } else {
      }
      %add3A_166 = arith.constant 8 : i32
      %add3A_167 = arith.addi %multiple_of3A, %add3A_166 : i32
      %dma_start3A_168 = arith.constant 0 : i32
      %dma_start3A_169 = tpu.memref_slice %arg5[%scan3A_117, %add3A_167, %dma_start3A_168] : memref<32x1024x1024xf32, #tpu.memory_space<hbm>> -> memref<1x8x1024xf32, #tpu.memory_space<hbm>>
      %dma_start3A_170 = tpu.memref_squeeze %dma_start3A_169 : memref<1x8x1024xf32, #tpu.memory_space<hbm>> -> memref<8x1024xf32, #tpu.memory_space<hbm>>
      %dma_start3A_171 = arith.constant 0 : i32
      %dma_start3A_172 = tpu.memref_slice %arg5[%scan3A_117, %add3A_167, %dma_start3A_171] : memref<32x1024x1024xf32, #tpu.memory_space<hbm>> -> memref<1x8x1024xf32, #tpu.memory_space<hbm>>
      %dma_start3A_173 = tpu.memref_squeeze %dma_start3A_172 : memref<1x8x1024xf32, #tpu.memory_space<hbm>> -> memref<8x1024xf32, #tpu.memory_space<hbm>>
      tpu.enqueue_dma source(%arg13 : memref<8x1024xf32, #tpu.memory_space<vmem>>) target(%dma_start3A_173 : memref<8x1024xf32, #tpu.memory_space<hbm>>) target_semaphore(%arg21 : memref<!tpu.dma_semaphore, #tpu.memory_space<semaphore_mem>>)
      %add3A_174 = arith.constant 16 : i32
      %add3A_175 = arith.addi %mul3A_37, %add3A_174 : i32
      %dma_wait3A_176 = tpu.memref_slice %arg6[%scan3A_117, %add3A_175] : memref<32x128xi32, #tpu.memory_space<vmem>> -> memref<1x8xi32, #tpu.memory_space<vmem>>
      %dma_wait3A_177 = tpu.memref_squeeze %dma_wait3A_176 : memref<1x8xi32, #tpu.memory_space<vmem>> -> memref<8xi32, #tpu.memory_space<vmem>>
      %dma_wait3A_178 = arith.constant 0 : i32
      %dma_wait3A_179 = arith.constant 0 : i32
      %dma_wait3A_180 = tpu.memref_slice %arg3[%dma_wait3A_178, %dma_wait3A_179] : memref<2048x1024xf32, #tpu.memory_space<hbm>> -> memref<2048x1024xf32, #tpu.memory_space<hbm>>
      tpu.wait_indirect_dma semaphore(%arg18 : memref<!tpu.dma_semaphore, #tpu.memory_space<semaphore_mem>>) src(%dma_wait3A_180 : memref<2048x1024xf32, #tpu.memory_space<hbm>>) dst(%arg10 : memref<8x1024xf32, #tpu.memory_space<vmem>>)
      %gt3A_181 = arith.constant 0 : i32
      %gt3A_182 = arith.cmpi sgt, %scan3A_117, %gt3A_181 : i32
      %convert_element_type3A_183 = arith.extui %gt3A_182 : i1 to i32
      %cond3A_184 = arith.constant 0 : i32
      %cond3A_185 = arith.cmpi ne, %convert_element_type3A_183, %cond3A_184 : i32
      scf.if %cond3A_185 {
        %add3A_234 = arith.constant 16 : i32
        %add3A_235 = arith.addi %multiple_of3A, %add3A_234 : i32
        %dma_wait3A_236 = arith.constant 0 : i32
        %dma_wait3A_237 = tpu.memref_slice %arg5[%scan3A_117, %add3A_235, %dma_wait3A_236] : memref<32x1024x1024xf32, #tpu.memory_space<hbm>> -> memref<1x8x1024xf32, #tpu.memory_space<hbm>>
        %dma_wait3A_238 = tpu.memref_squeeze %dma_wait3A_237 : memref<1x8x1024xf32, #tpu.memory_space<hbm>> -> memref<8x1024xf32, #tpu.memory_space<hbm>>
        %dma_wait3A_239 = arith.constant 0 : i32
        %dma_wait3A_240 = tpu.memref_slice %arg5[%scan3A_117, %add3A_235, %dma_wait3A_239] : memref<32x1024x1024xf32, #tpu.memory_space<hbm>> -> memref<1x8x1024xf32, #tpu.memory_space<hbm>>
        %dma_wait3A_241 = tpu.memref_squeeze %dma_wait3A_240 : memref<1x8x1024xf32, #tpu.memory_space<hbm>> -> memref<8x1024xf32, #tpu.memory_space<hbm>>
        tpu.wait_dma2 semaphore(%arg22 : memref<!tpu.dma_semaphore, #tpu.memory_space<semaphore_mem>>) src(%arg14 : memref<8x1024xf32, #tpu.memory_space<vmem>>) dst(%dma_wait3A_241 : memref<8x1024xf32, #tpu.memory_space<hbm>>)
      } else {
      }
      %parallel_loop3A_186 = arith.constant 0 : i32
      %parallel_loop3A_187 = arith.constant 64 : i32
      %parallel_loop3A_188 = arith.constant 1 : i32
      scf.for %parallel_loop3A_234 = %parallel_loop3A_186 to %parallel_loop3A_187 step %parallel_loop3A_188  : i32 {
        %parallel_loop3A_235 = arith.constant 16 : i32
        %parallel_loop3A_236 = arith.muli %parallel_loop3A_234, %parallel_loop3A_235 : i32
        %parallel_loop3A_237 = arith.constant 0 : i32
        %parallel_loop3A_238 = arith.index_cast %parallel_loop3A_237 : i32 to index
        %parallel_loop3A_239 = arith.index_cast %parallel_loop3A_236 : i32 to index
        %parallel_loop3A_240 = tpu.vector_load %arg10[%parallel_loop3A_238, %parallel_loop3A_239] {strides = array<i32>} : memref<8x1024xf32, #tpu.memory_space<vmem>>, vector<1x16xf32>,
        %parallel_loop3A_241 = vector.shape_cast %parallel_loop3A_240 : vector<1x16xf32> to vector<16xf32>
        %parallel_loop3A_242 = arith.constant 16 : i32
        %parallel_loop3A_243 = arith.index_cast %parallel_loop3A_242 : i32 to index
        %parallel_loop3A_244 = arith.index_cast %parallel_loop3A_236 : i32 to index
        %parallel_loop3A_245 = tpu.vector_load %arg7[%parallel_loop3A_243, %parallel_loop3A_244] {strides = array<i32>} : memref<32x1024xf32, #tpu.memory_space<vmem>>, vector<1x16xf32>,
        %parallel_loop3A_246 = vector.shape_cast %parallel_loop3A_245 : vector<1x16xf32> to vector<16xf32>
        %parallel_loop3A_247 = arith.addf %parallel_loop3A_241, %parallel_loop3A_246 : vector<16xf32>
        %parallel_loop3A_248 = arith.constant 0 : i32
        %parallel_loop3A_249 = arith.index_cast %parallel_loop3A_248 : i32 to index
        %parallel_loop3A_250 = arith.index_cast %parallel_loop3A_236 : i32 to index
        %parallel_loop3A_251 = tpu.vector_load %arg14[%parallel_loop3A_249, %parallel_loop3A_250] {strides = array<i32>} : memref<8x1024xf32, #tpu.memory_space<vmem>>, vector<1x16xf32>,
        %parallel_loop3A_252 = vector.shape_cast %parallel_loop3A_251 : vector<1x16xf32> to vector<16xf32>
        %parallel_loop3A_253 = vector.shape_cast %parallel_loop3A_247 : vector<16xf32> to vector<1x16xf32>
        tpu.vector_store %arg14[%parallel_loop3A_249, %parallel_loop3A_250], %parallel_loop3A_253 {strides = array<i32>} : memref<8x1024xf32, #tpu.memory_space<vmem>>, vector<1x16xf32>,
        %parallel_loop3A_254 = arith.constant 1 : i32
        %parallel_loop3A_255 = arith.index_cast %parallel_loop3A_254 : i32 to index
        %parallel_loop3A_256 = arith.index_cast %parallel_loop3A_236 : i32 to index
        %parallel_loop3A_257 = tpu.vector_load %arg10[%parallel_loop3A_255, %parallel_loop3A_256] {strides = array<i32>} : memref<8x1024xf32, #tpu.memory_space<vmem>>, vector<1x16xf32>,
        %parallel_loop3A_258 = vector.shape_cast %parallel_loop3A_257 : vector<1x16xf32> to vector<16xf32>
        %parallel_loop3A_259 = arith.constant 17 : i32
        %parallel_loop3A_260 = arith.index_cast %parallel_loop3A_259 : i32 to index
        %parallel_loop3A_261 = arith.index_cast %parallel_loop3A_236 : i32 to index
        %parallel_loop3A_262 = tpu.vector_load %arg7[%parallel_loop3A_260, %parallel_loop3A_261] {strides = array<i32>} : memref<32x1024xf32, #tpu.memory_space<vmem>>, vector<1x16xf32>,
        %parallel_loop3A_263 = vector.shape_cast %parallel_loop3A_262 : vector<1x16xf32> to vector<16xf32>
        %parallel_loop3A_264 = arith.addf %parallel_loop3A_258, %parallel_loop3A_263 : vector<16xf32>
        %parallel_loop3A_265 = arith.constant 1 : i32
        %parallel_loop3A_266 = arith.index_cast %parallel_loop3A_265 : i32 to index
        %parallel_loop3A_267 = arith.index_cast %parallel_loop3A_236 : i32 to index
        %parallel_loop3A_268 = tpu.vector_load %arg14[%parallel_loop3A_266, %parallel_loop3A_267] {strides = array<i32>} : memref<8x1024xf32, #tpu.memory_space<vmem>>, vector<1x16xf32>,
        %parallel_loop3A_269 = vector.shape_cast %parallel_loop3A_268 : vector<1x16xf32> to vector<16xf32>
        %parallel_loop3A_270 = vector.shape_cast %parallel_loop3A_264 : vector<16xf32> to vector<1x16xf32>
        tpu.vector_store %arg14[%parallel_loop3A_266, %parallel_loop3A_267], %parallel_loop3A_270 {strides = array<i32>} : memref<8x1024xf32, #tpu.memory_space<vmem>>, vector<1x16xf32>,
        %parallel_loop3A_271 = arith.constant 2 : i32
        %parallel_loop3A_272 = arith.index_cast %parallel_loop3A_271 : i32 to index
        %parallel_loop3A_273 = arith.index_cast %parallel_loop3A_236 : i32 to index
        %parallel_loop3A_274 = tpu.vector_load %arg10[%parallel_loop3A_272, %parallel_loop3A_273] {strides = array<i32>} : memref<8x1024xf32, #tpu.memory_space<vmem>>, vector<1x16xf32>,
        %parallel_loop3A_275 = vector.shape_cast %parallel_loop3A_274 : vector<1x16xf32> to vector<16xf32>
        %parallel_loop3A_276 = arith.constant 18 : i32
        %parallel_loop3A_277 = arith.index_cast %parallel_loop3A_276 : i32 to index
        %parallel_loop3A_278 = arith.index_cast %parallel_loop3A_236 : i32 to index
        %parallel_loop3A_279 = tpu.vector_load %arg7[%parallel_loop3A_277, %parallel_loop3A_278] {strides = array<i32>} : memref<32x1024xf32, #tpu.memory_space<vmem>>, vector<1x16xf32>,
        %parallel_loop3A_280 = vector.shape_cast %parallel_loop3A_279 : vector<1x16xf32> to vector<16xf32>
        %parallel_loop3A_281 = arith.addf %parallel_loop3A_275, %parallel_loop3A_280 : vector<16xf32>
        %parallel_loop3A_282 = arith.constant 2 : i32
        %parallel_loop3A_283 = arith.index_cast %parallel_loop3A_282 : i32 to index
        %parallel_loop3A_284 = arith.index_cast %parallel_loop3A_236 : i32 to index
        %parallel_loop3A_285 = tpu.vector_load %arg14[%parallel_loop3A_283, %parallel_loop3A_284] {strides = array<i32>} : memref<8x1024xf32, #tpu.memory_space<vmem>>, vector<1x16xf32>,
        %parallel_loop3A_286 = vector.shape_cast %parallel_loop3A_285 : vector<1x16xf32> to vector<16xf32>
        %parallel_loop3A_287 = vector.shape_cast %parallel_loop3A_281 : vector<16xf32> to vector<1x16xf32>
        tpu.vector_store %arg14[%parallel_loop3A_283, %parallel_loop3A_284], %parallel_loop3A_287 {strides = array<i32>} : memref<8x1024xf32, #tpu.memory_space<vmem>>, vector<1x16xf32>,
        %parallel_loop3A_288 = arith.constant 3 : i32
        %parallel_loop3A_289 = arith.index_cast %parallel_loop3A_288 : i32 to index
        %parallel_loop3A_290 = arith.index_cast %parallel_loop3A_236 : i32 to index
        %parallel_loop3A_291 = tpu.vector_load %arg10[%parallel_loop3A_289, %parallel_loop3A_290] {strides = array<i32>} : memref<8x1024xf32, #tpu.memory_space<vmem>>, vector<1x16xf32>,
        %parallel_loop3A_292 = vector.shape_cast %parallel_loop3A_291 : vector<1x16xf32> to vector<16xf32>
        %parallel_loop3A_293 = arith.constant 19 : i32
        %parallel_loop3A_294 = arith.index_cast %parallel_loop3A_293 : i32 to index
        %parallel_loop3A_295 = arith.index_cast %parallel_loop3A_236 : i32 to index
        %parallel_loop3A_296 = tpu.vector_load %arg7[%parallel_loop3A_294, %parallel_loop3A_295] {strides = array<i32>} : memref<32x1024xf32, #tpu.memory_space<vmem>>, vector<1x16xf32>,
        %parallel_loop3A_297 = vector.shape_cast %parallel_loop3A_296 : vector<1x16xf32> to vector<16xf32>
        %parallel_loop3A_298 = arith.addf %parallel_loop3A_292, %parallel_loop3A_297 : vector<16xf32>
        %parallel_loop3A_299 = arith.constant 3 : i32
        %parallel_loop3A_300 = arith.index_cast %parallel_loop3A_299 : i32 to index
        %parallel_loop3A_301 = arith.index_cast %parallel_loop3A_236 : i32 to index
        %parallel_loop3A_302 = tpu.vector_load %arg14[%parallel_loop3A_300, %parallel_loop3A_301] {strides = array<i32>} : memref<8x1024xf32, #tpu.memory_space<vmem>>, vector<1x16xf32>,
        %parallel_loop3A_303 = vector.shape_cast %parallel_loop3A_302 : vector<1x16xf32> to vector<16xf32>
        %parallel_loop3A_304 = vector.shape_cast %parallel_loop3A_298 : vector<16xf32> to vector<1x16xf32>
        tpu.vector_store %arg14[%parallel_loop3A_300, %parallel_loop3A_301], %parallel_loop3A_304 {strides = array<i32>} : memref<8x1024xf32, #tpu.memory_space<vmem>>, vector<1x16xf32>,
        %parallel_loop3A_305 = arith.constant 4 : i32
        %parallel_loop3A_306 = arith.index_cast %parallel_loop3A_305 : i32 to index
        %parallel_loop3A_307 = arith.index_cast %parallel_loop3A_236 : i32 to index
        %parallel_loop3A_308 = tpu.vector_load %arg10[%parallel_loop3A_306, %parallel_loop3A_307] {strides = array<i32>} : memref<8x1024xf32, #tpu.memory_space<vmem>>, vector<1x16xf32>,
        %parallel_loop3A_309 = vector.shape_cast %parallel_loop3A_308 : vector<1x16xf32> to vector<16xf32>
        %parallel_loop3A_310 = arith.constant 20 : i32
        %parallel_loop3A_311 = arith.index_cast %parallel_loop3A_310 : i32 to index
        %parallel_loop3A_312 = arith.index_cast %parallel_loop3A_236 : i32 to index
        %parallel_loop3A_313 = tpu.vector_load %arg7[%parallel_loop3A_311, %parallel_loop3A_312] {strides = array<i32>} : memref<32x1024xf32, #tpu.memory_space<vmem>>, vector<1x16xf32>,
        %parallel_loop3A_314 = vector.shape_cast %parallel_loop3A_313 : vector<1x16xf32> to vector<16xf32>
        %parallel_loop3A_315 = arith.addf %parallel_loop3A_309, %parallel_loop3A_314 : vector<16xf32>
        %parallel_loop3A_316 = arith.constant 4 : i32
        %parallel_loop3A_317 = arith.index_cast %parallel_loop3A_316 : i32 to index
        %parallel_loop3A_318 = arith.index_cast %parallel_loop3A_236 : i32 to index
        %parallel_loop3A_319 = tpu.vector_load %arg14[%parallel_loop3A_317, %parallel_loop3A_318] {strides = array<i32>} : memref<8x1024xf32, #tpu.memory_space<vmem>>, vector<1x16xf32>,
        %parallel_loop3A_320 = vector.shape_cast %parallel_loop3A_319 : vector<1x16xf32> to vector<16xf32>
        %parallel_loop3A_321 = vector.shape_cast %parallel_loop3A_315 : vector<16xf32> to vector<1x16xf32>
        tpu.vector_store %arg14[%parallel_loop3A_317, %parallel_loop3A_318], %parallel_loop3A_321 {strides = array<i32>} : memref<8x1024xf32, #tpu.memory_space<vmem>>, vector<1x16xf32>,
        %parallel_loop3A_322 = arith.constant 5 : i32
        %parallel_loop3A_323 = arith.index_cast %parallel_loop3A_322 : i32 to index
        %parallel_loop3A_324 = arith.index_cast %parallel_loop3A_236 : i32 to index
        %parallel_loop3A_325 = tpu.vector_load %arg10[%parallel_loop3A_323, %parallel_loop3A_324] {strides = array<i32>} : memref<8x1024xf32, #tpu.memory_space<vmem>>, vector<1x16xf32>,
        %parallel_loop3A_326 = vector.shape_cast %parallel_loop3A_325 : vector<1x16xf32> to vector<16xf32>
        %parallel_loop3A_327 = arith.constant 21 : i32
        %parallel_loop3A_328 = arith.index_cast %parallel_loop3A_327 : i32 to index
        %parallel_loop3A_329 = arith.index_cast %parallel_loop3A_236 : i32 to index
        %parallel_loop3A_330 = tpu.vector_load %arg7[%parallel_loop3A_328, %parallel_loop3A_329] {strides = array<i32>} : memref<32x1024xf32, #tpu.memory_space<vmem>>, vector<1x16xf32>,
        %parallel_loop3A_331 = vector.shape_cast %parallel_loop3A_330 : vector<1x16xf32> to vector<16xf32>
        %parallel_loop3A_332 = arith.addf %parallel_loop3A_326, %parallel_loop3A_331 : vector<16xf32>
        %parallel_loop3A_333 = arith.constant 5 : i32
        %parallel_loop3A_334 = arith.index_cast %parallel_loop3A_333 : i32 to index
        %parallel_loop3A_335 = arith.index_cast %parallel_loop3A_236 : i32 to index
        %parallel_loop3A_336 = tpu.vector_load %arg14[%parallel_loop3A_334, %parallel_loop3A_335] {strides = array<i32>} : memref<8x1024xf32, #tpu.memory_space<vmem>>, vector<1x16xf32>,
        %parallel_loop3A_337 = vector.shape_cast %parallel_loop3A_336 : vector<1x16xf32> to vector<16xf32>
        %parallel_loop3A_338 = vector.shape_cast %parallel_loop3A_332 : vector<16xf32> to vector<1x16xf32>
        tpu.vector_store %arg14[%parallel_loop3A_334, %parallel_loop3A_335], %parallel_loop3A_338 {strides = array<i32>} : memref<8x1024xf32, #tpu.memory_space<vmem>>, vector<1x16xf32>,
        %parallel_loop3A_339 = arith.constant 6 : i32
        %parallel_loop3A_340 = arith.index_cast %parallel_loop3A_339 : i32 to index
        %parallel_loop3A_341 = arith.index_cast %parallel_loop3A_236 : i32 to index
        %parallel_loop3A_342 = tpu.vector_load %arg10[%parallel_loop3A_340, %parallel_loop3A_341] {strides = array<i32>} : memref<8x1024xf32, #tpu.memory_space<vmem>>, vector<1x16xf32>,
        %parallel_loop3A_343 = vector.shape_cast %parallel_loop3A_342 : vector<1x16xf32> to vector<16xf32>
        %parallel_loop3A_344 = arith.constant 22 : i32
        %parallel_loop3A_345 = arith.index_cast %parallel_loop3A_344 : i32 to index
        %parallel_loop3A_346 = arith.index_cast %parallel_loop3A_236 : i32 to index
        %parallel_loop3A_347 = tpu.vector_load %arg7[%parallel_loop3A_345, %parallel_loop3A_346] {strides = array<i32>} : memref<32x1024xf32, #tpu.memory_space<vmem>>, vector<1x16xf32>,
        %parallel_loop3A_348 = vector.shape_cast %parallel_loop3A_347 : vector<1x16xf32> to vector<16xf32>
        %parallel_loop3A_349 = arith.addf %parallel_loop3A_343, %parallel_loop3A_348 : vector<16xf32>
        %parallel_loop3A_350 = arith.constant 6 : i32
        %parallel_loop3A_351 = arith.index_cast %parallel_loop3A_350 : i32 to index
        %parallel_loop3A_352 = arith.index_cast %parallel_loop3A_236 : i32 to index
        %parallel_loop3A_353 = tpu.vector_load %arg14[%parallel_loop3A_351, %parallel_loop3A_352] {strides = array<i32>} : memref<8x1024xf32, #tpu.memory_space<vmem>>, vector<1x16xf32>,
        %parallel_loop3A_354 = vector.shape_cast %parallel_loop3A_353 : vector<1x16xf32> to vector<16xf32>
        %parallel_loop3A_355 = vector.shape_cast %parallel_loop3A_349 : vector<16xf32> to vector<1x16xf32>
        tpu.vector_store %arg14[%parallel_loop3A_351, %parallel_loop3A_352], %parallel_loop3A_355 {strides = array<i32>} : memref<8x1024xf32, #tpu.memory_space<vmem>>, vector<1x16xf32>,
        %parallel_loop3A_356 = arith.constant 7 : i32
        %parallel_loop3A_357 = arith.index_cast %parallel_loop3A_356 : i32 to index
        %parallel_loop3A_358 = arith.index_cast %parallel_loop3A_236 : i32 to index
        %parallel_loop3A_359 = tpu.vector_load %arg10[%parallel_loop3A_357, %parallel_loop3A_358] {strides = array<i32>} : memref<8x1024xf32, #tpu.memory_space<vmem>>, vector<1x16xf32>,
        %parallel_loop3A_360 = vector.shape_cast %parallel_loop3A_359 : vector<1x16xf32> to vector<16xf32>
        %parallel_loop3A_361 = arith.constant 23 : i32
        %parallel_loop3A_362 = arith.index_cast %parallel_loop3A_361 : i32 to index
        %parallel_loop3A_363 = arith.index_cast %parallel_loop3A_236 : i32 to index
        %parallel_loop3A_364 = tpu.vector_load %arg7[%parallel_loop3A_362, %parallel_loop3A_363] {strides = array<i32>} : memref<32x1024xf32, #tpu.memory_space<vmem>>, vector<1x16xf32>,
        %parallel_loop3A_365 = vector.shape_cast %parallel_loop3A_364 : vector<1x16xf32> to vector<16xf32>
        %parallel_loop3A_366 = arith.addf %parallel_loop3A_360, %parallel_loop3A_365 : vector<16xf32>
        %parallel_loop3A_367 = arith.constant 7 : i32
        %parallel_loop3A_368 = arith.index_cast %parallel_loop3A_367 : i32 to index
        %parallel_loop3A_369 = arith.index_cast %parallel_loop3A_236 : i32 to index
        %parallel_loop3A_370 = tpu.vector_load %arg14[%parallel_loop3A_368, %parallel_loop3A_369] {strides = array<i32>} : memref<8x1024xf32, #tpu.memory_space<vmem>>, vector<1x16xf32>,
        %parallel_loop3A_371 = vector.shape_cast %parallel_loop3A_370 : vector<1x16xf32> to vector<16xf32>
        %parallel_loop3A_372 = vector.shape_cast %parallel_loop3A_366 : vector<16xf32> to vector<1x16xf32>
        tpu.vector_store %arg14[%parallel_loop3A_368, %parallel_loop3A_369], %parallel_loop3A_372 {strides = array<i32>} : memref<8x1024xf32, #tpu.memory_space<vmem>>, vector<1x16xf32>,
      } {sc.loop_unroll_factor = 2 : i64, sc.parallel_access}
      %add3A_189 = arith.constant 1 : i32
      %add3A_190 = arith.addi %scan3A_117, %add3A_189 : i32
      %lt3A_191 = arith.constant 32 : i32
      %lt3A_192 = arith.cmpi slt, %add3A_190, %lt3A_191 : i32
      %convert_element_type3A_193 = arith.extui %lt3A_192 : i1 to i32
      %cond3A_194 = arith.constant 0 : i32
      %cond3A_195 = arith.cmpi ne, %convert_element_type3A_193, %cond3A_194 : i32
      scf.if %cond3A_195 {
        %add3A_234 = arith.constant 1 : i32
        %add3A_235 = arith.addi %scan3A_117, %add3A_234 : i32
        %add3A_236 = arith.constant 16 : i32
        %add3A_237 = arith.addi %mul3A_37, %add3A_236 : i32
        %dma_start3A_238 = tpu.memref_slice %arg6[%add3A_235, %add3A_237] : memref<32x128xi32, #tpu.memory_space<vmem>> -> memref<1x8xi32, #tpu.memory_space<vmem>>
        %dma_start3A_239 = tpu.memref_squeeze %dma_start3A_238 : memref<1x8xi32, #tpu.memory_space<vmem>> -> memref<8xi32, #tpu.memory_space<vmem>>
        %dma_start3A_240 = arith.constant 0 : i32
        %dma_start3A_241 = arith.constant 0 : i32
        %dma_start3A_242 = tpu.memref_slice %arg3[%dma_start3A_240, %dma_start3A_241] : memref<2048x1024xf32, #tpu.memory_space<hbm>> -> memref<2048x1024xf32, #tpu.memory_space<hbm>>
        tpu.enqueue_indirect_dma source(%dma_start3A_242 : memref<2048x1024xf32, #tpu.memory_space<hbm>>) target(%arg10 : memref<8x1024xf32, #tpu.memory_space<vmem>>) offsets(%dma_start3A_239 : memref<8xi32, #tpu.memory_space<vmem>>) semaphore(%arg18 : memref<!tpu.dma_semaphore, #tpu.memory_space<semaphore_mem>>)
      } else {
      }
      %add3A_196 = arith.constant 16 : i32
      %add3A_197 = arith.addi %multiple_of3A, %add3A_196 : i32
      %dma_start3A_198 = arith.constant 0 : i32
      %dma_start3A_199 = tpu.memref_slice %arg5[%scan3A_117, %add3A_197, %dma_start3A_198] : memref<32x1024x1024xf32, #tpu.memory_space<hbm>> -> memref<1x8x1024xf32, #tpu.memory_space<hbm>>
      %dma_start3A_200 = tpu.memref_squeeze %dma_start3A_199 : memref<1x8x1024xf32, #tpu.memory_space<hbm>> -> memref<8x1024xf32, #tpu.memory_space<hbm>>
      %dma_start3A_201 = arith.constant 0 : i32
      %dma_start3A_202 = tpu.memref_slice %arg5[%scan3A_117, %add3A_197, %dma_start3A_201] : memref<32x1024x1024xf32, #tpu.memory_space<hbm>> -> memref<1x8x1024xf32, #tpu.memory_space<hbm>>
      %dma_start3A_203 = tpu.memref_squeeze %dma_start3A_202 : memref<1x8x1024xf32, #tpu.memory_space<hbm>> -> memref<8x1024xf32, #tpu.memory_space<hbm>>
      tpu.enqueue_dma source(%arg14 : memref<8x1024xf32, #tpu.memory_space<vmem>>) target(%dma_start3A_203 : memref<8x1024xf32, #tpu.memory_space<hbm>>) target_semaphore(%arg22 : memref<!tpu.dma_semaphore, #tpu.memory_space<semaphore_mem>>)
      %add3A_204 = arith.constant 24 : i32
      %add3A_205 = arith.addi %mul3A_37, %add3A_204 : i32
      %dma_wait3A_206 = tpu.memref_slice %arg6[%scan3A_117, %add3A_205] : memref<32x128xi32, #tpu.memory_space<vmem>> -> memref<1x8xi32, #tpu.memory_space<vmem>>
      %dma_wait3A_207 = tpu.memref_squeeze %dma_wait3A_206 : memref<1x8xi32, #tpu.memory_space<vmem>> -> memref<8xi32, #tpu.memory_space<vmem>>
      %dma_wait3A_208 = arith.constant 0 : i32
      %dma_wait3A_209 = arith.constant 0 : i32
      %dma_wait3A_210 = tpu.memref_slice %arg3[%dma_wait3A_208, %dma_wait3A_209] : memref<2048x1024xf32, #tpu.memory_space<hbm>> -> memref<2048x1024xf32, #tpu.memory_space<hbm>>
      tpu.wait_indirect_dma semaphore(%arg19 : memref<!tpu.dma_semaphore, #tpu.memory_space<semaphore_mem>>) src(%dma_wait3A_210 : memref<2048x1024xf32, #tpu.memory_space<hbm>>) dst(%arg11 : memref<8x1024xf32, #tpu.memory_space<vmem>>)
      %gt3A_211 = arith.constant 0 : i32
      %gt3A_212 = arith.cmpi sgt, %scan3A_117, %gt3A_211 : i32
      %convert_element_type3A_213 = arith.extui %gt3A_212 : i1 to i32
      %cond3A_214 = arith.constant 0 : i32
      %cond3A_215 = arith.cmpi ne, %convert_element_type3A_213, %cond3A_214 : i32
      scf.if %cond3A_215 {
        %add3A_234 = arith.constant 24 : i32
        %add3A_235 = arith.addi %multiple_of3A, %add3A_234 : i32
        %dma_wait3A_236 = arith.constant 0 : i32
        %dma_wait3A_237 = tpu.memref_slice %arg5[%scan3A_117, %add3A_235, %dma_wait3A_236] : memref<32x1024x1024xf32, #tpu.memory_space<hbm>> -> memref<1x8x1024xf32, #tpu.memory_space<hbm>>
        %dma_wait3A_238 = tpu.memref_squeeze %dma_wait3A_237 : memref<1x8x1024xf32, #tpu.memory_space<hbm>> -> memref<8x1024xf32, #tpu.memory_space<hbm>>
        %dma_wait3A_239 = arith.constant 0 : i32
        %dma_wait3A_240 = tpu.memref_slice %arg5[%scan3A_117, %add3A_235, %dma_wait3A_239] : memref<32x1024x1024xf32, #tpu.memory_space<hbm>> -> memref<1x8x1024xf32, #tpu.memory_space<hbm>>
        %dma_wait3A_241 = tpu.memref_squeeze %dma_wait3A_240 : memref<1x8x1024xf32, #tpu.memory_space<hbm>> -> memref<8x1024xf32, #tpu.memory_space<hbm>>
        tpu.wait_dma2 semaphore(%arg23 : memref<!tpu.dma_semaphore, #tpu.memory_space<semaphore_mem>>) src(%arg15 : memref<8x1024xf32, #tpu.memory_space<vmem>>) dst(%dma_wait3A_241 : memref<8x1024xf32, #tpu.memory_space<hbm>>)
      } else {
      }
      %parallel_loop3A_216 = arith.constant 0 : i32
      %parallel_loop3A_217 = arith.constant 64 : i32
      %parallel_loop3A_218 = arith.constant 1 : i32
      scf.for %parallel_loop3A_234 = %parallel_loop3A_216 to %parallel_loop3A_217 step %parallel_loop3A_218  : i32 {
        %parallel_loop3A_235 = arith.constant 16 : i32
        %parallel_loop3A_236 = arith.muli %parallel_loop3A_234, %parallel_loop3A_235 : i32
        %parallel_loop3A_237 = arith.constant 0 : i32
        %parallel_loop3A_238 = arith.index_cast %parallel_loop3A_237 : i32 to index
        %parallel_loop3A_239 = arith.index_cast %parallel_loop3A_236 : i32 to index
        %parallel_loop3A_240 = tpu.vector_load %arg11[%parallel_loop3A_238, %parallel_loop3A_239] {strides = array<i32>} : memref<8x1024xf32, #tpu.memory_space<vmem>>, vector<1x16xf32>,
        %parallel_loop3A_241 = vector.shape_cast %parallel_loop3A_240 : vector<1x16xf32> to vector<16xf32>
        %parallel_loop3A_242 = arith.constant 24 : i32
        %parallel_loop3A_243 = arith.index_cast %parallel_loop3A_242 : i32 to index
        %parallel_loop3A_244 = arith.index_cast %parallel_loop3A_236 : i32 to index
        %parallel_loop3A_245 = tpu.vector_load %arg7[%parallel_loop3A_243, %parallel_loop3A_244] {strides = array<i32>} : memref<32x1024xf32, #tpu.memory_space<vmem>>, vector<1x16xf32>,
        %parallel_loop3A_246 = vector.shape_cast %parallel_loop3A_245 : vector<1x16xf32> to vector<16xf32>
        %parallel_loop3A_247 = arith.addf %parallel_loop3A_241, %parallel_loop3A_246 : vector<16xf32>
        %parallel_loop3A_248 = arith.constant 0 : i32
        %parallel_loop3A_249 = arith.index_cast %parallel_loop3A_248 : i32 to index
        %parallel_loop3A_250 = arith.index_cast %parallel_loop3A_236 : i32 to index
        %parallel_loop3A_251 = tpu.vector_load %arg15[%parallel_loop3A_249, %parallel_loop3A_250] {strides = array<i32>} : memref<8x1024xf32, #tpu.memory_space<vmem>>, vector<1x16xf32>,
        %parallel_loop3A_252 = vector.shape_cast %parallel_loop3A_251 : vector<1x16xf32> to vector<16xf32>
        %parallel_loop3A_253 = vector.shape_cast %parallel_loop3A_247 : vector<16xf32> to vector<1x16xf32>
        tpu.vector_store %arg15[%parallel_loop3A_249, %parallel_loop3A_250], %parallel_loop3A_253 {strides = array<i32>} : memref<8x1024xf32, #tpu.memory_space<vmem>>, vector<1x16xf32>,
        %parallel_loop3A_254 = arith.constant 1 : i32
        %parallel_loop3A_255 = arith.index_cast %parallel_loop3A_254 : i32 to index
        %parallel_loop3A_256 = arith.index_cast %parallel_loop3A_236 : i32 to index
        %parallel_loop3A_257 = tpu.vector_load %arg11[%parallel_loop3A_255, %parallel_loop3A_256] {strides = array<i32>} : memref<8x1024xf32, #tpu.memory_space<vmem>>, vector<1x16xf32>,
        %parallel_loop3A_258 = vector.shape_cast %parallel_loop3A_257 : vector<1x16xf32> to vector<16xf32>
        %parallel_loop3A_259 = arith.constant 25 : i32
        %parallel_loop3A_260 = arith.index_cast %parallel_loop3A_259 : i32 to index
        %parallel_loop3A_261 = arith.index_cast %parallel_loop3A_236 : i32 to index
        %parallel_loop3A_262 = tpu.vector_load %arg7[%parallel_loop3A_260, %parallel_loop3A_261] {strides = array<i32>} : memref<32x1024xf32, #tpu.memory_space<vmem>>, vector<1x16xf32>,
        %parallel_loop3A_263 = vector.shape_cast %parallel_loop3A_262 : vector<1x16xf32> to vector<16xf32>
        %parallel_loop3A_264 = arith.addf %parallel_loop3A_258, %parallel_loop3A_263 : vector<16xf32>
        %parallel_loop3A_265 = arith.constant 1 : i32
        %parallel_loop3A_266 = arith.index_cast %parallel_loop3A_265 : i32 to index
        %parallel_loop3A_267 = arith.index_cast %parallel_loop3A_236 : i32 to index
        %parallel_loop3A_268 = tpu.vector_load %arg15[%parallel_loop3A_266, %parallel_loop3A_267] {strides = array<i32>} : memref<8x1024xf32, #tpu.memory_space<vmem>>, vector<1x16xf32>,
        %parallel_loop3A_269 = vector.shape_cast %parallel_loop3A_268 : vector<1x16xf32> to vector<16xf32>
        %parallel_loop3A_270 = vector.shape_cast %parallel_loop3A_264 : vector<16xf32> to vector<1x16xf32>
        tpu.vector_store %arg15[%parallel_loop3A_266, %parallel_loop3A_267], %parallel_loop3A_270 {strides = array<i32>} : memref<8x1024xf32, #tpu.memory_space<vmem>>, vector<1x16xf32>,
        %parallel_loop3A_271 = arith.constant 2 : i32
        %parallel_loop3A_272 = arith.index_cast %parallel_loop3A_271 : i32 to index
        %parallel_loop3A_273 = arith.index_cast %parallel_loop3A_236 : i32 to index
        %parallel_loop3A_274 = tpu.vector_load %arg11[%parallel_loop3A_272, %parallel_loop3A_273] {strides = array<i32>} : memref<8x1024xf32, #tpu.memory_space<vmem>>, vector<1x16xf32>,
        %parallel_loop3A_275 = vector.shape_cast %parallel_loop3A_274 : vector<1x16xf32> to vector<16xf32>
        %parallel_loop3A_276 = arith.constant 26 : i32
        %parallel_loop3A_277 = arith.index_cast %parallel_loop3A_276 : i32 to index
        %parallel_loop3A_278 = arith.index_cast %parallel_loop3A_236 : i32 to index
        %parallel_loop3A_279 = tpu.vector_load %arg7[%parallel_loop3A_277, %parallel_loop3A_278] {strides = array<i32>} : memref<32x1024xf32, #tpu.memory_space<vmem>>, vector<1x16xf32>,
        %parallel_loop3A_280 = vector.shape_cast %parallel_loop3A_279 : vector<1x16xf32> to vector<16xf32>
        %parallel_loop3A_281 = arith.addf %parallel_loop3A_275, %parallel_loop3A_280 : vector<16xf32>
        %parallel_loop3A_282 = arith.constant 2 : i32
        %parallel_loop3A_283 = arith.index_cast %parallel_loop3A_282 : i32 to index
        %parallel_loop3A_284 = arith.index_cast %parallel_loop3A_236 : i32 to index
        %parallel_loop3A_285 = tpu.vector_load %arg15[%parallel_loop3A_283, %parallel_loop3A_284] {strides = array<i32>} : memref<8x1024xf32, #tpu.memory_space<vmem>>, vector<1x16xf32>,
        %parallel_loop3A_286 = vector.shape_cast %parallel_loop3A_285 : vector<1x16xf32> to vector<16xf32>
        %parallel_loop3A_287 = vector.shape_cast %parallel_loop3A_281 : vector<16xf32> to vector<1x16xf32>
        tpu.vector_store %arg15[%parallel_loop3A_283, %parallel_loop3A_284], %parallel_loop3A_287 {strides = array<i32>} : memref<8x1024xf32, #tpu.memory_space<vmem>>, vector<1x16xf32>,
        %parallel_loop3A_288 = arith.constant 3 : i32
        %parallel_loop3A_289 = arith.index_cast %parallel_loop3A_288 : i32 to index
        %parallel_loop3A_290 = arith.index_cast %parallel_loop3A_236 : i32 to index
        %parallel_loop3A_291 = tpu.vector_load %arg11[%parallel_loop3A_289, %parallel_loop3A_290] {strides = array<i32>} : memref<8x1024xf32, #tpu.memory_space<vmem>>, vector<1x16xf32>,
        %parallel_loop3A_292 = vector.shape_cast %parallel_loop3A_291 : vector<1x16xf32> to vector<16xf32>
        %parallel_loop3A_293 = arith.constant 27 : i32
        %parallel_loop3A_294 = arith.index_cast %parallel_loop3A_293 : i32 to index
        %parallel_loop3A_295 = arith.index_cast %parallel_loop3A_236 : i32 to index
        %parallel_loop3A_296 = tpu.vector_load %arg7[%parallel_loop3A_294, %parallel_loop3A_295] {strides = array<i32>} : memref<32x1024xf32, #tpu.memory_space<vmem>>, vector<1x16xf32>,
        %parallel_loop3A_297 = vector.shape_cast %parallel_loop3A_296 : vector<1x16xf32> to vector<16xf32>
        %parallel_loop3A_298 = arith.addf %parallel_loop3A_292, %parallel_loop3A_297 : vector<16xf32>
        %parallel_loop3A_299 = arith.constant 3 : i32
        %parallel_loop3A_300 = arith.index_cast %parallel_loop3A_299 : i32 to index
        %parallel_loop3A_301 = arith.index_cast %parallel_loop3A_236 : i32 to index
        %parallel_loop3A_302 = tpu.vector_load %arg15[%parallel_loop3A_300, %parallel_loop3A_301] {strides = array<i32>} : memref<8x1024xf32, #tpu.memory_space<vmem>>, vector<1x16xf32>,
        %parallel_loop3A_303 = vector.shape_cast %parallel_loop3A_302 : vector<1x16xf32> to vector<16xf32>
        %parallel_loop3A_304 = vector.shape_cast %parallel_loop3A_298 : vector<16xf32> to vector<1x16xf32>
        tpu.vector_store %arg15[%parallel_loop3A_300, %parallel_loop3A_301], %parallel_loop3A_304 {strides = array<i32>} : memref<8x1024xf32, #tpu.memory_space<vmem>>, vector<1x16xf32>,
        %parallel_loop3A_305 = arith.constant 4 : i32
        %parallel_loop3A_306 = arith.index_cast %parallel_loop3A_305 : i32 to index
        %parallel_loop3A_307 = arith.index_cast %parallel_loop3A_236 : i32 to index
        %parallel_loop3A_308 = tpu.vector_load %arg11[%parallel_loop3A_306, %parallel_loop3A_307] {strides = array<i32>} : memref<8x1024xf32, #tpu.memory_space<vmem>>, vector<1x16xf32>,
        %parallel_loop3A_309 = vector.shape_cast %parallel_loop3A_308 : vector<1x16xf32> to vector<16xf32>
        %parallel_loop3A_310 = arith.constant 28 : i32
        %parallel_loop3A_311 = arith.index_cast %parallel_loop3A_310 : i32 to index
        %parallel_loop3A_312 = arith.index_cast %parallel_loop3A_236 : i32 to index
        %parallel_loop3A_313 = tpu.vector_load %arg7[%parallel_loop3A_311, %parallel_loop3A_312] {strides = array<i32>} : memref<32x1024xf32, #tpu.memory_space<vmem>>, vector<1x16xf32>,
        %parallel_loop3A_314 = vector.shape_cast %parallel_loop3A_313 : vector<1x16xf32> to vector<16xf32>
        %parallel_loop3A_315 = arith.addf %parallel_loop3A_309, %parallel_loop3A_314 : vector<16xf32>
        %parallel_loop3A_316 = arith.constant 4 : i32
        %parallel_loop3A_317 = arith.index_cast %parallel_loop3A_316 : i32 to index
        %parallel_loop3A_318 = arith.index_cast %parallel_loop3A_236 : i32 to index
        %parallel_loop3A_319 = tpu.vector_load %arg15[%parallel_loop3A_317, %parallel_loop3A_318] {strides = array<i32>} : memref<8x1024xf32, #tpu.memory_space<vmem>>, vector<1x16xf32>,
        %parallel_loop3A_320 = vector.shape_cast %parallel_loop3A_319 : vector<1x16xf32> to vector<16xf32>
        %parallel_loop3A_321 = vector.shape_cast %parallel_loop3A_315 : vector<16xf32> to vector<1x16xf32>
        tpu.vector_store %arg15[%parallel_loop3A_317, %parallel_loop3A_318], %parallel_loop3A_321 {strides = array<i32>} : memref<8x1024xf32, #tpu.memory_space<vmem>>, vector<1x16xf32>,
        %parallel_loop3A_322 = arith.constant 5 : i32
        %parallel_loop3A_323 = arith.index_cast %parallel_loop3A_322 : i32 to index
        %parallel_loop3A_324 = arith.index_cast %parallel_loop3A_236 : i32 to index
        %parallel_loop3A_325 = tpu.vector_load %arg11[%parallel_loop3A_323, %parallel_loop3A_324] {strides = array<i32>} : memref<8x1024xf32, #tpu.memory_space<vmem>>, vector<1x16xf32>,
        %parallel_loop3A_326 = vector.shape_cast %parallel_loop3A_325 : vector<1x16xf32> to vector<16xf32>
        %parallel_loop3A_327 = arith.constant 29 : i32
        %parallel_loop3A_328 = arith.index_cast %parallel_loop3A_327 : i32 to index
        %parallel_loop3A_329 = arith.index_cast %parallel_loop3A_236 : i32 to index
        %parallel_loop3A_330 = tpu.vector_load %arg7[%parallel_loop3A_328, %parallel_loop3A_329] {strides = array<i32>} : memref<32x1024xf32, #tpu.memory_space<vmem>>, vector<1x16xf32>,
        %parallel_loop3A_331 = vector.shape_cast %parallel_loop3A_330 : vector<1x16xf32> to vector<16xf32>
        %parallel_loop3A_332 = arith.addf %parallel_loop3A_326, %parallel_loop3A_331 : vector<16xf32>
        %parallel_loop3A_333 = arith.constant 5 : i32
        %parallel_loop3A_334 = arith.index_cast %parallel_loop3A_333 : i32 to index
        %parallel_loop3A_335 = arith.index_cast %parallel_loop3A_236 : i32 to index
        %parallel_loop3A_336 = tpu.vector_load %arg15[%parallel_loop3A_334, %parallel_loop3A_335] {strides = array<i32>} : memref<8x1024xf32, #tpu.memory_space<vmem>>, vector<1x16xf32>,
        %parallel_loop3A_337 = vector.shape_cast %parallel_loop3A_336 : vector<1x16xf32> to vector<16xf32>
        %parallel_loop3A_338 = vector.shape_cast %parallel_loop3A_332 : vector<16xf32> to vector<1x16xf32>
        tpu.vector_store %arg15[%parallel_loop3A_334, %parallel_loop3A_335], %parallel_loop3A_338 {strides = array<i32>} : memref<8x1024xf32, #tpu.memory_space<vmem>>, vector<1x16xf32>,
        %parallel_loop3A_339 = arith.constant 6 : i32
        %parallel_loop3A_340 = arith.index_cast %parallel_loop3A_339 : i32 to index
        %parallel_loop3A_341 = arith.index_cast %parallel_loop3A_236 : i32 to index
        %parallel_loop3A_342 = tpu.vector_load %arg11[%parallel_loop3A_340, %parallel_loop3A_341] {strides = array<i32>} : memref<8x1024xf32, #tpu.memory_space<vmem>>, vector<1x16xf32>,
        %parallel_loop3A_343 = vector.shape_cast %parallel_loop3A_342 : vector<1x16xf32> to vector<16xf32>
        %parallel_loop3A_344 = arith.constant 30 : i32
        %parallel_loop3A_345 = arith.index_cast %parallel_loop3A_344 : i32 to index
        %parallel_loop3A_346 = arith.index_cast %parallel_loop3A_236 : i32 to index
        %parallel_loop3A_347 = tpu.vector_load %arg7[%parallel_loop3A_345, %parallel_loop3A_346] {strides = array<i32>} : memref<32x1024xf32, #tpu.memory_space<vmem>>, vector<1x16xf32>,
        %parallel_loop3A_348 = vector.shape_cast %parallel_loop3A_347 : vector<1x16xf32> to vector<16xf32>
        %parallel_loop3A_349 = arith.addf %parallel_loop3A_343, %parallel_loop3A_348 : vector<16xf32>
        %parallel_loop3A_350 = arith.constant 6 : i32
        %parallel_loop3A_351 = arith.index_cast %parallel_loop3A_350 : i32 to index
        %parallel_loop3A_352 = arith.index_cast %parallel_loop3A_236 : i32 to index
        %parallel_loop3A_353 = tpu.vector_load %arg15[%parallel_loop3A_351, %parallel_loop3A_352] {strides = array<i32>} : memref<8x1024xf32, #tpu.memory_space<vmem>>, vector<1x16xf32>,
        %parallel_loop3A_354 = vector.shape_cast %parallel_loop3A_353 : vector<1x16xf32> to vector<16xf32>
        %parallel_loop3A_355 = vector.shape_cast %parallel_loop3A_349 : vector<16xf32> to vector<1x16xf32>
        tpu.vector_store %arg15[%parallel_loop3A_351, %parallel_loop3A_352], %parallel_loop3A_355 {strides = array<i32>} : memref<8x1024xf32, #tpu.memory_space<vmem>>, vector<1x16xf32>,
        %parallel_loop3A_356 = arith.constant 7 : i32
        %parallel_loop3A_357 = arith.index_cast %parallel_loop3A_356 : i32 to index
        %parallel_loop3A_358 = arith.index_cast %parallel_loop3A_236 : i32 to index
        %parallel_loop3A_359 = tpu.vector_load %arg11[%parallel_loop3A_357, %parallel_loop3A_358] {strides = array<i32>} : memref<8x1024xf32, #tpu.memory_space<vmem>>, vector<1x16xf32>,
        %parallel_loop3A_360 = vector.shape_cast %parallel_loop3A_359 : vector<1x16xf32> to vector<16xf32>
        %parallel_loop3A_361 = arith.constant 31 : i32
        %parallel_loop3A_362 = arith.index_cast %parallel_loop3A_361 : i32 to index
        %parallel_loop3A_363 = arith.index_cast %parallel_loop3A_236 : i32 to index
        %parallel_loop3A_364 = tpu.vector_load %arg7[%parallel_loop3A_362, %parallel_loop3A_363] {strides = array<i32>} : memref<32x1024xf32, #tpu.memory_space<vmem>>, vector<1x16xf32>,
        %parallel_loop3A_365 = vector.shape_cast %parallel_loop3A_364 : vector<1x16xf32> to vector<16xf32>
        %parallel_loop3A_366 = arith.addf %parallel_loop3A_360, %parallel_loop3A_365 : vector<16xf32>
        %parallel_loop3A_367 = arith.constant 7 : i32
        %parallel_loop3A_368 = arith.index_cast %parallel_loop3A_367 : i32 to index
        %parallel_loop3A_369 = arith.index_cast %parallel_loop3A_236 : i32 to index
        %parallel_loop3A_370 = tpu.vector_load %arg15[%parallel_loop3A_368, %parallel_loop3A_369] {strides = array<i32>} : memref<8x1024xf32, #tpu.memory_space<vmem>>, vector<1x16xf32>,
        %parallel_loop3A_371 = vector.shape_cast %parallel_loop3A_370 : vector<1x16xf32> to vector<16xf32>
        %parallel_loop3A_372 = vector.shape_cast %parallel_loop3A_366 : vector<16xf32> to vector<1x16xf32>
        tpu.vector_store %arg15[%parallel_loop3A_368, %parallel_loop3A_369], %parallel_loop3A_372 {strides = array<i32>} : memref<8x1024xf32, #tpu.memory_space<vmem>>, vector<1x16xf32>,
      } {sc.loop_unroll_factor = 2 : i64, sc.parallel_access}
      %add3A_219 = arith.constant 1 : i32
      %add3A_220 = arith.addi %scan3A_117, %add3A_219 : i32
      %lt3A_221 = arith.constant 32 : i32
      %lt3A_222 = arith.cmpi slt, %add3A_220, %lt3A_221 : i32
      %convert_element_type3A_223 = arith.extui %lt3A_222 : i1 to i32
      %cond3A_224 = arith.constant 0 : i32
      %cond3A_225 = arith.cmpi ne, %convert_element_type3A_223, %cond3A_224 : i32
      scf.if %cond3A_225 {
        %add3A_234 = arith.constant 1 : i32
        %add3A_235 = arith.addi %scan3A_117, %add3A_234 : i32
        %add3A_236 = arith.constant 24 : i32
        %add3A_237 = arith.addi %mul3A_37, %add3A_236 : i32
        %dma_start3A_238 = tpu.memref_slice %arg6[%add3A_235, %add3A_237] : memref<32x128xi32, #tpu.memory_space<vmem>> -> memref<1x8xi32, #tpu.memory_space<vmem>>
        %dma_start3A_239 = tpu.memref_squeeze %dma_start3A_238 : memref<1x8xi32, #tpu.memory_space<vmem>> -> memref<8xi32, #tpu.memory_space<vmem>>
        %dma_start3A_240 = arith.constant 0 : i32
        %dma_start3A_241 = arith.constant 0 : i32
        %dma_start3A_242 = tpu.memref_slice %arg3[%dma_start3A_240, %dma_start3A_241] : memref<2048x1024xf32, #tpu.memory_space<hbm>> -> memref<2048x1024xf32, #tpu.memory_space<hbm>>
        tpu.enqueue_indirect_dma source(%dma_start3A_242 : memref<2048x1024xf32, #tpu.memory_space<hbm>>) target(%arg11 : memref<8x1024xf32, #tpu.memory_space<vmem>>) offsets(%dma_start3A_239 : memref<8xi32, #tpu.memory_space<vmem>>) semaphore(%arg19 : memref<!tpu.dma_semaphore, #tpu.memory_space<semaphore_mem>>)
      } else {
      }
      %add3A_226 = arith.constant 24 : i32
      %add3A_227 = arith.addi %multiple_of3A, %add3A_226 : i32
      %dma_start3A_228 = arith.constant 0 : i32
      %dma_start3A_229 = tpu.memref_slice %arg5[%scan3A_117, %add3A_227, %dma_start3A_228] : memref<32x1024x1024xf32, #tpu.memory_space<hbm>> -> memref<1x8x1024xf32, #tpu.memory_space<hbm>>
      %dma_start3A_230 = tpu.memref_squeeze %dma_start3A_229 : memref<1x8x1024xf32, #tpu.memory_space<hbm>> -> memref<8x1024xf32, #tpu.memory_space<hbm>>
      %dma_start3A_231 = arith.constant 0 : i32
      %dma_start3A_232 = tpu.memref_slice %arg5[%scan3A_117, %add3A_227, %dma_start3A_231] : memref<32x1024x1024xf32, #tpu.memory_space<hbm>> -> memref<1x8x1024xf32, #tpu.memory_space<hbm>>
      %dma_start3A_233 = tpu.memref_squeeze %dma_start3A_232 : memref<1x8x1024xf32, #tpu.memory_space<hbm>> -> memref<8x1024xf32, #tpu.memory_space<hbm>>
      tpu.enqueue_dma source(%arg15 : memref<8x1024xf32, #tpu.memory_space<vmem>>) target(%dma_start3A_233 : memref<8x1024xf32, #tpu.memory_space<hbm>>) target_semaphore(%arg23 : memref<!tpu.dma_semaphore, #tpu.memory_space<semaphore_mem>>)
    }
    %scan3A_80 = arith.constant 32 : i32
    %add3A_81 = arith.constant 0 : i32
    %add3A_82 = arith.addi %multiple_of3A, %add3A_81 : i32
    %dma_wait3A_83 = arith.constant 31 : i32
    %dma_wait3A_84 = arith.constant 0 : i32
    %dma_wait3A_85 = tpu.memref_slice %arg5[%dma_wait3A_83, %add3A_82, %dma_wait3A_84] : memref<32x1024x1024xf32, #tpu.memory_space<hbm>> -> memref<1x8x1024xf32, #tpu.memory_space<hbm>>
    %dma_wait3A_86 = tpu.memref_squeeze %dma_wait3A_85 : memref<1x8x1024xf32, #tpu.memory_space<hbm>> -> memref<8x1024xf32, #tpu.memory_space<hbm>>
    %dma_wait3A_87 = arith.constant 0 : i32
    %dma_wait3A_88 = tpu.memref_slice %arg5[%dma_wait3A_83, %add3A_82, %dma_wait3A_87] : memref<32x1024x1024xf32, #tpu.memory_space<hbm>> -> memref<1x8x1024xf32, #tpu.memory_space<hbm>>
    %dma_wait3A_89 = tpu.memref_squeeze %dma_wait3A_88 : memref<1x8x1024xf32, #tpu.memory_space<hbm>> -> memref<8x1024xf32, #tpu.memory_space<hbm>>
    tpu.wait_dma2 semaphore(%arg20 : memref<!tpu.dma_semaphore, #tpu.memory_space<semaphore_mem>>) src(%arg12 : memref<8x1024xf32, #tpu.memory_space<vmem>>) dst(%dma_wait3A_89 : memref<8x1024xf32, #tpu.memory_space<hbm>>)
    %add3A_90 = arith.constant 8 : i32
    %add3A_91 = arith.addi %multiple_of3A, %add3A_90 : i32
    %dma_wait3A_92 = arith.constant 31 : i32
    %dma_wait3A_93 = arith.constant 0 : i32
    %dma_wait3A_94 = tpu.memref_slice %arg5[%dma_wait3A_92, %add3A_91, %dma_wait3A_93] : memref<32x1024x1024xf32, #tpu.memory_space<hbm>> -> memref<1x8x1024xf32, #tpu.memory_space<hbm>>
    %dma_wait3A_95 = tpu.memref_squeeze %dma_wait3A_94 : memref<1x8x1024xf32, #tpu.memory_space<hbm>> -> memref<8x1024xf32, #tpu.memory_space<hbm>>
    %dma_wait3A_96 = arith.constant 0 : i32
    %dma_wait3A_97 = tpu.memref_slice %arg5[%dma_wait3A_92, %add3A_91, %dma_wait3A_96] : memref<32x1024x1024xf32, #tpu.memory_space<hbm>> -> memref<1x8x1024xf32, #tpu.memory_space<hbm>>
    %dma_wait3A_98 = tpu.memref_squeeze %dma_wait3A_97 : memref<1x8x1024xf32, #tpu.memory_space<hbm>> -> memref<8x1024xf32, #tpu.memory_space<hbm>>
    tpu.wait_dma2 semaphore(%arg21 : memref<!tpu.dma_semaphore, #tpu.memory_space<semaphore_mem>>) src(%arg13 : memref<8x1024xf32, #tpu.memory_space<vmem>>) dst(%dma_wait3A_98 : memref<8x1024xf32, #tpu.memory_space<hbm>>)
    %add3A_99 = arith.constant 16 : i32
    %add3A_100 = arith.addi %multiple_of3A, %add3A_99 : i32
    %dma_wait3A_101 = arith.constant 31 : i32
    %dma_wait3A_102 = arith.constant 0 : i32
    %dma_wait3A_103 = tpu.memref_slice %arg5[%dma_wait3A_101, %add3A_100, %dma_wait3A_102] : memref<32x1024x1024xf32, #tpu.memory_space<hbm>> -> memref<1x8x1024xf32, #tpu.memory_space<hbm>>
    %dma_wait3A_104 = tpu.memref_squeeze %dma_wait3A_103 : memref<1x8x1024xf32, #tpu.memory_space<hbm>> -> memref<8x1024xf32, #tpu.memory_space<hbm>>
    %dma_wait3A_105 = arith.constant 0 : i32
    %dma_wait3A_106 = tpu.memref_slice %arg5[%dma_wait3A_101, %add3A_100, %dma_wait3A_105] : memref<32x1024x1024xf32, #tpu.memory_space<hbm>> -> memref<1x8x1024xf32, #tpu.memory_space<hbm>>
    %dma_wait3A_107 = tpu.memref_squeeze %dma_wait3A_106 : memref<1x8x1024xf32, #tpu.memory_space<hbm>> -> memref<8x1024xf32, #tpu.memory_space<hbm>>
    tpu.wait_dma2 semaphore(%arg22 : memref<!tpu.dma_semaphore, #tpu.memory_space<semaphore_mem>>) src(%arg14 : memref<8x1024xf32, #tpu.memory_space<vmem>>) dst(%dma_wait3A_107 : memref<8x1024xf32, #tpu.memory_space<hbm>>)
    %add3A_108 = arith.constant 24 : i32
    %add3A_109 = arith.addi %multiple_of3A, %add3A_108 : i32
    %dma_wait3A_110 = arith.constant 31 : i32
    %dma_wait3A_111 = arith.constant 0 : i32
    %dma_wait3A_112 = tpu.memref_slice %arg5[%dma_wait3A_110, %add3A_109, %dma_wait3A_111] : memref<32x1024x1024xf32, #tpu.memory_space<hbm>> -> memref<1x8x1024xf32, #tpu.memory_space<hbm>>
    %dma_wait3A_113 = tpu.memref_squeeze %dma_wait3A_112 : memref<1x8x1024xf32, #tpu.memory_space<hbm>> -> memref<8x1024xf32, #tpu.memory_space<hbm>>
    %dma_wait3A_114 = arith.constant 0 : i32
    %dma_wait3A_115 = tpu.memref_slice %arg5[%dma_wait3A_110, %add3A_109, %dma_wait3A_114] : memref<32x1024x1024xf32, #tpu.memory_space<hbm>> -> memref<1x8x1024xf32, #tpu.memory_space<hbm>>
    %dma_wait3A_116 = tpu.memref_squeeze %dma_wait3A_115 : memref<1x8x1024xf32, #tpu.memory_space<hbm>> -> memref<8x1024xf32, #tpu.memory_space<hbm>>
    tpu.wait_dma2 semaphore(%arg23 : memref<!tpu.dma_semaphore, #tpu.memory_space<semaphore_mem>>) src(%arg15 : memref<8x1024xf32, #tpu.memory_space<vmem>>) dst(%dma_wait3A_116 : memref<8x1024xf32, #tpu.memory_space<hbm>>)
    return
  }
}

</mosaic_0001>

<sc_bundles>
// kernel: _emb.3.cloned.1.call-start
scs
__scs_entry_jumppad:
0x0: {  	(pc) =	sbr.rel $0x88, $3  }
0x1: {  	(tag) =	ssettag $0x0;
	lr =	simm.s32 $0x1  }
0x2: {  	[smem:$0x3F9E] =	sst lr;
	_ =	strace $0xD0000000  }
0x3: {  	_ = 	snop  }
0x4: {  	_ = 	snop  }
0x5: {  	_ = 	snop  }
0x6: {  	_ = 	snop  }
0x7: {  	_ = 	snop  }
__scs_overlays_trampoline_lowered:
0x8: {  	[smem:$0x3FAD] =	sst s0  }
0x9: {  	[smem:$0x3FAE] =	sst s1  }
0xa: {  	[smem:$0x3FAF] =	sst s2  }
0xb: {  	[smem:$0x3FB0] =	sst s3  }
0xc: {  	[smem:$0x3FB1] =	sst s4  }
0xd: {  	[smem:$0x3FB2] =	sst s5  }
0xe: {  	[smem:$0x3FB3] =	sst s6  }
0xf: {  	[smem:$0x3FB4] =	sst s7  }
0x10: {  	[smem:$0x3FB5] =	sst s8  }
0x11: {  	[smem:$0x3FB6] =	sst s9;
	s0 =	simm.s32 @!p0 $0x0  }
0x12: {  	s1 =	sld [smem:$0x3F9C];
	s0 =	simm.s32 @p0 $0x1  }
0x13: {  	[smem:$0x3FB7] =	sst s0;
	s0 =	simm.s32 @!p1 $0x0  }
0x14: {  	s2 =	sld [smem:$0x3F9B];
	s0 =	simm.s32 @p1 $0x1  }
0x15: {  	[smem:$0x3FB8] =	sst s0;
	s0 =	simm.s32 @!p2 $0x0  }
0x16: {  	s3 =	sld [smem:$0x3FDB];
	s0 =	simm.s32 @p2 $0x1  }
0x17: {  	s4 =	simm.s32 $0x1BF5;
	[smem:$0x3FBA] =	sst s0  }
0x18: {  	s0 =	sld [smem:$0x3F9D];
	_ =	swait.ge [sflag:s4], $0x0  }
0x19: {  	s7 =	sld [smem:$0x3F9E]  }
0x1a: {  	s8 =	sadd.s32 $0xFFFFE003, lr  }
0x1b: {  	s9 =	sadd.s32 $0xFFFFFEF7, lr;
	s5 =	simm.s32 $0xFFFFFFFF;
	p2 =	slt.u32 s8, $0xFFFFF086  }
0x1c: {  	p1 =	slt.u32 s9, $0xF7A;
	s5 =	simm.s32 @!p2 $0x0  }
0x1d: {  	s5 =	simm.s32 @p1 $0x1;
	p0 =	seq.s32 s7, s2  }
0x1e: {  	s7 =	smul.u32 @!p0 $0xF7A, s2;
	p2 =	seq.s32 @!p0 s5, $0x0  }
0x1f: {  	s9 =	smul.u32 $0xF7A, s1;
	s8 =	simm.s32 @!p0 $0x1BF5;
	p2 =	por !p2, p0  }
0x20: {  	[sflag:s8] =	ssyncset.s32 @!p0 $0xFFFFF086;
	s6 =	sadd.s32 @!p0 s3, s7;
	s7 =	simm.s32 @!p0 $0x108  }
0x21: {  	s3 =	sadd.s32 s3, s9;
	s6 =	sadd.s32 @!p0 $0x88, s6;
	s7 =	simm.s32 @p2 $0x1082  }
0x22: {  	[simem:s7], [sflag:s8] =	dma.local @!p0 [hbm:s6], $0xF7A  }
0x23: {  	s9 =	sor.u32 $0xD0000000, s2;
	s6 =	simm.s32 $0x108;
	_ =	swait.ge @!p0 [sflag:s8], $0x0  }
0x24: {  	s3 =	sadd.s32 $0x88, s3;
	s6 =	simm.s32 @!p1 $0x1082;
	[sflag:s4] =	ssyncset.s32 $0xFFFFF086  }
0x25: {  	[simem:s6], [sflag:s4] =	dma.local [hbm:s3], $0xF7A  }
0x26: {  	[smem:$0x3F9E] =	sst s1;
	(tag) =	ssettag s2;
	_ =	strace s9  }
0x27: {  	s1 =	sld [smem:$0x3FAE]  }
0x28: {  	s2 =	sld [smem:$0x3FAF]  }
0x29: {  	s4 =	sld [smem:$0x3FB1]  }
0x2a: {  	p0 =	seq.s32 s5, $0x0;
	s5 =	sld [smem:$0x3FB2]  }
0x2b: {  	s6 =	sld [smem:$0x3FB3]  }
0x2c: {  	s7 =	sld [smem:$0x3FB4]  }
0x2d: {  	s3 =	simm.s32 $0x108;
	s8 =	sld [smem:$0x3FB5]  }
0x2e: {  	s3 =	simm.s32 @!p0 $0x1082;
	s9 =	sld [smem:$0x3FB6]  }
0x2f: {  	lr =	sadd.s32 s0, s3;
	s0 =	sld [smem:$0x3FAD]  }
0x30: {  	s3 =	sld [smem:$0x3FB0]  }
0x31: {  	[smem:$0x3FB9] =	sst s10  }
0x32: {  	s10 =	sld [smem:$0x3FB7];
	_ =	sdelay $0x3  }
0x33: {  	p0 =	seq.s32 s10, $0x1;
	s10 =	sld [smem:$0x3FB9];
	_ =	sdelay $0x3  }
0x34: {  	[smem:$0x3FB9] =	sst s10  }
0x35: {  	s10 =	sld [smem:$0x3FB8];
	_ =	sdelay $0x3  }
0x36: {  	p1 =	seq.s32 s10, $0x1;
	s10 =	sld [smem:$0x3FB9];
	_ =	sdelay $0x3  }
0x37: {  	[smem:$0x3FB9] =	sst s10  }
0x38: {  	s10 =	sld [smem:$0x3FBA]  }
0x39: {  	_ = 	snop;
	(pc) =	sbr.ind lr, $3  }
0x3a: {  	_ = 	snop  }
0x3b: {  	_ = 	snop  }
0x3c: {  	p2 =	seq.s32 s10, $0x1;
	s10 =	sld [smem:$0x3FB9]  }
0x3d: {  	_ =	shalt  }
0x3e: {  	_ =	shalt  }
0x3f: {  	_ =	shalt  }
0x40: {  	_ =	shalt  }
0x41: {  	_ =	shalt  }
0x42: {  	_ =	shalt  }
0x43: {  	_ =	shalt  }
0x44: {  	_ =	shalt  }
0x45: {  	_ =	shalt  }
0x46: {  	_ =	shalt  }
0x47: {  	_ =	shalt  }
0x48: {  	_ =	shalt  }
0x49: {  	_ =	shalt  }
0x4a: {  	_ =	shalt  }
0x4b: {  	_ =	shalt  }
0x4c: {  	_ =	shalt  }
0x4d: {  	_ =	shalt  }
0x4e: {  	_ =	shalt  }
0x4f: {  	_ =	shalt  }
0x50: {  	_ =	shalt  }
0x51: {  	_ =	shalt  }
0x52: {  	_ =	shalt  }
0x53: {  	_ =	shalt  }
0x54: {  	_ =	shalt  }
0x55: {  	_ =	shalt  }
0x56: {  	_ =	shalt  }
0x57: {  	_ =	shalt  }
0x58: {  	_ =	shalt  }
0x59: {  	_ =	shalt  }
0x5a: {  	_ =	shalt  }
0x5b: {  	_ =	shalt  }
0x5c: {  	_ =	shalt  }
0x5d: {  	_ =	shalt  }
0x5e: {  	_ =	shalt  }
0x5f: {  	_ =	shalt  }
0x60: {  	_ =	shalt  }
0x61: {  	_ =	shalt  }
0x62: {  	_ =	shalt  }
0x63: {  	_ =	shalt  }
0x64: {  	_ =	shalt  }
0x65: {  	_ =	shalt  }
0x66: {  	_ =	shalt  }
0x67: {  	_ =	shalt  }
0x68: {  	_ =	shalt  }
0x69: {  	_ =	shalt  }
0x6a: {  	_ =	shalt  }
0x6b: {  	_ =	shalt  }
0x6c: {  	_ =	shalt  }
0x6d: {  	_ =	shalt  }
0x6e: {  	_ =	shalt  }
0x6f: {  	_ =	shalt  }
0x70: {  	_ =	shalt  }
0x71: {  	_ =	shalt  }
0x72: {  	_ =	shalt  }
0x73: {  	_ =	shalt  }
0x74: {  	_ =	shalt  }
0x75: {  	_ =	shalt  }
0x76: {  	_ =	shalt  }
0x77: {  	_ =	shalt  }
0x78: {  	_ =	shalt  }
0x79: {  	_ =	shalt  }
0x7a: {  	_ =	shalt  }
0x7b: {  	_ =	shalt  }
0x7c: {  	_ =	shalt  }
0x7d: {  	_ =	shalt  }
0x7e: {  	_ =	shalt  }
0x7f: {  	_ =	shalt  }
0x80: {  	_ =	shalt  }
0x81: {  	_ =	shalt  }
0x82: {  	_ =	shalt  }
0x83: {  	_ =	shalt  }
0x84: {  	_ =	shalt  }
0x85: {  	_ =	shalt  }
0x86: {  	_ =	shalt  }
0x87: {  	_ =	shalt  }
.Lfunc_end0:
.L_simem_size_0:
called_computation_lowered:
.L_overlay_start_0:
0x88: {  	s2 =	sld [smem:$0x3FD9]  }
0x89: {  	s3 =	sld [smem:$0x3FFE];
	_ =	sdelay $0x1  }
0x8a: {  	s1 =	srdreg.scid  }
0x8b: {  	s0 =	sand.u32 $0x1, s1  }
0x8c: {  	s17 =	sshll.u32 s0, $0xA;
	s2 =	sadd.s32 s3, s2  }
0x8d: {  	s2 =	sadd.s32 s2, s17  }
0x8e: {  	[smem:$0x3FC5] =	sst s2  }
0x8f: {  	_ = 	snop  }
0x90: {  	s2 =	sld [smem:$0x3FC7]  }
0x91: {  	s18 =	sld [smem:$0x3FD0];
	(tm) =	ssettm $0x1  }
0x92: {  	s4 =	sld [smem:$0x3FFB];
	_ =	sdelay $0x3  }
0x93: {  	_ =	strace s4  }
0x94: {  	s4 =	sld [smem:$0x3FFC];
	_ =	sdelay $0x3  }
0x95: {  	_ =	strace s4  }
0x96: {  	s4 =	sld [smem:$0x3FFD];
	_ =	sdelay $0x3  }
0x97: {  	_ =	strace s4  }
0x98: {  	_ =	strace $0x8FFFFFFF  }
0x99: {  	s19 =	sld [smem:$0x3FDB];
	_ =	sdelay $0x1  }
0x9a: {  	s5 =	simm.s32 $_scs_section_size  }
0x9b: {  	s6 =	simm.s32 $_size__tile_overlayer_lowered;
	s7 =	simm.s32 $_tile_overlayer_lowered  }
0x9c: {  	s22 =	simm.s32 $0x1BFF;
	s21 =	sshll.u32 s7, $0x1;
	s4 =	sadd.s32 s5, s19  }
0x9d: {  	s8 =	simm.s32 $0x0;
	s20 =	sshll.u32 s6, $0x1;
	s6 =	sadd.s32 s21, s4  }
0x9e: {  	[timem:s8], [sflag:s22] =	dma.local [hbm:s6], s20  }
0x9f: {  	_ =	swait.ge [sflag:s22], s20  }
0xa0: {  	s5 =	ssub.s32 $0x0, s20;
	[sflag:s22] =	ssyncset.done $0x0  }
0xa1: {  	[sflag:s22] =	ssyncadd.s32 s5;
	_ =	sdelay $0x1  }
0xa2: {  	s23 =	simm.s32 $0x1B8B  }
0xa3: {  	_ =	swait.ge [sflag:s23], $0x1  }
0xa4: {  	[sflag:s23] =	ssyncset.done $0x0  }
0xa5: {  	s25 =	simm.s32 $0x1B8E;
	s24 =	sld [smem:$0x3FFE];
	[sflag:s23] =	ssyncadd.s32 $0xFFFFFFFF  }
0xa6: {  	s26 =	simm.s32 $execute0_lowered;
	[smem:$0x3FD2] =	sst s25  }
0xa7: {  	s6 =	sshll.u32 s26, $0x1;
	_ =	strace $0x80000046;
	[dreg:$0x1] =	wrdreg $0xFFFFFFFF  }
0xa8: {  	s28 =	simm.s32 $_size_execute0_lowered;
	s4 =	sadd.s32 s4, s6;
	[dreg:$0x0] =	wrdreg $0x0  }
0xa9: {  	s6 =	sshll.u32 s28, $0x1;
	[dreg:$0x2] =	wrdreg s4  }
0xaa: {  	[dreg:$0x3] =	wrdreg s6  }
0xab: {  	[dreg:$0x4] =	wrdreg $0xC0  }
0xac: {  	_ =	task [dreg:s8], $0x5FFFF  }
0xad: {  	[dreg:$0x1] =	wrdreg $0xFFFFFFFF  }
0xae: {  	[dreg:$0x0] =	wrdreg $0x60  }
0xaf: {  	[dreg:$0x2] =	wrdreg s24  }
0xb0: {  	[dreg:$0x3] =	wrdreg s2  }
0xb1: {  	[dreg:$0x4] =	wrdreg s18  }
0xb2: {  	[dreg:$0x5] =	wrdreg $0x9  }
0xb3: {  	_ =	task.clear_ibuf [dreg:s8], $0x6FFFF;
	_ =	strace $0x90000046  }
0xb4: {  	s29 =	simm.s32 $0x9;
	_ =	strace $0x80000048  }
0xb5: {  	_ =	swait.ge [sflag:s29], $0x1  }
0xb6: {  	[sflag:s29] =	ssyncadd.s32 $0xFFFFFFFF  }
0xb7: {  	_ =	strace $0x90000048  }
0xb8: {  	_ =	sfence  }
0xb9: {  	s30 =	sld [smem:$0x0];
	_ =	sdelay $0x2  }
0xba: {  	s31 =	sshll.u32 s1, $0xD;
	s1 =	sshrl.u32 s1, $0x2  }
0xbb: {  	s3 =	sand.u32 $0x4000, s31;
	s1 =	sadd.s32 s1, s30  }
0xbc: {  	s0 =	sor.u32 s3, s0;
	s1 =	sshll.u32 s1, $0x11  }
0xbd: {  	s0 =	sor.u32 s1, s0  }
0xbe: {  	s0 =	sadd.s32 $0x8F2B, s0  }
0xbf: {  	[sflag:s0] =	ssyncadd.remote.s32 $0x1  }
0xc0: {  	_ =	sfence.sel $0xFFFF  }
0xc1: {  	[dreg:$0x0] =	wrdreg $0xFFFFFFFF;
	(pc) =	sbr.abs _section_cstart, $3  }
0xc2: {  	[dreg:$0x1] =	wrdreg $0xFFFFFFFF  }
0xc3: {  	_ =	task.clear_ibuf [dreg:s8], $0x2FFFF;
	_ =	strace $0x9FFFFFFF  }
0xc4: {  	(tm) =	ssettm $0x7FFFFFFF  }
0xc5: {  	_ =	shalt  }
tec
execute0_lowered:
.L_overlay_start_1:
0x0: {  	(tag) =	ssettag $0x1  }
0x1: {  	s0 =	rddreg [dreg:$0x0]  }
0x2: {  	s1 =	rddreg [dreg:$0x1];
	s2 =	simm.s32 $0x0;
	s5 =	stileid.u32  }
0x3: {  	s21 =	srdreg.scid;
	[smem:$0x7FF] =	sst s2;
	s3 =	sshll.u32 s5, $0x6  }
0x4: {  	s2 =	sand.u32 $0x1, s21;
	s5 =	sshll.u32 s5, $0x1;
	s22 =	sadd.s32 $0x1400, s0  }
0x5: {  	s25 =	sadd.s32 $0x1500, s0;
	_ =	strace $0x80000047;
	[dreg:$0x4] =	wrdreg s22  }
0x6: {  	s26 =	sadd.s32 $0x1600, s0;
	s3 =	sand.u32 $0x380, s3;
	[dreg:$0x9] =	wrdreg s25  }
0x7: {  	s4 =	ssub.s32 $0x2, s2;
	s2 =	sor.u32 s2, s5;
	[dreg:$0xa] =	wrdreg s26  }
0x8: {  	s23 =	sshll.u32 s2, $0x5;
	s24 =	sshll.u32 s2, $0xC;
	s2 =	sshll.u32 s2, $0xF  }
0x9: {  	s3 =	sadd.s32 s3, s0;
	s0 =	sadd.s32 $0x1700, s0;
	[dreg:$0x7] =	wrdreg s2  }
0xa: {  	s3 =	sadd.s32 $0x400, s3;
	[dreg:$0xb] =	wrdreg s0  }
0xb: {  	s1 =	sadd.s32 s1, s24;
	[dreg:$0x6] =	wrdreg s3  }
0xc: {  	s5 =	sand.u32 $0x60, s23;
	[dreg:$0x8] =	wrdreg s1  }
0xd: {  	s28 =	sor.u32 $0x8, s5;
	[dreg:$0x5] =	wrdreg s5  }
0xe: {  	s6 =	sshrl.u32 s4, $0x1;
	s29 =	sor.u32 $0x10, s5;
	[dreg:$0xc] =	wrdreg s28  }
0xf: {  	v0 =	vlaneseq.u32;
	s4 =	ssub.s32 s4, s6;
	s30 =	sor.u32 $0x18, s5;
	[dreg:$0xd] =	wrdreg s29  }
0x10: {  	v1 =	vshrl.u32 v0, $0x3;
	s31 =	smax.u32 s4, $0x1;
	[dreg:$0xe] =	wrdreg s30  }
0x11: {  	vm0 =	vmmov $0xffff;
	v0 =	vand.u32 $0x7, v0;
	v1 =	vmul.u32 $0x8, v1;
	s6 =	simm.s32 $0x5;
	s2 =	simm.s32 $0x0;
	[dreg:$0xf] =	wrdreg s31  }
.LBB2_1:
0x12: {  	[dreg:$0x10] =	wrdreg s2  }
0x13: {  	s0 =	simm.s32 $0x0;
	s1 =	rddreg [dreg:$0x6]  }
0x14: {  	s4 =	simm.s32 $0x400;
	s3 =	simm.s32 $0x2000;
	s5 =	simm.s32 $0x9  }
0x15: {  	[tilespmem:s0], [sflag:$0x9] =	stream.strided.gather [hbm4b:s1+s4], $0x1000, s3, s4, $0x38;
	[tilespmem:$0x19000] =	vst v63  }
0x16: {  	_ =	swait.ge [sflag:s5], $0x1000  }
0x17: {  	[sflag:s5] =	ssyncset.done $0x0;
	s7 =	rddreg [dreg:$0x8]  }
0x18: {  	s8 =	simm.s32 $0x1000;
	s9 =	rddreg [dreg:$0x5];
	[sflag:s5] =	ssyncadd.s32 $0xFFFFF000  }
0x19: {  	[tilespmem:s8], [sflag:$0x5] =	stream.linear.gather [hbm4b:s7+s0], $0x8000, $0x38;
	[tilespmem:$0x19000] =	vst v63  }
0x1a: {  	v2 =	vld.msk [tilespmem:s9+$0x0], $0xff;
	_ =	sdelay $0x4  }
0x1b: {  	v3 =	vshll.u32 v2, $0x3  }
0x1c: {  	v2 =	vand.u32 $0x7, v2;
	v3 =	vand.u32 $0xFFFFFFC0, v3  }
0x1d: {  	v2 =	vor.u32 v2, v3  }
0x1e: {  	v2 =	vperm.xlane v2, v0;
	_ =	sdelay $0x1  }
0x1f: {  	v2 =	vadd.s32 v1, v2;
	_ =	sdelay $0x2  }
0x20: {  	s10 =	rddreg [dreg:$0x4]  }
0x21: {  	s11 =	simm.s32 $0x9000;
	s12 =	rddreg [dreg:$0x9]  }
0x22: {  	[tilespmem:s11], [sflag:$0x1] =	stream.indirect_vreg.gather [hbm4b:s10+s0], $0x80, v2, vm0, $0xb8;
	[tilespmem:$0x19000] =	vst v63  }
0x23: {  	s13 =	simm.s32 $0x9800;
	s14 =	rddreg [dreg:$0xa]  }
0x24: {  	[tilespmem:s13], [sflag:$0x1] =	stream.indirect_vreg.gather [hbm4b:s12+s0], $0x80, v2, vm0, $0xb8;
	[tilespmem:$0x19000] =	vst v63  }
0x25: {  	s4 =	simm.s32 $0xA000;
	s15 =	rddreg [dreg:$0xb]  }
0x26: {  	[tilespmem:s4], [sflag:$0x1] =	stream.indirect_vreg.gather [hbm4b:s14+s0], $0x80, v2, vm0, $0xb8;
	[tilespmem:$0x19000] =	vst v63  }
0x27: {  	s16 =	rddreg [dreg:$0xc];
	s5 =	simm.s32 $0xA800  }
0x28: {  	[tilespmem:s5], [sflag:$0x1] =	stream.indirect_vreg.gather [hbm4b:s15+s0], $0x80, v2, vm0, $0xb8;
	[tilespmem:$0x19000] =	vst v63  }
0x29: {  	v2 =	vld.msk [tilespmem:s16+$0x0], $0xff;
	_ =	sdelay $0x4  }
0x2a: {  	v3 =	vshll.u32 v2, $0x3  }
0x2b: {  	v2 =	vand.u32 $0x7, v2;
	v3 =	vand.u32 $0xFFFFFFC0, v3  }
0x2c: {  	v2 =	vor.u32 v2, v3  }
0x2d: {  	v2 =	vperm.xlane v2, v0;
	_ =	sdelay $0x1  }
0x2e: {  	v2 =	vadd.s32 v1, v2;
	_ =	sdelay $0x3  }
0x2f: {  	s17 =	simm.s32 $0xB000  }
0x30: {  	[tilespmem:s17], [sflag:$0x2] =	stream.indirect_vreg.gather [hbm4b:s10+s0], $0x80, v2, vm0, $0xb8;
	[tilespmem:$0x19000] =	vst v63  }
0x31: {  	s18 =	simm.s32 $0xB800  }
0x32: {  	[tilespmem:s18], [sflag:$0x2] =	stream.indirect_vreg.gather [hbm4b:s12+s0], $0x80, v2, vm0, $0xb8;
	[tilespmem:$0x19000] =	vst v63  }
0x33: {  	s19 =	simm.s32 $0xC000  }
0x34: {  	[tilespmem:s19], [sflag:$0x2] =	stream.indirect_vreg.gather [hbm4b:s14+s0], $0x80, v2, vm0, $0xb8;
	[tilespmem:$0x19000] =	vst v63  }
0x35: {  	s20 =	simm.s32 $0xC800;
	s21 =	rddreg [dreg:$0xd]  }
0x36: {  	[tilespmem:s20], [sflag:$0x2] =	stream.indirect_vreg.gather [hbm4b:s15+s0], $0x80, v2, vm0, $0xb8;
	[tilespmem:$0x19000] =	vst v63  }
0x37: {  	v2 =	vld.msk [tilespmem:s21+$0x0], $0xff;
	_ =	sdelay $0x4  }
0x38: {  	v3 =	vshll.u32 v2, $0x3  }
0x39: {  	v2 =	vand.u32 $0x7, v2;
	v3 =	vand.u32 $0xFFFFFFC0, v3  }
0x3a: {  	v2 =	vor.u32 v2, v3  }
0x3b: {  	v2 =	vperm.xlane v2, v0;
	_ =	sdelay $0x1  }
0x3c: {  	v2 =	vadd.s32 v1, v2;
	_ =	sdelay $0x3  }
0x3d: {  	s22 =	simm.s32 $0xD000  }
0x3e: {  	[tilespmem:s22], [sflag:$0x3] =	stream.indirect_vreg.gather [hbm4b:s10+s0], $0x80, v2, vm0, $0xb8;
	[tilespmem:$0x19000] =	vst v63  }
0x3f: {  	s23 =	simm.s32 $0xD800  }
0x40: {  	[tilespmem:s23], [sflag:$0x3] =	stream.indirect_vreg.gather [hbm4b:s12+s0], $0x80, v2, vm0, $0xb8;
	[tilespmem:$0x19000] =	vst v63  }
0x41: {  	s24 =	simm.s32 $0xE000  }
0x42: {  	[tilespmem:s24], [sflag:$0x3] =	stream.indirect_vreg.gather [hbm4b:s14+s0], $0x80, v2, vm0, $0xb8;
	[tilespmem:$0x19000] =	vst v63  }
0x43: {  	s25 =	simm.s32 $0xE800;
	s26 =	rddreg [dreg:$0xe]  }
0x44: {  	[tilespmem:s25], [sflag:$0x3] =	stream.indirect_vreg.gather [hbm4b:s15+s0], $0x80, v2, vm0, $0xb8;
	[tilespmem:$0x19000] =	vst v63  }
0x45: {  	v2 =	vld.msk [tilespmem:s26+$0x0], $0xff;
	_ =	sdelay $0x4  }
0x46: {  	v3 =	vshll.u32 v2, $0x3  }
0x47: {  	v2 =	vand.u32 $0x7, v2;
	v3 =	vand.u32 $0xFFFFFFC0, v3  }
0x48: {  	v2 =	vor.u32 v2, v3  }
0x49: {  	v2 =	vperm.xlane v2, v0;
	_ =	sdelay $0x1  }
0x4a: {  	v2 =	vadd.s32 v1, v2;
	_ =	sdelay $0x3  }
0x4b: {  	s28 =	simm.s32 $0xF000  }
0x4c: {  	[tilespmem:s28], [sflag:$0x4] =	stream.indirect_vreg.gather [hbm4b:s10+s0], $0x80, v2, vm0, $0xb8;
	[tilespmem:$0x19000] =	vst v63  }
0x4d: {  	s29 =	simm.s32 $0xF800  }
0x4e: {  	[tilespmem:s29], [sflag:$0x4] =	stream.indirect_vreg.gather [hbm4b:s12+s0], $0x80, v2, vm0, $0xb8;
	[tilespmem:$0x19000] =	vst v63  }
0x4f: {  	s30 =	simm.s32 $0x10000  }
0x50: {  	[tilespmem:s30], [sflag:$0x4] =	stream.indirect_vreg.gather [hbm4b:s14+s0], $0x80, v2, vm0, $0xb8;
	[tilespmem:$0x19000] =	vst v63  }
0x51: {  	s31 =	simm.s32 $0x10800  }
0x52: {  	[tilespmem:s31], [sflag:$0x4] =	stream.indirect_vreg.gather [hbm4b:s15+s0], $0x80, v2, vm0, $0xb8;
	[tilespmem:$0x19000] =	vst v63  }
0x53: {  	_ =	swait.ge [sflag:s6], $0x8000  }
0x54: {  	[sflag:s6] =	ssyncset.done $0x0  }
0x55: {  	s19 =	simm.s32 $0x0;
	[sflag:s6] =	ssyncadd.s32 $0xFFFF8000  }
.LBB2_2:
0x56: {  	s0 =	simm.s32 $0x1  }
0x57: {  	_ =	swait.ge [sflag:s0], $0x2000  }
0x58: {  	p1 =	seq.s32 s19, $0x0;
	[sflag:s0] =	ssyncset.done $0x0  }
0x59: {  	[sflag:s0] =	ssyncadd.s32 $0xFFFFE000;
	s0 =	simm.s32 @!p1 $0x5  }
0x5a: {  	s1 =	simm.s32 $0x0;
	_ =	swait.ge @!p1 [sflag:s0], $0x2000  }
0x5b: {  	s2 =	sand.u32 $0x60, s1;
	s3 =	sand.u32 $0x1C00, s1;
	[sflag:s0] =	ssyncset.done @!p1 $0x0  }
0x5c: {  	s21 =	sor.u32 s2, s3;
	[sflag:s0] =	ssyncadd.s32 @!p1 $0xFFFFE000  }
0x5d: {  	v2 =	vld [tilespmem:s21+$0x9010]  }
0x5e: {  	v3 =	vld [tilespmem:s21+$0x1010]  }
0x5f: {  	v4 =	vld [tilespmem:s21+$0x9090]  }
0x60: {  	v5 =	vld [tilespmem:s21+$0x1090]  }
0x61: {  	v6 =	vld [tilespmem:s21+$0x9110]  }
0x62: {  	v7 =	vld [tilespmem:s21+$0x1110]  }
0x63: {  	v8 =	vld [tilespmem:s21+$0x9190]  }
0x64: {  	v9 =	vld [tilespmem:s21+$0x1190]  }
0x65: {  	v10 =	vld [tilespmem:s21+$0x9210]  }
0x66: {  	v11 =	vld [tilespmem:s21+$0x1210]  }
0x67: {  	v12 =	vld [tilespmem:s21+$0x9290]  }
0x68: {  	s24 =	simm.s32 $0x100;
	s4 =	simm.s32 $0x20;
	v59 =	vld [tilespmem:s21+$0x9200]  }
0x69: {  	s5 =	sand.u32 $0x60, s4;
	s6 =	sand.u32 $0x1C00, s24;
	v13 =	vld [tilespmem:s21+$0x1200]  }
0x6a: {  	s5 =	sor.u32 s5, s6;
	v14 =	vld [tilespmem:s21+$0x1280]  }
0x6b: {  	v16 =	vld [tilespmem:s5+$0x9010]  }
0x6c: {  	v17 =	vld [tilespmem:s5+$0x1010]  }
0x6d: {  	v18 =	vld [tilespmem:s5+$0x9090]  }
0x6e: {  	v19 =	vld [tilespmem:s5+$0x1090]  }
0x6f: {  	v20 =	vld [tilespmem:s5+$0x9110]  }
0x70: {  	v21 =	vld [tilespmem:s5+$0x1110]  }
0x71: {  	v22 =	vld [tilespmem:s5+$0x9190]  }
0x72: {  	v23 =	vld [tilespmem:s5+$0x1190]  }
0x73: {  	v24 =	vld [tilespmem:s5+$0x9210]  }
0x74: {  	v25 =	vld [tilespmem:s5+$0x1210]  }
0x75: {  	v26 =	vld [tilespmem:s5+$0x9290]  }
0x76: {  	v60 =	vld [tilespmem:s5+$0x1290]  }
0x77: {  	v27 =	vld [tilespmem:s5+$0x9000]  }
0x78: {  	v61 =	vld [tilespmem:s5+$0x1000]  }
0x79: {  	v63 =	vld [tilespmem:s5+$0x9080]  }
0x7a: {  	s10 =	simm.s32 $0x200;
	s11 =	simm.s32 $0x40;
	v33 =	vld [tilespmem:s5+$0x1080]  }
0x7b: {  	s26 =	sand.u32 $0x60, s11;
	s28 =	sand.u32 $0x1C00, s10;
	v35 =	vld [tilespmem:s5+$0x9100]  }
0x7c: {  	s0 =	sor.u32 s26, s28;
	v36 =	vld [tilespmem:s5+$0x1100]  }
0x7d: {  	v37 =	vld [tilespmem:s0+$0x9010]  }
0x7e: {  	v38 =	vld [tilespmem:s0+$0x1010]  }
0x7f: {  	v39 =	vld [tilespmem:s0+$0x9090]  }
0x80: {  	v40 =	vld [tilespmem:s0+$0x1090]  }
0x81: {  	v41 =	vld [tilespmem:s0+$0x9110]  }
0x82: {  	v42 =	vld [tilespmem:s0+$0x1110]  }
0x83: {  	v43 =	vld [tilespmem:s0+$0x9190]  }
0x84: {  	v44 =	vld [tilespmem:s0+$0x1190]  }
0x85: {  	v45 =	vld [tilespmem:s0+$0x9210]  }
0x86: {  	v28 =	vld [tilespmem:s0+$0x1210]  }
0x87: {  	v46 =	vld [tilespmem:s0+$0x9290]  }
0x88: {  	v2 =	vadd.f32 v3, v2;
	v3 =	vld [tilespmem:s21+$0x1290]  }
0x89: {  	v47 =	vld [tilespmem:s0+$0x1290];
	v4 =	vadd.f32 v5, v4  }
0x8a: {  	v48 =	vld [tilespmem:s0+$0x9000];
	[tilespmem:s21+$0x11010] =	vst v2;
	v2 =	vadd.f32 v7, v6  }
0x8b: {  	s22 =	sand.u32 $0x3, s1;
	v50 =	vld [tilespmem:s0+$0x1000];
	[tilespmem:s21+$0x11090] =	vst v4;
	v4 =	vadd.f32 v9, v8  }
0x8c: {  	s2 =	sshll.u32 s22, $0x5;
	v51 =	vld [tilespmem:s0+$0x9080];
	[tilespmem:s21+$0x11110] =	vst v2;
	v2 =	vadd.f32 v11, v10  }
0x8d: {  	s7 =	sadd.s32 $0x0, s2;
	v53 =	vld [tilespmem:s0+$0x1080];
	[tilespmem:s21+$0x11190] =	vst v4;
	v3 =	vadd.f32 v3, v12  }
0x8e: {  	s2 =	sadd.s32 $0x10, s7;
	v56 =	vld [tilespmem:s0+$0x9100];
	[tilespmem:s21+$0x11210] =	vst v2  }
0x8f: {  	s23 =	sor.u32 $0x300, s2;
	v57 =	vld [tilespmem:s0+$0x1100];
	[tilespmem:s21+$0x11290] =	vst v3  }
0x90: {  	v3 =	vld [tilespmem:s23+$0x9000]  }
0x91: {  	v16 =	vadd.f32 v17, v16;
	v8 =	vld [tilespmem:s23+$0x1000]  }
0x92: {  	v5 =	vld [tilespmem:s21+$0x9000];
	v18 =	vadd.f32 v19, v18  }
0x93: {  	v62 =	vadd.f32 v21, v20;
	v6 =	vld [tilespmem:s21+$0x1000];
	[tilespmem:s5+$0x11010] =	vst v16  }
0x94: {  	v32 =	vadd.f32 v23, v22;
	v7 =	vld [tilespmem:s21+$0x9080];
	[tilespmem:s5+$0x11090] =	vst v18  }
0x95: {  	v34 =	vadd.f32 v25, v24;
	v9 =	vld [tilespmem:s21+$0x1100];
	[tilespmem:s5+$0x11110] =	vst v62  }
0x96: {  	[tilespmem:s5+$0x11190] =	vst v32;
	v4 =	vld [tilespmem:s21+$0x1080];
	v3 =	vadd.f32 v8, v3  }
0x97: {  	v17 =	vadd.f32 v60, v26;
	[tilespmem:s5+$0x11210] =	vst v34;
	v10 =	vld [tilespmem:s21+$0x9180]  }
0x98: {  	s2 =	sor.u32 $0x380, s2;
	v19 =	vadd.f32 v61, v27;
	v2 =	vld [tilespmem:s21+$0x9100];
	[tilespmem:s23+$0x11000] =	vst v3  }
0x99: {  	v49 =	vadd.f32 v40, v39;
	[tilespmem:s5+$0x11290] =	vst v17;
	v3 =	vld [tilespmem:s2+$0x9000]  }
0x9a: {  	s25 =	simm.s32 $0x1;
	v52 =	vadd.f32 v44, v43;
	[tilespmem:s5+$0x11000] =	vst v19;
	v15 =	vld [tilespmem:s2+$0x1000]  }
0x9b: {  	s6 =	sand.u32 $0x3, s25;
	v55 =	vadd.f32 v47, v46;
	[tilespmem:s0+$0x11090] =	vst v49;
	v11 =	vld [tilespmem:s21+$0x1180]  }
0x9c: {  	s6 =	sshll.u32 s6, $0x5;
	v58 =	vadd.f32 v33, v63;
	v63 =	vld [tilespmem:s0+$0x9200];
	[tilespmem:s0+$0x11190] =	vst v52;
	v5 =	vadd.f32 v6, v5  }
0x9d: {  	s6 =	sadd.s32 $0x100, s6;
	[tilespmem:s0+$0x11290] =	vst v55;
	v62 =	vld [tilespmem:s0+$0x1180];
	v4 =	vadd.f32 v4, v7  }
0x9e: {  	s8 =	sadd.s32 $0x10, s6;
	v6 =	vld [tilespmem:s5+$0x9180];
	[tilespmem:s21+$0x11000] =	vst v5;
	v2 =	vadd.f32 v9, v2  }
0x9f: {  	s12 =	sor.u32 $0x300, s8;
	[tilespmem:s21+$0x11080] =	vst v4;
	v8 =	vld [tilespmem:s21+$0x9280];
	v3 =	vadd.f32 v15, v3  }
0xa0: {  	v7 =	vld [tilespmem:s12+$0x9000];
	v4 =	vadd.f32 v11, v10;
	[tilespmem:s21+$0x11100] =	vst v2  }
0xa1: {  	v5 =	vld [tilespmem:s12+$0x1000];
	[tilespmem:s2+$0x11000] =	vst v3;
	v3 =	vadd.f32 v38, v37  }
0xa2: {  	v9 =	vld [tilespmem:s5+$0x1180];
	v2 =	vadd.f32 v13, v59;
	[tilespmem:s21+$0x11180] =	vst v4  }
0xa3: {  	v10 =	vld [tilespmem:s5+$0x9200];
	[tilespmem:s0+$0x11010] =	vst v3;
	v3 =	vadd.f32 v42, v41  }
0xa4: {  	v59 =	vld [tilespmem:s0+$0x9180];
	[tilespmem:s21+$0x11200] =	vst v2;
	v4 =	vadd.f32 v14, v8;
	s2 =	simm.s32 $0x2  }
0xa5: {  	v2 =	vld [tilespmem:s5+$0x9280];
	s29 =	sand.u32 $0x3, s2;
	[tilespmem:s0+$0x11110] =	vst v3;
	v3 =	vadd.f32 v28, v45  }
0xa6: {  	s9 =	sor.u32 $0x300, s7;
	v5 =	vadd.f32 v5, v7;
	v8 =	vld [tilespmem:s5+$0x1200];
	[tilespmem:s21+$0x11280] =	vst v4;
	s7 =	sshll.u32 s29, $0x5  }
0xa7: {  	v4 =	vld [tilespmem:s5+$0x1280];
	s30 =	sadd.s32 $0x200, s7;
	[tilespmem:s0+$0x11210] =	vst v3;
	v3 =	vadd.f32 v50, v48  }
0xa8: {  	[tilespmem:s12+$0x11000] =	vst v5;
	v7 =	vld [tilespmem:s9+$0x9000];
	s13 =	sadd.s32 $0x10, s30  }
0xa9: {  	v5 =	vld [tilespmem:s9+$0x1000];
	s14 =	sor.u32 $0x300, s13;
	[tilespmem:s0+$0x11000] =	vst v3;
	v3 =	vadd.f32 v53, v51  }
0xaa: {  	v61 =	vadd.f32 v36, v35;
	[tilespmem:s5+$0x11080] =	vst v58;
	v60 =	vld [tilespmem:s14+$0x9000]  }
0xab: {  	s8 =	sor.u32 $0x380, s8;
	v6 =	vadd.f32 v9, v6;
	[tilespmem:s0+$0x11080] =	vst v3;
	v3 =	vld [tilespmem:s14+$0x1000]  }
0xac: {  	[tilespmem:s5+$0x11100] =	vst v61;
	v9 =	vadd.f32 v57, v56;
	v11 =	vld [tilespmem:s8+$0x9000]  }
0xad: {  	v54 =	vld [tilespmem:s8+$0x1000];
	[tilespmem:s5+$0x11180] =	vst v6;
	v6 =	vadd.f32 v8, v10  }
0xae: {  	[tilespmem:s0+$0x11100] =	vst v9;
	v8 =	vld [tilespmem:s0+$0x1200];
	v4 =	vadd.f32 v4, v2  }
0xaf: {  	[tilespmem:s5+$0x11200] =	vst v6;
	v2 =	vld [tilespmem:s0+$0x9280];
	v6 =	vadd.f32 v5, v7  }
0xb0: {  	s7 =	sor.u32 $0x300, s6;
	v5 =	vld [tilespmem:s0+$0x1280];
	[tilespmem:s5+$0x11280] =	vst v4;
	v4 =	vadd.f32 v3, v60  }
0xb1: {  	s1 =	sor.u32 s1, s1;
	s31 =	sor.u32 s10, s11;
	v9 =	vadd.f32 v62, v59;
	[tilespmem:s9+$0x11000] =	vst v6;
	v7 =	vld [tilespmem:s7+$0x1000]  }
0xb2: {  	s3 =	sor.u32 s24, s4;
	s1 =	sor.u32 $0x380, s1;
	v6 =	vadd.f32 v54, v11;
	s10 =	sor.u32 $0x380, s13;
	v3 =	vld [tilespmem:s7+$0x9000];
	[tilespmem:s14+$0x11000] =	vst v4  }
0xb3: {  	s4 =	simm.s32 $0x300;
	[tilespmem:s0+$0x11180] =	vst v9;
	s6 =	sor.u32 $0x380, s3;
	s3 =	simm.s32 $0x4;
	v8 =	vadd.f32 v8, v63;
	v4 =	vld [tilespmem:s10+$0x9000]  }
0xb4: {  	s5 =	sor.u32 $0x380, s31;
	s9 =	sor.u32 $0x300, s30;
	[tilespmem:s8+$0x11000] =	vst v6;
	s8 =	simm.s32 $0x60;
	v6 =	vld [tilespmem:s10+$0x1000]  }
.LBB2_3:
0xb5: {  	s11 =	sand.u32 $0x60, s8;
	s12 =	sand.u32 $0x1C00, s4;
	s13 =	sor.u32 s4, s8;
	[tilespmem:s0+$0x11200] =	vst v8;
	v2 =	vadd.f32 v5, v2;
	v5 =	vld [tilespmem:s1+$0x9000]  }
0xb6: {  	s11 =	sor.u32 s11, s12;
	s12 =	sor.u32 $0x380, s13;
	v8 =	vld [tilespmem:s1+$0x1000]  }
0xb7: {  	v9 =	vld [tilespmem:s11+$0x9010];
	[tilespmem:s0+$0x11280] =	vst v2;
	v2 =	vadd.f32 v7, v3;
	s0 =	smov.u32 s11  }
0xb8: {  	v3 =	vld [tilespmem:s0+$0x1010]  }
0xb9: {  	v7 =	vld [tilespmem:s0+$0x9090];
	v4 =	vadd.f32 v6, v4;
	[tilespmem:s7+$0x11000] =	vst v2;
	s7 =	smov.u32 s9  }
0xba: {  	v2 =	vld [tilespmem:s0+$0x1090]  }
0xbb: {  	v6 =	vld [tilespmem:s0+$0x9110];
	[tilespmem:s10+$0x11000] =	vst v4;
	v4 =	vadd.f32 v8, v5  }
0xbc: {  	v5 =	vld [tilespmem:s0+$0x1110]  }
0xbd: {  	v8 =	vld [tilespmem:s0+$0x9190];
	[tilespmem:s1+$0x11000] =	vst v4;
	s1 =	smov.u32 s6;
	s6 =	smov.u32 s5;
	s5 =	smov.u32 s12  }
0xbe: {  	v4 =	vld [tilespmem:s0+$0x1190]  }
0xbf: {  	v10 =	vld [tilespmem:s0+$0x9210]  }
0xc0: {  	v11 =	vld [tilespmem:s0+$0x1210]  }
0xc1: {  	v12 =	vld [tilespmem:s0+$0x9290]  }
0xc2: {  	s3 =	sadd.s32 $0x2, s3;
	v3 =	vadd.f32 v3, v9;
	v9 =	vld [tilespmem:s0+$0x1290]  }
0xc3: {  	p0 =	slt.u32 s3, $0x3E;
	v2 =	vadd.f32 v2, v7;
	v13 =	vld [tilespmem:s0+$0x9000]  }
0xc4: {  	s2 =	sadd.s32 $0x1, s2;
	v7 =	vld [tilespmem:s0+$0x1000];
	[tilespmem:s0+$0x11010] =	vst v3;
	v3 =	vadd.f32 v5, v6  }
0xc5: {  	s9 =	sand.u32 $0x3, s2;
	v5 =	vld [tilespmem:s0+$0x9080];
	[tilespmem:s0+$0x11090] =	vst v2;
	v2 =	vadd.f32 v4, v8  }
0xc6: {  	s9 =	sshll.u32 s9, $0x5;
	v4 =	vld [tilespmem:s0+$0x1080];
	[tilespmem:s0+$0x11110] =	vst v3;
	v3 =	vadd.f32 v11, v10  }
0xc7: {  	s10 =	sadd.s32 s9, s4;
	v6 =	vld [tilespmem:s0+$0x9100];
	[tilespmem:s0+$0x11190] =	vst v2;
	v2 =	vadd.f32 v9, v12  }
0xc8: {  	s9 =	sor.u32 $0x300, s10;
	s10 =	sadd.s32 $0x10, s10;
	v8 =	vld [tilespmem:s0+$0x1100];
	[tilespmem:s0+$0x11210] =	vst v3  }
0xc9: {  	s11 =	sor.u32 $0x300, s10;
	v3 =	vadd.f32 v7, v13;
	v7 =	vld [tilespmem:s0+$0x9180];
	[tilespmem:s0+$0x11290] =	vst v2  }
0xca: {  	v9 =	vld [tilespmem:s11+$0x9000]  }
0xcb: {  	[tilespmem:s0+$0x11000] =	vst v3;
	v2 =	vadd.f32 v4, v5;
	v3 =	vld [tilespmem:s11+$0x1000]  }
0xcc: {  	v4 =	vld [tilespmem:s0+$0x1180]  }
0xcd: {  	[tilespmem:s0+$0x11080] =	vst v2;
	v2 =	vadd.f32 v8, v6;
	v6 =	vld [tilespmem:s0+$0x9200]  }
0xce: {  	v8 =	vld [tilespmem:s0+$0x1200]  }
0xcf: {  	[tilespmem:s0+$0x11100] =	vst v2;
	v2 =	vld [tilespmem:s0+$0x9280]  }
.Ltmp0:
0xd0: {  	v5 =	vld [tilespmem:s0+$0x1280];
	v9 =	vadd.f32 v3, v9;
	(pc) =	sbr.rel @p0 .LBB2_3-.Ltmp0, $4  }
0xd1: {  	v4 =	vadd.f32 v4, v7;
	v3 =	vld [tilespmem:s7+$0x9000]  }
0xd2: {  	s10 =	sor.u32 $0x380, s10;
	[tilespmem:s11+$0x11000] =	vst v9;
	v7 =	vld [tilespmem:s7+$0x1000]  }
0xd3: {  	[tilespmem:s0+$0x11180] =	vst v4;
	v8 =	vadd.f32 v8, v6;
	v4 =	vld [tilespmem:s10+$0x9000]  }
0xd4: {  	s8 =	sadd.s32 $0x20, s8;
	s4 =	sadd.s32 $0x100, s4;
	v6 =	vld [tilespmem:s10+$0x1000]  }
0xd5: {  	v2 =	vadd.f32 v5, v2  }
0xd6: {  	[tilespmem:s0+$0x11200] =	vst v8  }
0xd7: {  	[tilespmem:s0+$0x11280] =	vst v2  }
0xd8: {  	v2 =	vld [tilespmem:s9+$0x9000]  }
0xd9: {  	v5 =	vld [tilespmem:s9+$0x1000];
	_ =	sdelay $0x2  }
0xda: {  	v3 =	vadd.f32 v7, v3  }
0xdb: {  	v8 =	vld [tilespmem:s1+$0x1000]  }
0xdc: {  	v7 =	vld [tilespmem:s1+$0x9000];
	[tilespmem:s7+$0x11000] =	vst v3;
	v2 =	vadd.f32 v5, v2  }
0xdd: {  	v3 =	vld [tilespmem:s6+$0x9000]  }
0xde: {  	v5 =	vld [tilespmem:s6+$0x1000];
	[tilespmem:s9+$0x11000] =	vst v2  }
0xdf: {  	v2 =	vld [tilespmem:s5+$0x9000]  }
0xe0: {  	v9 =	vld [tilespmem:s5+$0x1000]  }
0xe1: {  	v4 =	vadd.f32 v6, v4  }
0xe2: {  	v6 =	vadd.f32 v8, v7  }
0xe3: {  	[tilespmem:s10+$0x11000] =	vst v4  }
0xe4: {  	s0 =	sadd.s32 $0x1, s19;
	[tilespmem:s1+$0x11000] =	vst v6;
	v3 =	vadd.f32 v5, v3  }
0xe5: {  	[dreg:$0x11] =	wrdreg s0;
	v2 =	vadd.f32 v9, v2  }
0xe6: {  	p0 =	seq.s32 s19, $0x1F;
	[tilespmem:s6+$0x11000] =	vst v3  }
0xe7: {  	s0 =	sshll.u32 @!p0 s0, $0x7;
	[tilespmem:s5+$0x11000] =	vst v2  }
0xe8: {  	s1 =	sand.u32 @!p0 $0x3FFFFF80, s0;
	s0 =	rddreg [dreg:$0x5]  }
0xe9: {  	s0 =	sor.u32 @!p0 s1, s0  }
0xea: {  	v2 =	vld.msk @!p0 [tilespmem:s0+$0x0], $0xff;
	_ =	sdelay $0x4  }
0xeb: {  	v3 =	vshll.u32 @!p0 v2, $0x3  }
0xec: {  	v4 =	vlaneseq.u32 @!p0;
	v2 =	vand.u32 @!p0 $0x7, v2;
	v3 =	vand.u32 @!p0 $0xFFFFFFC0, v3  }
0xed: {  	v2 =	vor.u32 @!p0 v2, v3;
	v3 =	vand.u32 @!p0 $0x7, v4;
	v4 =	vshrl.u32 @!p0 v4, $0x3  }
0xee: {  	v2 =	vperm.xlane @!p0 v2, v3;
	v3 =	vmul.u32 @!p0 $0x8, v4;
	_ =	sdelay $0x1  }
0xef: {  	v2 =	vadd.s32 @!p0 v3, v2;
	_ =	sdelay $0x1  }
0xf0: {  	[dreg:$0x12] =	wrdreg s1  }
0xf1: {  	s2 =	rddreg [dreg:$0x4]  }
0xf2: {  	vm1 =	vmmov @!p0 $0xffff;
	s9 =	rddreg [dreg:$0x7];
	s1 =	simm.s32 @!p0 $0x9000;
	s0 =	simm.s32 @!p0 $0x0  }
0xf3: {  	[tilespmem:s1], [sflag:$0x1] =	stream.indirect_vreg.gather @!p0 [hbm4b:s2+s0], $0x80, v2, vm1, $0xb8;
	[tilespmem:$0x19000] =	vst v63  }
0xf4: {  	s1 =	simm.s32 @!p0 $0x9800;
	s2 =	rddreg [dreg:$0x9]  }
0xf5: {  	[tilespmem:s1], [sflag:$0x1] =	stream.indirect_vreg.gather @!p0 [hbm4b:s2+s0], $0x80, v2, vm1, $0xb8;
	[tilespmem:$0x19000] =	vst v63  }
0xf6: {  	s1 =	simm.s32 @!p0 $0xA000;
	s2 =	rddreg [dreg:$0xa]  }
0xf7: {  	[tilespmem:s1], [sflag:$0x1] =	stream.indirect_vreg.gather @!p0 [hbm4b:s2+s0], $0x80, v2, vm1, $0xb8;
	[tilespmem:$0x19000] =	vst v63  }
0xf8: {  	s8 =	sshll.u32 s19, $0x14;
	s1 =	simm.s32 @!p0 $0xA800;
	s2 =	rddreg [dreg:$0xb]  }
0xf9: {  	[tilespmem:s1], [sflag:$0x1] =	stream.indirect_vreg.gather @!p0 [hbm4b:s2+s0], $0x80, v2, vm1, $0xb8;
	[tilespmem:$0x19000] =	vst v63  }
0xfa: {  	s11 =	simm.s32 $0x0;
	s0 =	sor.u32 s9, s8  }
0xfb: {  	s12 =	simm.s32 $0x11000;
	s10 =	rddreg [dreg:$0x2];
	s1 =	sshrl.u32 s0, $0x3  }
0xfc: {  	s13 =	simm.s32 $0x2;
	[dreg:$0x14] =	wrdreg s1;
	s0 =	sadd.s32 s10, s1  }
0xfd: {  	[hbm4b:s0+s11] =	stream.linear.scatter [tilespmem:s12], [sflag:$0x5], $0x2000, $0x38;
	[tilespmem:$0x19000] =	vst v63  }
0xfe: {  	_ =	swait.ge [sflag:s13], $0x2000  }
0xff: {  	[sflag:s13] =	ssyncset.done $0x0  }
0x100: {  	s31 =	simm.s32 $0x0;
	s1 =	simm.s32 @!p1 $0x6;
	[sflag:s13] =	ssyncadd.s32 $0xFFFFE000  }
0x101: {  	s12 =	sand.u32 $0x60, s31;
	_ =	swait.ge @!p1 [sflag:s1], $0x2000  }
0x102: {  	s8 =	sand.u32 $0x1C00, s31;
	s6 =	sor.u32 $0x10, s12;
	[sflag:s1] =	ssyncset.done @!p1 $0x0  }
0x103: {  	s14 =	sadd.s32 $0x3000, s8;
	s3 =	sor.u32 s8, s6;
	[sflag:s1] =	ssyncadd.s32 @!p1 $0xFFFFE000  }
0x104: {  	s15 =	sor.u32 s6, s14;
	v2 =	vld [tilespmem:s3+$0xB000]  }
0x105: {  	v3 =	vld [tilespmem:s15+$0x0];
	_ =	sdelay $0x4  }
0x106: {  	v2 =	vadd.f32 v3, v2  }
0x107: {  	s16 =	sadd.s32 $0x3080, s8  }
0x108: {  	s4 =	sor.u32 s6, s16;
	[tilespmem:s3+$0x13000] =	vst v2;
	v2 =	vld [tilespmem:s3+$0xB080]  }
0x109: {  	v3 =	vld [tilespmem:s4+$0x0];
	_ =	sdelay $0x2  }
0x10a: {  	s1 =	sor.u32 s12, s14  }
0x10b: {  	s20 =	sor.u32 s12, s8;
	v4 =	vld [tilespmem:s1+$0x0]  }
0x10c: {  	s21 =	simm.s32 $0x100;
	v2 =	vadd.f32 v3, v2;
	v3 =	vld [tilespmem:s20+$0xB000]  }
0x10d: {  	s19 =	simm.s32 $0x20;
	s17 =	sadd.s32 $0x3100, s8;
	s14 =	sand.u32 $0x1C00, s21;
	v6 =	vld [tilespmem:s20+$0xB080]  }
0x10e: {  	s18 =	sor.u32 s6, s17;
	s1 =	sand.u32 $0x60, s19;
	s22 =	sadd.s32 $0x3000, s14;
	[tilespmem:s3+$0x13080] =	vst v2;
	v2 =	vld [tilespmem:s3+$0xB100]  }
0x10f: {  	s5 =	sor.u32 s1, s22;
	v5 =	vld [tilespmem:s18+$0x0]  }
0x110: {  	s7 =	sor.u32 $0x10, s1;
	s26 =	sor.u32 s1, s14;
	v8 =	vld [tilespmem:s5+$0x0]  }
0x111: {  	s23 =	sor.u32 s14, s7;
	v9 =	vld [tilespmem:s26+$0xB000];
	v3 =	vadd.f32 v4, v3  }
0x112: {  	s24 =	sor.u32 s7, s22;
	v4 =	vld [tilespmem:s23+$0xB000]  }
0x113: {  	s2 =	sor.u32 s12, s16;
	[tilespmem:s20+$0x13000] =	vst v3;
	v3 =	vld [tilespmem:s24+$0x0]  }
0x114: {  	v2 =	vadd.f32 v5, v2;
	v5 =	vld [tilespmem:s2+$0x0]  }
0x115: {  	s25 =	sadd.s32 $0x3180, s8;
	v10 =	vld [tilespmem:s26+$0xB100]  }
0x116: {  	s29 =	sor.u32 s6, s25;
	[tilespmem:s3+$0x13100] =	vst v2;
	v2 =	vld [tilespmem:s3+$0xB180]  }
0x117: {  	v7 =	vld [tilespmem:s29+$0x0]  }
0x118: {  	v12 =	vld [tilespmem:s26+$0xB180];
	v3 =	vadd.f32 v3, v4  }
0x119: {  	s0 =	sadd.s32 $0x3080, s14;
	v59 =	vld [tilespmem:s26+$0xB280];
	v5 =	vadd.f32 v5, v6  }
0x11a: {  	s10 =	sor.u32 s7, s0;
	[tilespmem:s23+$0x13000] =	vst v3;
	v3 =	vld [tilespmem:s23+$0xB080]  }
0x11b: {  	[tilespmem:s20+$0x13080] =	vst v5;
	v5 =	vld [tilespmem:s10+$0x0]  }
0x11c: {  	s4 =	sor.u32 s12, s17;
	v4 =	vld [tilespmem:s20+$0xB100];
	v2 =	vadd.f32 v7, v2  }
0x11d: {  	s11 =	sadd.s32 $0x3200, s8;
	v6 =	vld [tilespmem:s4+$0x0]  }
0x11e: {  	s15 =	sor.u32 s6, s11;
	v7 =	vld [tilespmem:s3+$0xB200];
	[tilespmem:s3+$0x13180] =	vst v2;
	v2 =	vadd.f32 v8, v9  }
0x11f: {  	v8 =	vld [tilespmem:s15+$0x0]  }
0x120: {  	s5 =	sor.u32 s1, s0;
	v9 =	vld [tilespmem:s26+$0xB080];
	[tilespmem:s26+$0x13000] =	vst v2;
	v3 =	vadd.f32 v5, v3  }
0x121: {  	s16 =	sadd.s32 $0x3100, s14;
	v2 =	vld [tilespmem:s5+$0x0]  }
0x122: {  	s17 =	sor.u32 s7, s16;
	v4 =	vadd.f32 v6, v4;
	[tilespmem:s23+$0x13080] =	vst v3;
	v3 =	vld [tilespmem:s23+$0xB100]  }
0x123: {  	v5 =	vld [tilespmem:s17+$0x0]  }
0x124: {  	s13 =	simm.s32 $0x200;
	s22 =	simm.s32 $0x40;
	s2 =	sor.u32 s12, s25;
	[tilespmem:s20+$0x13100] =	vst v4;
	v6 =	vadd.f32 v8, v7;
	v7 =	vld [tilespmem:s20+$0xB180]  }
0x125: {  	s9 =	sadd.s32 $0x3280, s8;
	s29 =	sand.u32 $0x60, s22;
	s5 =	sand.u32 $0x1C00, s13;
	v4 =	vld [tilespmem:s2+$0x0]  }
0x126: {  	s18 =	sor.u32 s6, s9;
	s15 =	sadd.s32 $0x3000, s5;
	s2 =	sor.u32 $0x10, s29;
	v2 =	vadd.f32 v2, v9;
	[tilespmem:s3+$0x13200] =	vst v6;
	v9 =	vld [tilespmem:s3+$0xB280]  }
0x127: {  	s19 =	sor.u32 s2, s15;
	v6 =	vld [tilespmem:s18+$0x0]  }
0x128: {  	s10 =	sor.u32 s1, s16;
	[tilespmem:s26+$0x13080] =	vst v2;
	v3 =	vadd.f32 v5, v3;
	v5 =	vld [tilespmem:s19+$0x0]  }
0x129: {  	s25 =	sor.u32 s5, s2;
	v2 =	vld [tilespmem:s10+$0x0]  }
0x12a: {  	[tilespmem:s23+$0x13100] =	vst v3;
	v3 =	vld [tilespmem:s25+$0xB000]  }
0x12b: {  	v11 =	vld [tilespmem:s23+$0xB200];
	s16 =	sadd.s32 $0x3180, s14;
	v4 =	vadd.f32 v4, v7  }
0x12c: {  	s21 =	sor.u32 s7, s16;
	v7 =	vld [tilespmem:s23+$0xB180]  }
0x12d: {  	s4 =	sor.u32 s12, s11;
	v8 =	vld [tilespmem:s21+$0x0];
	[tilespmem:s20+$0x13180] =	vst v4  }
0x12e: {  	v4 =	vld [tilespmem:s4+$0x0];
	v2 =	vadd.f32 v2, v10  }
0x12f: {  	v3 =	vadd.f32 v5, v3;
	v5 =	vadd.f32 v6, v9;
	v6 =	vld [tilespmem:s25+$0xB080]  }
0x130: {  	s10 =	sadd.s32 $0x3080, s5;
	s4 =	sor.u32 s1, s16;
	v9 =	vld [tilespmem:s20+$0xB200];
	[tilespmem:s26+$0x13100] =	vst v2  }
0x131: {  	s11 =	sadd.s32 $0x3300, s8;
	s24 =	sor.u32 s2, s10;
	[tilespmem:s25+$0x13000] =	vst v3;
	v2 =	vld [tilespmem:s4+$0x0]  }
0x132: {  	s0 =	sor.u32 s6, s11;
	[tilespmem:s3+$0x13280] =	vst v5;
	v5 =	vadd.f32 v8, v7;
	v3 =	vld [tilespmem:s24+$0x0]  }
0x133: {  	s21 =	sor.u32 s29, s15;
	s16 =	sadd.s32 $0x3200, s14;
	v7 =	vld [tilespmem:s0+$0x0]  }
0x134: {  	s17 =	sand.u32 $0x3, s31;
	s19 =	sor.u32 s7, s16;
	[tilespmem:s23+$0x13180] =	vst v5;
	v5 =	vld [tilespmem:s21+$0x0]  }
0x135: {  	s18 =	sshll.u32 s17, $0x5;
	s21 =	sor.u32 s29, s5;
	v8 =	vld [tilespmem:s19+$0x0]  }
0x136: {  	s4 =	sadd.s32 $0x0, s18;
	v10 =	vld [tilespmem:s21+$0xB000]  }
0x137: {  	s28 =	sadd.s32 $0x10, s4;
	v55 =	vld [tilespmem:s21+$0xB100]  }
0x138: {  	s24 =	sor.u32 $0x300, s28;
	v4 =	vadd.f32 v4, v9;
	v58 =	vld [tilespmem:s21+$0xB200]  }
0x139: {  	v2 =	vadd.f32 v2, v12;
	v3 =	vadd.f32 v3, v6;
	v6 =	vld [tilespmem:s24+$0xB000]  }
0x13a: {  	s9 =	sor.u32 s12, s9;
	s18 =	sadd.s32 $0x3100, s5;
	v19 =	vld [tilespmem:s21+$0xB280];
	[tilespmem:s20+$0x13200] =	vst v4  }
0x13b: {  	s3 =	sadd.s32 $0x3380, s8;
	s8 =	sor.u32 s29, s10;
	s10 =	sor.u32 s1, s16;
	v9 =	vld [tilespmem:s9+$0x0];
	[tilespmem:s26+$0x13180] =	vst v2  }
0x13c: {  	s0 =	sor.u32 s2, s18;
	[tilespmem:s25+$0x13080] =	vst v3;
	v4 =	vadd.f32 v5, v10;
	v2 =	vld [tilespmem:s10+$0x0]  }
0x13d: {  	v3 =	vld [tilespmem:s0+$0x0]  }
0x13e: {  	[tilespmem:s21+$0x13000] =	vst v4;
	v6 =	vadd.f32 v7, v6;
	v7 =	vld [tilespmem:s25+$0xB100]  }
0x13f: {  	v4 =	vld [tilespmem:s8+$0x0]  }
0x140: {  	[tilespmem:s24+$0x13000] =	vst v6;
	v6 =	vadd.f32 v8, v11;
	v8 =	vld [tilespmem:s21+$0xB080]  }
0x141: {  	s17 =	sadd.s32 $0x3280, s14;
	s6 =	sor.u32 s6, s3;
	v10 =	vld [tilespmem:s26+$0xB200]  }
0x142: {  	s9 =	sor.u32 s7, s17;
	v5 =	vld [tilespmem:s6+$0x0];
	[tilespmem:s23+$0x13200] =	vst v6  }
0x143: {  	v3 =	vadd.f32 v3, v7;
	v6 =	vld [tilespmem:s9+$0x0]  }
0x144: {  	s16 =	sadd.s32 $0x3180, s5;
	v7 =	vld [tilespmem:s23+$0xB280]  }
0x145: {  	s15 =	sor.u32 s2, s16;
	s9 =	simm.s32 $0x60;
	[tilespmem:s25+$0x13100] =	vst v3;
	v4 =	vadd.f32 v4, v8;
	v8 =	vld [tilespmem:s20+$0xB280]  }
0x146: {  	s30 =	simm.s32 $0x300;
	s6 =	sand.u32 $0x60, s9;
	v3 =	vld [tilespmem:s15+$0x0]  }
0x147: {  	s19 =	sor.u32 s29, s18;
	s8 =	sand.u32 $0x1C00, s30;
	s15 =	sor.u32 $0x10, s6;
	[tilespmem:s21+$0x13080] =	vst v4;
	v4 =	vld [tilespmem:s25+$0xB180]  }
0x148: {  	s18 =	sor.u32 s8, s15;
	v11 =	vld [tilespmem:s19+$0x0]  }
0x149: {  	s19 =	sadd.s32 $0x3000, s8;
	v13 =	vld [tilespmem:s18+$0xB080]  }
0x14a: {  	v6 =	vadd.f32 v6, v7;
	v16 =	vld [tilespmem:s18+$0xB100];
	s24 =	sor.u32 s15, s19  }
0x14b: {  	s10 =	sadd.s32 $0x3300, s14;
	v2 =	vadd.f32 v2, v10;
	v7 =	vld [tilespmem:s24+$0x0]  }
0x14c: {  	s0 =	sor.u32 s7, s10;
	[tilespmem:s23+$0x13280] =	vst v6;
	v6 =	vadd.f32 v9, v8;
	v8 =	vld [tilespmem:s18+$0xB000]  }
0x14d: {  	s17 =	sor.u32 s1, s17;
	[tilespmem:s26+$0x13200] =	vst v2;
	v9 =	vld [tilespmem:s0+$0x0]  }
0x14e: {  	s11 =	sor.u32 s12, s11;
	v2 =	vadd.f32 v3, v4;
	[tilespmem:s20+$0x13280] =	vst v6;
	v6 =	vld [tilespmem:s17+$0x0]  }
0x14f: {  	s4 =	sor.u32 $0x300, s4;
	s17 =	sadd.s32 $0x3200, s5;
	v10 =	vld [tilespmem:s11+$0x0]  }
0x150: {  	v3 =	vadd.f32 v11, v55;
	s0 =	sor.u32 s2, s17;
	v60 =	vld [tilespmem:s4+$0xB000];
	[tilespmem:s25+$0x13180] =	vst v2  }
0x151: {  	s24 =	simm.s32 $0x1;
	v2 =	vld [tilespmem:s0+$0x0]  }
0x152: {  	s20 =	sor.u32 s6, s19;
	s11 =	sand.u32 $0x3, s24;
	[tilespmem:s21+$0x13100] =	vst v3;
	v3 =	vld [tilespmem:s25+$0xB200]  }
0x153: {  	s16 =	sor.u32 s29, s16;
	s11 =	sshll.u32 s11, $0x5;
	v4 =	vadd.f32 v7, v8;
	v8 =	vld [tilespmem:s20+$0x0]  }
0x154: {  	s19 =	sadd.s32 $0x3080, s8;
	s11 =	sadd.s32 $0x100, s11;
	s20 =	sor.u32 s6, s8;
	v7 =	vld [tilespmem:s16+$0x0]  }
0x155: {  	s23 =	sor.u32 s15, s19;
	s16 =	sadd.s32 $0x10, s11;
	v56 =	vld [tilespmem:s20+$0xB000];
	[tilespmem:s18+$0x13000] =	vst v4  }
0x156: {  	v4 =	vld [tilespmem:s23+$0x0];
	s23 =	sor.u32 $0x300, s16  }
0x157: {  	v6 =	vadd.f32 v6, v59;
	v11 =	vld [tilespmem:s23+$0xB000]  }
0x158: {  	v14 =	vld [tilespmem:s20+$0xB080];
	v2 =	vadd.f32 v2, v3  }
0x159: {  	s0 =	sadd.s32 $0x3280, s5;
	[tilespmem:s26+$0x13280] =	vst v6;
	s26 =	sor.u32 s1, s10;
	v3 =	vld [tilespmem:s21+$0xB180]  }
0x15a: {  	s24 =	sor.u32 s2, s0;
	v6 =	vadd.f32 v10, v60;
	v18 =	vld [tilespmem:s26+$0x0];
	[tilespmem:s25+$0x13200] =	vst v2  }
0x15b: {  	v8 =	vadd.f32 v8, v56;
	v2 =	vld [tilespmem:s24+$0x0]  }
0x15c: {  	s3 =	sor.u32 s12, s3;
	[tilespmem:s4+$0x13000] =	vst v6;
	v9 =	vadd.f32 v9, v11;
	v11 =	vld [tilespmem:s25+$0xB280]  }
0x15d: {  	v6 =	vld [tilespmem:s3+$0x0];
	s24 =	sor.u32 s6, s19;
	[tilespmem:s20+$0x13000] =	vst v8;
	v4 =	vadd.f32 v4, v13  }
0x15e: {  	s19 =	sor.u32 s29, s17;
	s17 =	sor.u32 $0x380, s28;
	v8 =	vld [tilespmem:s24+$0x0]  }
0x15f: {  	s14 =	sadd.s32 $0x3380, s14;
	v17 =	vld [tilespmem:s17+$0xB000];
	v3 =	vadd.f32 v7, v3;
	[tilespmem:s18+$0x13080] =	vst v4  }
0x160: {  	s7 =	sor.u32 s7, s14;
	v4 =	vld [tilespmem:s20+$0xB180];
	[tilespmem:s23+$0x13000] =	vst v9  }
0x161: {  	s23 =	sadd.s32 $0x3100, s8;
	v7 =	vld [tilespmem:s7+$0x0];
	[tilespmem:s21+$0x13180] =	vst v3;
	v2 =	vadd.f32 v2, v11  }
0x162: {  	s24 =	sor.u32 s15, s23;
	s7 =	simm.s32 $0x2;
	v57 =	vld [tilespmem:s19+$0x0];
	s19 =	sadd.s32 $0x3300, s5  }
0x163: {  	v11 =	vld [tilespmem:s24+$0x0];
	v8 =	vadd.f32 v8, v14;
	s24 =	sand.u32 $0x3, s7;
	[tilespmem:s25+$0x13280] =	vst v2;
	s25 =	sor.u32 s2, s19  }
0x164: {  	s16 =	sor.u32 $0x380, s16;
	v15 =	vld [tilespmem:s25+$0x0];
	s25 =	sshll.u32 s24, $0x5  }
0x165: {  	s23 =	sor.u32 s6, s23;
	v61 =	vld [tilespmem:s16+$0xB000];
	[tilespmem:s20+$0x13080] =	vst v8;
	s24 =	sadd.s32 $0x200, s25  }
0x166: {  	v8 =	vld [tilespmem:s23+$0x0];
	s23 =	sadd.s32 $0x10, s24  }
0x167: {  	v9 =	vld [tilespmem:s20+$0xB100];
	v12 =	vadd.f32 v57, v58;
	s25 =	sor.u32 $0x300, s23  }
0x168: {  	v62 =	vld [tilespmem:s25+$0xB000]  }
0x169: {  	s0 =	sor.u32 s29, s0;
	s10 =	simm.s32 $0x20;
	s26 =	simm.s32 $0x100;
	v3 =	vld [tilespmem:s20+$0xB200];
	[tilespmem:s21+$0x13200] =	vst v12  }
0x16a: {  	v5 =	vadd.f32 v5, v17;
	v12 =	vld [tilespmem:s0+$0x0];
	s0 =	sor.u32 s26, s10;
	s26 =	sor.u32 s13, s22;
	s22 =	sor.u32 $0x300, s11  }
0x16b: {  	v7 =	vadd.f32 v7, v61;
	s13 =	sor.u32 s31, s31;
	v63 =	vld [tilespmem:s22+$0xB000]  }
0x16c: {  	s12 =	sor.u32 s1, s14;
	v2 =	vld [tilespmem:s20+$0xB280];
	[tilespmem:s17+$0x13000] =	vst v5;
	v10 =	vadd.f32 v11, v16;
	s28 =	sor.u32 $0x300, s24;
	s13 =	sor.u32 $0x380, s13  }
0x16d: {  	[tilespmem:s16+$0x13000] =	vst v7;
	s24 =	simm.s32 $0x80;
	s11 =	sadd.s32 $0x3180, s8;
	s31 =	sadd.s32 $0x3380, s5;
	v7 =	vld [tilespmem:s13+$0xB000];
	v5 =	vadd.f32 v15, v62  }
0x16e: {  	v11 =	vld [tilespmem:s18+$0xB180];
	[tilespmem:s18+$0x13100] =	vst v10;
	s14 =	sor.u32 s15, s11;
	s1 =	sor.u32 $0x380, s0;
	s0 =	sor.u32 $0x380, s26;
	v8 =	vadd.f32 v8, v9  }
0x16f: {  	s26 =	sor.u32 s30, s9;
	s5 =	sor.u32 s29, s31;
	v10 =	vld [tilespmem:s14+$0x0];
	v9 =	vadd.f32 v12, v19;
	[tilespmem:s25+$0x13000] =	vst v5;
	s25 =	sor.u32 $0x380, s23  }
0x170: {  	s9 =	sor.u32 s2, s31;
	s10 =	sor.u32 s6, s11;
	s14 =	sor.u32 s29, s19;
	[tilespmem:s20+$0x13100] =	vst v8;
	v5 =	vadd.f32 v18, v63;
	v8 =	vld [tilespmem:s25+$0xB000]  }
0x171: {  	s2 =	sor.u32 $0x380, s26;
	s23 =	simm.s32 $0x6;
	[tilespmem:s21+$0x13280] =	vst v9;
	s21 =	simm.s32 $0x300;
	v9 =	vld [tilespmem:s9+$0x0]  }
.LBB2_5:
0x172: {  	s3 =	sand.u32 $0x60, s24;
	v12 =	vld [tilespmem:s10+$0x0];
	s30 =	sadd.s32 $0x100, s30;
	[tilespmem:s22+$0x13000] =	vst v5;
	v6 =	vadd.f32 v6, v7;
	s22 =	smov.u32 s28  }
0x173: {  	s26 =	sand.u32 $0x1C00, s30;
	s11 =	sor.u32 s30, s24;
	s4 =	sor.u32 $0x10, s3;
	v5 =	vld [tilespmem:s22+$0xB000]  }
0x174: {  	s9 =	sor.u32 s3, s26;
	s16 =	sadd.s32 $0x3000, s26;
	s10 =	sor.u32 s26, s4;
	v7 =	vadd.f32 v10, v11;
	v10 =	vld [tilespmem:s18+$0xB200];
	[tilespmem:s13+$0x13000] =	vst v6  }
0x175: {  	s17 =	sor.u32 s3, s16;
	v6 =	vld [tilespmem:s10+$0xB000];
	s13 =	sor.u32 s4, s16;
	s16 =	sadd.s32 $0x3200, s8  }
0x176: {  	s23 =	sadd.s32 $0x2, s23;
	v11 =	vld [tilespmem:s13+$0x0];
	s19 =	sor.u32 s6, s16;
	[tilespmem:s18+$0x13180] =	vst v7;
	s13 =	sor.u32 s15, s16;
	v7 =	vadd.f32 v9, v8  }
0x177: {  	p2 =	slt.u32 s23, $0x3E;
	s11 =	sor.u32 $0x380, s11;
	v4 =	vadd.f32 v12, v4;
	v8 =	vld [tilespmem:s13+$0x0];
	s13 =	smov.u32 s1  }
0x178: {  	s1 =	smov.u32 s0;
	s0 =	smov.u32 s2;
	s2 =	smov.u32 s11;
	v9 =	vld [tilespmem:s17+$0x0];
	[tilespmem:s25+$0x13000] =	vst v7  }
0x179: {  	v7 =	vld [tilespmem:s9+$0xB000];
	[tilespmem:s20+$0x13180] =	vst v4  }
0x17a: {  	v12 =	vld [tilespmem:s9+$0xB080]  }
0x17b: {  	v13 =	vld [tilespmem:s9+$0xB100];
	v4 =	vadd.f32 v11, v6  }
0x17c: {  	s11 =	sadd.s32 $0x3080, s26;
	v6 =	vadd.f32 v8, v10;
	v8 =	vld [tilespmem:s18+$0xB280]  }
0x17d: {  	s16 =	sor.u32 s3, s11;
	s11 =	sor.u32 s4, s11;
	s17 =	sadd.s32 $0x3280, s8;
	[tilespmem:s10+$0x13000] =	vst v4;
	v10 =	vld [tilespmem:s10+$0xB080]  }
0x17e: {  	v4 =	vadd.f32 v9, v7;
	v7 =	vld [tilespmem:s11+$0x0];
	s11 =	sor.u32 s6, s17;
	[tilespmem:s18+$0x13200] =	vst v6;
	s17 =	sor.u32 s15, s17  }
0x17f: {  	v6 =	vld [tilespmem:s17+$0x0]  }
0x180: {  	[tilespmem:s9+$0x13000] =	vst v4;
	v4 =	vld [tilespmem:s9+$0xB180]  }
0x181: {  	s7 =	sadd.s32 $0x1, s7;
	v9 =	vld [tilespmem:s16+$0x0]  }
0x182: {  	s16 =	sand.u32 $0x3, s7;
	v11 =	vld [tilespmem:s19+$0x0]  }
0x183: {  	s16 =	sshll.u32 s16, $0x5;
	v14 =	vld [tilespmem:s9+$0xB200];
	v7 =	vadd.f32 v7, v10  }
0x184: {  	s17 =	sadd.s32 $0x3100, s26;
	s16 =	sadd.s32 s16, s21;
	s21 =	smov.u32 s30;
	v15 =	vld [tilespmem:s9+$0xB280];
	v6 =	vadd.f32 v6, v8  }
0x185: {  	s19 =	sor.u32 s3, s17;
	s17 =	sor.u32 s4, s17;
	s25 =	sadd.s32 $0x10, s16;
	[tilespmem:s10+$0x13080] =	vst v7;
	v7 =	vld [tilespmem:s10+$0xB100]  }
0x186: {  	s28 =	sor.u32 $0x300, s16;
	s16 =	sadd.s32 $0x3300, s8;
	v8 =	vadd.f32 v9, v12;
	v9 =	vld [tilespmem:s17+$0x0];
	[tilespmem:s18+$0x13280] =	vst v6;
	s17 =	sor.u32 $0x300, s25  }
0x187: {  	s29 =	sor.u32 s6, s16;
	s16 =	sor.u32 s15, s16;
	s18 =	smov.u32 s10;
	v6 =	vadd.f32 v11, v3;
	v10 =	vld [tilespmem:s17+$0xB000]  }
0x188: {  	[tilespmem:s9+$0x13080] =	vst v8;
	v8 =	vld [tilespmem:s16+$0x0];
	v3 =	vmov v14  }
0x189: {  	v11 =	vld [tilespmem:s19+$0x0];
	[tilespmem:s20+$0x13200] =	vst v6  }
0x18a: {  	v12 =	vld [tilespmem:s11+$0x0]  }
0x18b: {  	v14 =	vld [tilespmem:s14+$0x0];
	s14 =	smov.u32 s29  }
0x18c: {  	v9 =	vadd.f32 v9, v7;
	v7 =	vld [tilespmem:s13+$0xB000]  }
.Ltmp1:
0x18d: {  	s11 =	sadd.s32 $0x3180, s26;
	v8 =	vadd.f32 v8, v10;
	v6 =	vld [tilespmem:s12+$0x0];
	s12 =	smov.u32 s5;
	(pc) =	sbr.rel @p2 .LBB2_5-.Ltmp1, $4  }
0x18e: {  	s10 =	sor.u32 s3, s11;
	s5 =	sor.u32 s4, s11;
	v13 =	vadd.f32 v11, v13;
	[tilespmem:s18+$0x13100] =	vst v9;
	v11 =	vld [tilespmem:s18+$0xB180]  }
0x18f: {  	s25 =	sor.u32 $0x380, s25;
	s11 =	sadd.s32 $0x3380, s8;
	s8 =	smov.u32 s26;
	v10 =	vld [tilespmem:s5+$0x0];
	v9 =	vadd.f32 v12, v2;
	[tilespmem:s17+$0x13000] =	vst v8;
	v2 =	vmov v15  }
0x190: {  	s5 =	sor.u32 s6, s11;
	s11 =	sor.u32 s15, s11;
	s6 =	smov.u32 s3;
	[tilespmem:s9+$0x13100] =	vst v13;
	v8 =	vld [tilespmem:s25+$0xB000];
	v5 =	vadd.f32 v14, v5  }
0x191: {  	s24 =	sadd.s32 $0x20, s24;
	s15 =	smov.u32 s4;
	[tilespmem:s20+$0x13280] =	vst v9;
	v9 =	vld [tilespmem:s11+$0x0];
	s20 =	smov.u32 s9  }
0x192: {  	_ = 	snop  }
0x193: {  	v12 =	vld [tilespmem:s10+$0x0]  }
0x194: {  	v10 =	vadd.f32 v10, v11  }
0x195: {  	s3 =	sadd.s32 $0x3200, s8  }
0x196: {  	s4 =	sor.u32 s15, s3;
	v11 =	vld [tilespmem:s18+$0xB200];
	[tilespmem:s18+$0x13180] =	vst v10  }
0x197: {  	v10 =	vld [tilespmem:s4+$0x0]  }
0x198: {  	v4 =	vadd.f32 v12, v4;
	_ =	sdelay $0x1  }
0x199: {  	s3 =	sor.u32 s6, s3;
	[tilespmem:s20+$0x13180] =	vst v4  }
0x19a: {  	v4 =	vld [tilespmem:s3+$0x0]  }
0x19b: {  	v10 =	vadd.f32 v10, v11  }
0x19c: {  	s10 =	sadd.s32 $0x3280, s8  }
0x19d: {  	s11 =	sor.u32 s15, s10;
	v11 =	vld [tilespmem:s18+$0xB280];
	[tilespmem:s18+$0x13200] =	vst v10  }
0x19e: {  	v10 =	vld [tilespmem:s11+$0x0]  }
0x19f: {  	v3 =	vadd.f32 v4, v3  }
0x1a0: {  	s16 =	sadd.s32 $0x1, s7  }
0x1a1: {  	s4 =	sand.u32 $0x3, s16;
	s3 =	sor.u32 s6, s10;
	[tilespmem:s20+$0x13200] =	vst v3  }
0x1a2: {  	s4 =	sshll.u32 s4, $0x5;
	v3 =	vld [tilespmem:s3+$0x0]  }
0x1a3: {  	s17 =	sadd.s32 s4, s21;
	v4 =	vadd.f32 v10, v11  }
0x1a4: {  	s4 =	sadd.s32 $0x10, s17  }
0x1a5: {  	s19 =	sadd.s32 $0x3300, s8;
	s9 =	sor.u32 $0x300, s4;
	[tilespmem:s18+$0x13280] =	vst v4  }
0x1a6: {  	s21 =	sor.u32 s15, s19;
	v4 =	vld [tilespmem:s9+$0xB000]  }
0x1a7: {  	v10 =	vld [tilespmem:s21+$0x0];
	v2 =	vadd.f32 v3, v2  }
0x1a8: {  	v11 =	vld [tilespmem:s14+$0x0]  }
0x1a9: {  	s3 =	sor.u32 $0x300, s17;
	v3 =	vld [tilespmem:s28+$0xB000];
	[tilespmem:s20+$0x13280] =	vst v2  }
0x1aa: {  	s7 =	sor.u32 s6, s19;
	v2 =	vld [tilespmem:s3+$0xB000]  }
0x1ab: {  	v55 =	vld [tilespmem:s7+$0x0]  }
0x1ac: {  	[tilespmem:s22+$0x13000] =	vst v5;
	v4 =	vadd.f32 v10, v4  }
0x1ad: {  	v5 =	vld [tilespmem:s1+$0xB000]  }
0x1ae: {  	s22 =	sadd.s32 $0x3380, s8;
	s4 =	sor.u32 $0x380, s4;
	v10 =	vld [tilespmem:s12+$0x0];
	v3 =	vadd.f32 v11, v3;
	[tilespmem:s9+$0x13000] =	vst v4  }
0x1af: {  	s8 =	sor.u32 s15, s22;
	v4 =	vld [tilespmem:s4+$0xB000]  }
0x1b0: {  	[tilespmem:s28+$0x13000] =	vst v3;
	v11 =	vld [tilespmem:s8+$0x0];
	v2 =	vadd.f32 v55, v2  }
0x1b1: {  	v3 =	vld [tilespmem:s0+$0xB000]  }
0x1b2: {  	v56 =	vld [tilespmem:s5+$0x0];
	[tilespmem:s3+$0x13000] =	vst v2  }
0x1b3: {  	s23 =	sor.u32 s6, s22;
	v2 =	vld [tilespmem:s2+$0xB000]  }
0x1b4: {  	v6 =	vadd.f32 v6, v7;
	v7 =	vld [tilespmem:s23+$0x0]  }
0x1b5: {  	v8 =	vadd.f32 v9, v8  }
0x1b6: {  	[tilespmem:s13+$0x13000] =	vst v6;
	v5 =	vadd.f32 v10, v5  }
0x1b7: {  	[tilespmem:s25+$0x13000] =	vst v8;
	v4 =	vadd.f32 v11, v4  }
0x1b8: {  	[tilespmem:s1+$0x13000] =	vst v5;
	v3 =	vadd.f32 v56, v3  }
0x1b9: {  	[tilespmem:s4+$0x13000] =	vst v4;
	v2 =	vadd.f32 v7, v2  }
0x1ba: {  	[tilespmem:s0+$0x13000] =	vst v3  }
0x1bb: {  	[tilespmem:s2+$0x13000] =	vst v2  }
0x1bc: {  	s0 =	rddreg [dreg:$0xc]  }
0x1bd: {  	s1 =	rddreg [dreg:$0x12]  }
0x1be: {  	s0 =	sor.u32 @!p0 s1, s0  }
0x1bf: {  	v2 =	vld.msk @!p0 [tilespmem:s0+$0x0], $0xff;
	_ =	sdelay $0x4  }
0x1c0: {  	v3 =	vshll.u32 @!p0 v2, $0x3  }
0x1c1: {  	v4 =	vlaneseq.u32 @!p0;
	v2 =	vand.u32 @!p0 $0x7, v2;
	v3 =	vand.u32 @!p0 $0xFFFFFFC0, v3  }
0x1c2: {  	v2 =	vor.u32 @!p0 v2, v3;
	v3 =	vand.u32 @!p0 $0x7, v4;
	v4 =	vshrl.u32 @!p0 v4, $0x3  }
0x1c3: {  	v2 =	vperm.xlane @!p0 v2, v3;
	v3 =	vmul.u32 @!p0 $0x8, v4;
	_ =	sdelay $0x1  }
0x1c4: {  	v2 =	vadd.s32 @!p0 v3, v2;
	_ =	sdelay $0x1  }
0x1c5: {  	s24 =	rddreg [dreg:$0x2]  }
0x1c6: {  	s2 =	rddreg [dreg:$0x4]  }
0x1c7: {  	s25 =	rddreg [dreg:$0x14];
	s1 =	simm.s32 @!p0 $0xB000;
	s0 =	simm.s32 @!p0 $0x0  }
0x1c8: {  	[tilespmem:s1], [sflag:$0x2] =	stream.indirect_vreg.gather @!p0 [hbm4b:s2+s0], $0x80, v2, vm1, $0xb8;
	[tilespmem:$0x19000] =	vst v63  }
0x1c9: {  	s1 =	simm.s32 @!p0 $0xB800;
	s2 =	rddreg [dreg:$0x9]  }
0x1ca: {  	[tilespmem:s1], [sflag:$0x2] =	stream.indirect_vreg.gather @!p0 [hbm4b:s2+s0], $0x80, v2, vm1, $0xb8;
	[tilespmem:$0x19000] =	vst v63  }
0x1cb: {  	s1 =	simm.s32 @!p0 $0xC000;
	s2 =	rddreg [dreg:$0xa]  }
0x1cc: {  	[tilespmem:s1], [sflag:$0x2] =	stream.indirect_vreg.gather @!p0 [hbm4b:s2+s0], $0x80, v2, vm1, $0xb8;
	[tilespmem:$0x19000] =	vst v63  }
0x1cd: {  	s1 =	simm.s32 @!p0 $0xC800;
	s2 =	rddreg [dreg:$0xb]  }
0x1ce: {  	[tilespmem:s1], [sflag:$0x2] =	stream.indirect_vreg.gather @!p0 [hbm4b:s2+s0], $0x80, v2, vm1, $0xb8;
	[tilespmem:$0x19000] =	vst v63  }
0x1cf: {  	s26 =	simm.s32 $0x0;
	s29 =	simm.s32 $0x13000;
	s0 =	sadd.s32 s25, s24  }
0x1d0: {  	s30 =	simm.s32 $0x3;
	[dreg:$0x13] =	wrdreg s0;
	s0 =	sadd.s32 $0x400, s0  }
0x1d1: {  	[hbm4b:s0+s26] =	stream.linear.scatter [tilespmem:s29], [sflag:$0x6], $0x2000, $0x38;
	[tilespmem:$0x19000] =	vst v63  }
0x1d2: {  	_ =	swait.ge [sflag:s30], $0x2000  }
0x1d3: {  	[sflag:s30] =	ssyncset.done $0x0  }
0x1d4: {  	s1 =	simm.s32 @!p1 $0x7;
	[sflag:s30] =	ssyncadd.s32 $0xFFFFE000;
	s30 =	simm.s32 $0x0  }
0x1d5: {  	_ =	swait.ge @!p1 [sflag:s1], $0x2000;
	s21 =	sand.u32 $0x60, s30  }
0x1d6: {  	s8 =	sand.u32 $0x1C00, s30;
	[sflag:s1] =	ssyncset.done @!p1 $0x0;
	s6 =	sor.u32 $0x10, s21  }
0x1d7: {  	s0 =	sadd.s32 $0x5000, s8;
	[sflag:s1] =	ssyncadd.s32 @!p1 $0xFFFFE000;
	s3 =	sor.u32 s8, s6  }
0x1d8: {  	s4 =	sor.u32 s6, s0;
	v2 =	vld [tilespmem:s3+$0xD000]  }
0x1d9: {  	v3 =	vld [tilespmem:s4+$0x0];
	_ =	sdelay $0x4  }
0x1da: {  	v2 =	vadd.f32 v3, v2  }
0x1db: {  	s5 =	sadd.s32 $0x5080, s8  }
0x1dc: {  	s7 =	sor.u32 s6, s5;
	[tilespmem:s3+$0x15000] =	vst v2;
	v2 =	vld [tilespmem:s3+$0xD080]  }
0x1dd: {  	s1 =	sor.u32 s21, s0;
	v3 =	vld [tilespmem:s7+$0x0]  }
0x1de: {  	s20 =	sor.u32 s21, s8;
	v4 =	vld [tilespmem:s1+$0x0]  }
0x1df: {  	v5 =	vld [tilespmem:s20+$0xD000];
	_ =	sdelay $0x2  }
0x1e0: {  	v2 =	vadd.f32 v3, v2  }
0x1e1: {  	s9 =	sadd.s32 $0x5100, s8  }
0x1e2: {  	s12 =	sor.u32 s6, s9;
	v3 =	vadd.f32 v4, v5;
	[tilespmem:s3+$0x15080] =	vst v2;
	v2 =	vld [tilespmem:s3+$0xD100]  }
0x1e3: {  	v4 =	vld [tilespmem:s12+$0x0]  }
0x1e4: {  	s14 =	simm.s32 $0x20;
	s13 =	sor.u32 s21, s5;
	v5 =	vld [tilespmem:s20+$0xD080];
	[tilespmem:s20+$0x15000] =	vst v3  }
0x1e5: {  	s15 =	simm.s32 $0x100;
	v3 =	vld [tilespmem:s13+$0x0];
	s12 =	sand.u32 $0x60, s14  }
0x1e6: {  	s5 =	sand.u32 $0x1C00, s15;
	v6 =	vld [tilespmem:s20+$0xD100];
	s2 =	sor.u32 $0x10, s12  }
0x1e7: {  	v8 =	vld [tilespmem:s20+$0xD180];
	s25 =	sor.u32 s5, s2  }
0x1e8: {  	s16 =	sadd.s32 $0x5000, s5;
	v7 =	vld [tilespmem:s25+$0xD000];
	v2 =	vadd.f32 v4, v2  }
0x1e9: {  	s17 =	sadd.s32 $0x5180, s8;
	s18 =	sor.u32 s2, s16;
	v4 =	vld [tilespmem:s3+$0xD180]  }
0x1ea: {  	s11 =	sor.u32 s6, s17;
	v3 =	vadd.f32 v3, v5;
	[tilespmem:s3+$0x15100] =	vst v2;
	v2 =	vld [tilespmem:s18+$0x0]  }
0x1eb: {  	v5 =	vld [tilespmem:s11+$0x0]  }
0x1ec: {  	s4 =	sor.u32 s21, s9;
	v9 =	vld [tilespmem:s3+$0xD200];
	[tilespmem:s20+$0x15080] =	vst v3  }
0x1ed: {  	v3 =	vld [tilespmem:s4+$0x0]  }
0x1ee: {  	v11 =	vld [tilespmem:s3+$0xD280];
	s19 =	sor.u32 s12, s16  }
0x1ef: {  	s26 =	sor.u32 s12, s5;
	v10 =	vld [tilespmem:s19+$0x0];
	v2 =	vadd.f32 v2, v7  }
0x1f0: {  	s22 =	sadd.s32 $0x5080, s5;
	v4 =	vadd.f32 v5, v4;
	v5 =	vld [tilespmem:s26+$0xD000]  }
0x1f1: {  	s23 =	sadd.s32 $0x5200, s8;
	s29 =	sor.u32 s2, s22;
	[tilespmem:s25+$0x15000] =	vst v2;
	v2 =	vld [tilespmem:s25+$0xD080]  }
0x1f2: {  	s0 =	sor.u32 s6, s23;
	v3 =	vadd.f32 v3, v6;
	[tilespmem:s3+$0x15180] =	vst v4;
	v4 =	vld [tilespmem:s29+$0x0]  }
0x1f3: {  	v6 =	vld [tilespmem:s0+$0x0]  }
0x1f4: {  	s9 =	sor.u32 s21, s17;
	v57 =	vld [tilespmem:s26+$0xD200];
	[tilespmem:s20+$0x15100] =	vst v3  }
0x1f5: {  	v3 =	vld [tilespmem:s9+$0x0];
	v5 =	vadd.f32 v10, v5  }
0x1f6: {  	v7 =	vld [tilespmem:s20+$0xD200]  }
0x1f7: {  	s4 =	sor.u32 s12, s22;
	v10 =	vld [tilespmem:s26+$0xD080];
	[tilespmem:s26+$0x15000] =	vst v5;
	v2 =	vadd.f32 v4, v2  }
0x1f8: {  	s1 =	sadd.s32 $0x5100, s5;
	v4 =	vadd.f32 v6, v9;
	v5 =	vld [tilespmem:s4+$0x0]  }
0x1f9: {  	s11 =	sor.u32 s2, s1;
	s9 =	sadd.s32 $0x5280, s8;
	[tilespmem:s25+$0x15080] =	vst v2;
	v2 =	vld [tilespmem:s25+$0xD100]  }
0x1fa: {  	s24 =	simm.s32 $0x40;
	s13 =	sor.u32 s6, s9;
	v3 =	vadd.f32 v3, v8;
	[tilespmem:s3+$0x15200] =	vst v4;
	v4 =	vld [tilespmem:s11+$0x0]  }
0x1fb: {  	s22 =	simm.s32 $0x200;
	s29 =	sand.u32 $0x60, s24;
	v6 =	vld [tilespmem:s13+$0x0]  }
0x1fc: {  	s14 =	sor.u32 s21, s23;
	s7 =	sor.u32 $0x10, s29;
	[tilespmem:s20+$0x15180] =	vst v3;
	v3 =	vld [tilespmem:s26+$0xD100];
	s13 =	sand.u32 $0x1C00, s22  }
0x1fd: {  	v8 =	vld [tilespmem:s14+$0x0];
	s15 =	sadd.s32 $0x5000, s13;
	s23 =	sor.u32 s13, s7;
	v5 =	vadd.f32 v5, v10  }
0x1fe: {  	v9 =	vld [tilespmem:s23+$0xD000];
	s16 =	sor.u32 s7, s15  }
0x1ff: {  	s4 =	sor.u32 s12, s1;
	[tilespmem:s26+$0x15080] =	vst v5;
	v2 =	vadd.f32 v4, v2;
	v4 =	vld [tilespmem:s16+$0x0]  }
0x200: {  	s0 =	sor.u32 s29, s15;
	v5 =	vadd.f32 v6, v11;
	v6 =	vld [tilespmem:s4+$0x0]  }
0x201: {  	s14 =	sor.u32 s29, s13;
	v11 =	vld [tilespmem:s0+$0x0]  }
0x202: {  	s17 =	sadd.s32 $0x5180, s5;
	v7 =	vadd.f32 v8, v7;
	v8 =	vld [tilespmem:s14+$0xD000]  }
0x203: {  	s10 =	sadd.s32 $0x5300, s8;
	s18 =	sor.u32 s2, s17;
	[tilespmem:s25+$0x15100] =	vst v2;
	v2 =	vld [tilespmem:s25+$0xD180]  }
0x204: {  	s19 =	sor.u32 s6, s10;
	s15 =	sand.u32 $0x3, s30;
	[tilespmem:s3+$0x15280] =	vst v5;
	v5 =	vld [tilespmem:s18+$0x0]  }
0x205: {  	s3 =	sshll.u32 s15, $0x5;
	v10 =	vld [tilespmem:s19+$0x0]  }
0x206: {  	s9 =	sor.u32 s21, s9;
	[tilespmem:s20+$0x15200] =	vst v7;
	s28 =	sadd.s32 $0x0, s3;
	v4 =	vadd.f32 v4, v9;
	v9 =	vld [tilespmem:s25+$0xD200]  }
0x207: {  	s3 =	sadd.s32 $0x10, s28;
	v3 =	vadd.f32 v6, v3;
	v6 =	vld [tilespmem:s9+$0x0]  }
0x208: {  	s1 =	sadd.s32 $0x5080, s13;
	s18 =	sor.u32 $0x300, s3;
	[tilespmem:s23+$0x15000] =	vst v4;
	v4 =	vld [tilespmem:s23+$0xD080]  }
0x209: {  	s16 =	sor.u32 s7, s1;
	v7 =	vadd.f32 v11, v8;
	v8 =	vld [tilespmem:s18+$0xD000]  }
0x20a: {  	v2 =	vadd.f32 v5, v2;
	v5 =	vld [tilespmem:s16+$0x0]  }
0x20b: {  	s4 =	sor.u32 s12, s17;
	v11 =	vld [tilespmem:s26+$0xD180];
	[tilespmem:s26+$0x15100] =	vst v3  }
0x20c: {  	s19 =	sor.u32 s29, s1;
	s9 =	sadd.s32 $0x5200, s5;
	[tilespmem:s14+$0x15000] =	vst v7;
	v3 =	vld [tilespmem:s4+$0x0]  }
0x20d: {  	s17 =	sor.u32 s2, s9;
	v7 =	vld [tilespmem:s19+$0x0];
	[tilespmem:s25+$0x15180] =	vst v2  }
0x20e: {  	v2 =	vld [tilespmem:s17+$0x0]  }
0x20f: {  	v4 =	vadd.f32 v5, v4;
	v5 =	vadd.f32 v10, v8;
	v8 =	vld [tilespmem:s23+$0xD100]  }
0x210: {  	s0 =	sadd.s32 $0x5100, s13;
	v10 =	vld [tilespmem:s14+$0xD080]  }
0x211: {  	s1 =	sor.u32 s7, s0;
	s4 =	sadd.s32 $0x5380, s8;
	v3 =	vadd.f32 v3, v11;
	v11 =	vld [tilespmem:s14+$0xD100];
	[tilespmem:s23+$0x15080] =	vst v4  }
0x212: {  	s6 =	sor.u32 s6, s4;
	[tilespmem:s18+$0x15000] =	vst v5;
	v4 =	vld [tilespmem:s1+$0x0]  }
0x213: {  	v2 =	vadd.f32 v2, v9;
	v5 =	vld [tilespmem:s6+$0x0]  }
0x214: {  	s16 =	sadd.s32 $0x5280, s5;
	v9 =	vld [tilespmem:s25+$0xD280]  }
0x215: {  	s15 =	sor.u32 s2, s16;
	[tilespmem:s25+$0x15200] =	vst v2;
	v7 =	vadd.f32 v7, v10;
	v10 =	vld [tilespmem:s20+$0xD280]  }
0x216: {  	s17 =	sor.u32 s12, s9;
	[tilespmem:s26+$0x15180] =	vst v3;
	v2 =	vld [tilespmem:s15+$0x0]  }
0x217: {  	s19 =	sor.u32 s29, s0;
	[tilespmem:s14+$0x15080] =	vst v7;
	v3 =	vadd.f32 v4, v8;
	v4 =	vld [tilespmem:s17+$0x0]  }
0x218: {  	s17 =	sadd.s32 $0x5180, s13;
	v8 =	vld [tilespmem:s19+$0x0]  }
0x219: {  	s31 =	simm.s32 $0x300;
	s9 =	simm.s32 $0x60;
	s18 =	sor.u32 s7, s17;
	[tilespmem:s23+$0x15100] =	vst v3;
	v3 =	vld [tilespmem:s23+$0xD180]  }
0x21a: {  	s8 =	sand.u32 $0x1C00, s31;
	s6 =	sand.u32 $0x60, s9;
	v7 =	vld [tilespmem:s18+$0x0]  }
0x21b: {  	s15 =	sor.u32 $0x10, s6;
	s19 =	sadd.s32 $0x5000, s8  }
0x21c: {  	v62 =	vld [tilespmem:s14+$0xD280];
	s0 =	sor.u32 s15, s19;
	v4 =	vadd.f32 v4, v57  }
0x21d: {  	v2 =	vadd.f32 v2, v9;
	v9 =	vld [tilespmem:s0+$0x0]  }
0x21e: {  	s11 =	sadd.s32 $0x5300, s5;
	s18 =	sor.u32 s8, s15;
	[tilespmem:s26+$0x15200] =	vst v4;
	v4 =	vadd.f32 v6, v10;
	v6 =	vadd.f32 v8, v11;
	v11 =	vld [tilespmem:s14+$0xD180]  }
0x21f: {  	s1 =	sor.u32 s2, s11;
	[tilespmem:s25+$0x15280] =	vst v2;
	v2 =	vadd.f32 v7, v3;
	v3 =	vld [tilespmem:s18+$0xD000]  }
0x220: {  	s16 =	sor.u32 s12, s16;
	v7 =	vld [tilespmem:s1+$0x0]  }
0x221: {  	s25 =	simm.s32 $0x1;
	s1 =	sadd.s32 $0x5200, s13;
	v58 =	vld [tilespmem:s16+$0x0];
	[tilespmem:s20+$0x15280] =	vst v4  }
0x222: {  	s16 =	sand.u32 $0x3, s25;
	s0 =	sor.u32 s7, s1;
	v4 =	vld [tilespmem:s23+$0xD200];
	[tilespmem:s23+$0x15180] =	vst v2  }
0x223: {  	s10 =	sor.u32 s21, s10;
	v2 =	vld [tilespmem:s0+$0x0];
	s0 =	sshll.u32 s16, $0x5  }
0x224: {  	s25 =	sor.u32 s6, s19;
	v8 =	vld [tilespmem:s10+$0x0];
	s10 =	sadd.s32 $0x100, s0  }
0x225: {  	s20 =	sor.u32 s29, s17;
	[tilespmem:s14+$0x15100] =	vst v6;
	v3 =	vadd.f32 v9, v3;
	v9 =	vld [tilespmem:s25+$0x0];
	s25 =	sadd.s32 $0x10, s10  }
0x226: {  	v6 =	vld [tilespmem:s20+$0x0];
	s19 =	sor.u32 $0x300, s25  }
0x227: {  	s17 =	sadd.s32 $0x5080, s8;
	s20 =	sor.u32 s6, s8;
	v10 =	vld [tilespmem:s19+$0xD000]  }
0x228: {  	s0 =	sor.u32 s15, s17;
	[tilespmem:s18+$0x15000] =	vst v3;
	v2 =	vadd.f32 v2, v4;
	v4 =	vld [tilespmem:s20+$0xD000]  }
0x229: {  	s3 =	sor.u32 $0x380, s3;
	v3 =	vld [tilespmem:s0+$0x0];
	s0 =	sadd.s32 $0x5280, s13  }
0x22a: {  	v17 =	vld [tilespmem:s3+$0xD000];
	s16 =	sor.u32 s7, s0;
	[tilespmem:s23+$0x15200] =	vst v2  }
0x22b: {  	v6 =	vadd.f32 v6, v11;
	v2 =	vld [tilespmem:s16+$0x0]  }
0x22c: {  	v7 =	vadd.f32 v7, v10;
	v10 =	vld [tilespmem:s23+$0xD280]  }
0x22d: {  	v13 =	vld [tilespmem:s18+$0xD080];
	[tilespmem:s14+$0x15180] =	vst v6;
	v4 =	vadd.f32 v9, v4  }
0x22e: {  	s1 =	sor.u32 s29, s1;
	v14 =	vld [tilespmem:s20+$0xD080];
	[tilespmem:s19+$0x15000] =	vst v7  }
0x22f: {  	v6 =	vld [tilespmem:s1+$0x0];
	s19 =	sor.u32 s6, s17;
	[tilespmem:s20+$0x15000] =	vst v4  }
0x230: {  	v11 =	vld [tilespmem:s19+$0x0]  }
0x231: {  	v2 =	vadd.f32 v2, v10;
	v10 =	vld [tilespmem:s14+$0xD200]  }
0x232: {  	v16 =	vld [tilespmem:s18+$0xD100];
	s16 =	sadd.s32 $0x5380, s5  }
0x233: {  	s2 =	sor.u32 s2, s16;
	v9 =	vld [tilespmem:s20+$0xD100]  }
0x234: {  	v3 =	vadd.f32 v3, v13;
	v7 =	vld [tilespmem:s2+$0x0]  }
0x235: {  	v4 =	vld [tilespmem:s20+$0xD180];
	v11 =	vadd.f32 v11, v14  }
0x236: {  	s1 =	sadd.s32 $0x5100, s8;
	[tilespmem:s18+$0x15080] =	vst v3;
	v3 =	vld [tilespmem:s20+$0xD200];
	v6 =	vadd.f32 v6, v10  }
0x237: {  	s5 =	sor.u32 s15, s1;
	s1 =	sor.u32 s6, s1;
	v10 =	vld [tilespmem:s26+$0xD280];
	[tilespmem:s20+$0x15080] =	vst v11  }
0x238: {  	s0 =	sor.u32 s29, s0;
	s2 =	simm.s32 $0x2;
	v11 =	vld [tilespmem:s1+$0x0];
	[tilespmem:s14+$0x15200] =	vst v6  }
0x239: {  	s17 =	sadd.s32 $0x5300, s13;
	[tilespmem:s23+$0x15280] =	vst v2;
	s23 =	sand.u32 $0x3, s2;
	v60 =	vld [tilespmem:s0+$0x0];
	s0 =	sor.u32 $0x300, s28  }
0x23a: {  	s19 =	sor.u32 s7, s17;
	s1 =	sshll.u32 s23, $0x5;
	v6 =	vld [tilespmem:s0+$0xD000]  }
0x23b: {  	v15 =	vld [tilespmem:s19+$0x0];
	s23 =	sor.u32 $0x380, s25;
	s19 =	sadd.s32 $0x200, s1  }
0x23c: {  	v61 =	vld [tilespmem:s23+$0xD000];
	s25 =	sadd.s32 $0x10, s19  }
0x23d: {  	v59 =	vld [tilespmem:s5+$0x0];
	v10 =	vadd.f32 v58, v10;
	s28 =	sor.u32 $0x300, s25  }
0x23e: {  	v18 =	vld [tilespmem:s28+$0xD000]  }
0x23f: {  	s5 =	sor.u32 s12, s11;
	s11 =	simm.s32 $0x20;
	v2 =	vld [tilespmem:s20+$0xD280];
	[tilespmem:s26+$0x15280] =	vst v10;
	s26 =	simm.s32 $0x100;
	v6 =	vadd.f32 v8, v6  }
0x240: {  	v5 =	vadd.f32 v5, v17;
	v19 =	vld [tilespmem:s5+$0x0];
	s1 =	sor.u32 s26, s11;
	s5 =	sor.u32 $0x300, s10  }
0x241: {  	s11 =	sor.u32 s21, s4;
	s21 =	sor.u32 s22, s24;
	v7 =	vadd.f32 v7, v61;
	s22 =	sor.u32 s30, s30;
	v63 =	vld [tilespmem:s5+$0xD000];
	[tilespmem:s0+$0x15000] =	vst v6  }
0x242: {  	[tilespmem:s3+$0x15000] =	vst v5;
	s12 =	sor.u32 s12, s16;
	s25 =	sor.u32 $0x380, s25;
	v8 =	vadd.f32 v59, v16;
	s22 =	sor.u32 $0x380, s22;
	v6 =	vld [tilespmem:s11+$0x0]  }
0x243: {  	s10 =	sadd.s32 $0x5180, s8;
	s26 =	sor.u32 s31, s9;
	s30 =	sadd.s32 $0x5380, s13;
	[tilespmem:s23+$0x15000] =	vst v7;
	v5 =	vadd.f32 v15, v18;
	v7 =	vld [tilespmem:s22+$0xD000]  }
0x244: {  	s24 =	sor.u32 s15, s10;
	s1 =	sor.u32 $0x380, s1;
	s13 =	sor.u32 s29, s30;
	[tilespmem:s18+$0x15100] =	vst v8;
	v8 =	vadd.f32 v11, v9;
	v11 =	vld [tilespmem:s18+$0xD180]  }
0x245: {  	s4 =	sor.u32 s7, s30;
	s7 =	sor.u32 $0x380, s26;
	s10 =	sor.u32 s6, s10;
	v9 =	vadd.f32 v60, v62;
	v10 =	vld [tilespmem:s24+$0x0];
	[tilespmem:s28+$0x15000] =	vst v5  }
0x246: {  	s23 =	simm.s32 $0x6;
	s0 =	sor.u32 $0x380, s21;
	s21 =	sor.u32 s29, s17;
	[tilespmem:s20+$0x15100] =	vst v8;
	v8 =	vld [tilespmem:s25+$0xD000];
	v5 =	vadd.f32 v19, v63  }
0x247: {  	s24 =	simm.s32 $0x80;
	s28 =	sor.u32 $0x300, s19;
	[tilespmem:s14+$0x15280] =	vst v9;
	s14 =	simm.s32 $0x300;
	v9 =	vld [tilespmem:s4+$0x0]  }
.LBB2_7:
0x248: {  	s3 =	sand.u32 $0x60, s24;
	v12 =	vld [tilespmem:s10+$0x0];
	s31 =	sadd.s32 $0x100, s31;
	[tilespmem:s5+$0x15000] =	vst v5;
	v6 =	vadd.f32 v6, v7;
	s5 =	smov.u32 s28  }
0x249: {  	s26 =	sand.u32 $0x1C00, s31;
	s11 =	sor.u32 s31, s24;
	s4 =	sor.u32 $0x10, s3;
	v5 =	vld [tilespmem:s5+$0xD000]  }
0x24a: {  	s9 =	sor.u32 s3, s26;
	s16 =	sadd.s32 $0x5000, s26;
	s10 =	sor.u32 s26, s4;
	v7 =	vadd.f32 v10, v11;
	v10 =	vld [tilespmem:s18+$0xD200];
	[tilespmem:s22+$0x15000] =	vst v6  }
0x24b: {  	s19 =	sadd.s32 $0x5200, s8;
	s17 =	sor.u32 s3, s16;
	v6 =	vld [tilespmem:s10+$0xD000];
	s16 =	sor.u32 s4, s16  }
0x24c: {  	s23 =	sadd.s32 $0x2, s23;
	v11 =	vld [tilespmem:s16+$0x0];
	s16 =	sor.u32 s6, s19;
	[tilespmem:s18+$0x15180] =	vst v7;
	s19 =	sor.u32 s15, s19;
	v7 =	vadd.f32 v9, v8  }
0x24d: {  	p2 =	slt.u32 s23, $0x3E;
	s11 =	sor.u32 $0x380, s11;
	s22 =	smov.u32 s1;
	v4 =	vadd.f32 v12, v4;
	v8 =	vld [tilespmem:s19+$0x0]  }
0x24e: {  	s1 =	smov.u32 s0;
	s0 =	smov.u32 s7;
	s7 =	smov.u32 s11;
	v9 =	vld [tilespmem:s17+$0x0];
	[tilespmem:s25+$0x15000] =	vst v7  }
0x24f: {  	v7 =	vld [tilespmem:s9+$0xD000];
	[tilespmem:s20+$0x15180] =	vst v4  }
0x250: {  	v12 =	vld [tilespmem:s9+$0xD080]  }
0x251: {  	v13 =	vld [tilespmem:s9+$0xD100];
	v4 =	vadd.f32 v11, v6  }
0x252: {  	s11 =	sadd.s32 $0x5080, s26;
	v6 =	vadd.f32 v8, v10;
	v8 =	vld [tilespmem:s18+$0xD280]  }
0x253: {  	s19 =	sadd.s32 $0x5280, s8;
	s17 =	sor.u32 s3, s11;
	s11 =	sor.u32 s4, s11;
	[tilespmem:s10+$0x15000] =	vst v4;
	v10 =	vld [tilespmem:s10+$0xD080]  }
0x254: {  	v4 =	vadd.f32 v9, v7;
	v7 =	vld [tilespmem:s11+$0x0];
	s11 =	sor.u32 s6, s19;
	[tilespmem:s18+$0x15200] =	vst v6;
	s19 =	sor.u32 s15, s19  }
0x255: {  	v6 =	vld [tilespmem:s19+$0x0]  }
0x256: {  	[tilespmem:s9+$0x15000] =	vst v4;
	v4 =	vld [tilespmem:s9+$0xD180]  }
0x257: {  	s2 =	sadd.s32 $0x1, s2;
	v9 =	vld [tilespmem:s17+$0x0]  }
0x258: {  	s17 =	sand.u32 $0x3, s2;
	v11 =	vld [tilespmem:s16+$0x0]  }
0x259: {  	s16 =	sshll.u32 s17, $0x5;
	v14 =	vld [tilespmem:s9+$0xD200];
	v7 =	vadd.f32 v7, v10  }
0x25a: {  	s17 =	sadd.s32 $0x5100, s26;
	s16 =	sadd.s32 s16, s14;
	s14 =	smov.u32 s31;
	v15 =	vld [tilespmem:s9+$0xD280];
	v6 =	vadd.f32 v6, v8  }
0x25b: {  	s19 =	sor.u32 s3, s17;
	s17 =	sor.u32 s4, s17;
	s25 =	sadd.s32 $0x10, s16;
	[tilespmem:s10+$0x15080] =	vst v7;
	v7 =	vld [tilespmem:s10+$0xD100]  }
0x25c: {  	s28 =	sor.u32 $0x300, s16;
	s16 =	sadd.s32 $0x5300, s8;
	v8 =	vadd.f32 v9, v12;
	v9 =	vld [tilespmem:s17+$0x0];
	[tilespmem:s18+$0x15280] =	vst v6;
	s17 =	sor.u32 $0x300, s25  }
0x25d: {  	s29 =	sor.u32 s6, s16;
	s16 =	sor.u32 s15, s16;
	s18 =	smov.u32 s10;
	v6 =	vadd.f32 v11, v3;
	v10 =	vld [tilespmem:s17+$0xD000]  }
0x25e: {  	[tilespmem:s9+$0x15080] =	vst v8;
	v8 =	vld [tilespmem:s16+$0x0];
	v3 =	vmov v14  }
0x25f: {  	v11 =	vld [tilespmem:s19+$0x0];
	[tilespmem:s20+$0x15200] =	vst v6  }
0x260: {  	v12 =	vld [tilespmem:s11+$0x0]  }
0x261: {  	v14 =	vld [tilespmem:s21+$0x0];
	s21 =	smov.u32 s29  }
0x262: {  	v9 =	vadd.f32 v9, v7;
	v7 =	vld [tilespmem:s22+$0xD000]  }
.Ltmp2:
0x263: {  	s11 =	sadd.s32 $0x5180, s26;
	v8 =	vadd.f32 v8, v10;
	v6 =	vld [tilespmem:s12+$0x0];
	s12 =	smov.u32 s13;
	(pc) =	sbr.rel @p2 .LBB2_7-.Ltmp2, $4  }
0x264: {  	s10 =	sor.u32 s3, s11;
	s11 =	sor.u32 s4, s11;
	v13 =	vadd.f32 v11, v13;
	[tilespmem:s18+$0x15100] =	vst v9;
	v11 =	vld [tilespmem:s18+$0xD180]  }
0x265: {  	s25 =	sor.u32 $0x380, s25;
	v10 =	vld [tilespmem:s11+$0x0];
	v9 =	vadd.f32 v12, v2;
	s11 =	sadd.s32 $0x5380, s8;
	[tilespmem:s17+$0x15000] =	vst v8;
	v2 =	vmov v15;
	s8 =	smov.u32 s26  }
0x266: {  	[tilespmem:s9+$0x15100] =	vst v13;
	s13 =	sor.u32 s6, s11;
	v8 =	vld [tilespmem:s25+$0xD000];
	s11 =	sor.u32 s15, s11;
	v5 =	vadd.f32 v14, v5;
	s6 =	smov.u32 s3  }
0x267: {  	s24 =	sadd.s32 $0x20, s24;
	s15 =	smov.u32 s4;
	[tilespmem:s20+$0x15280] =	vst v9;
	v9 =	vld [tilespmem:s11+$0x0];
	s20 =	smov.u32 s9  }
0x268: {  	_ = 	snop  }
0x269: {  	v12 =	vld [tilespmem:s10+$0x0]  }
0x26a: {  	v10 =	vadd.f32 v10, v11  }
0x26b: {  	s3 =	sadd.s32 $0x5200, s8  }
0x26c: {  	s4 =	sor.u32 s15, s3;
	v11 =	vld [tilespmem:s18+$0xD200];
	[tilespmem:s18+$0x15180] =	vst v10  }
0x26d: {  	v10 =	vld [tilespmem:s4+$0x0]  }
0x26e: {  	v4 =	vadd.f32 v12, v4;
	_ =	sdelay $0x1  }
0x26f: {  	s3 =	sor.u32 s6, s3;
	[tilespmem:s20+$0x15180] =	vst v4  }
0x270: {  	v4 =	vld [tilespmem:s3+$0x0]  }
0x271: {  	v10 =	vadd.f32 v10, v11  }
0x272: {  	s11 =	sadd.s32 $0x5280, s8  }
0x273: {  	s16 =	sor.u32 s15, s11;
	v11 =	vld [tilespmem:s18+$0xD280];
	[tilespmem:s18+$0x15200] =	vst v10  }
0x274: {  	v10 =	vld [tilespmem:s16+$0x0]  }
0x275: {  	v3 =	vadd.f32 v4, v3  }
0x276: {  	s2 =	sadd.s32 $0x1, s2  }
0x277: {  	s2 =	sand.u32 $0x3, s2;
	s3 =	sor.u32 s6, s11;
	[tilespmem:s20+$0x15200] =	vst v3  }
0x278: {  	s2 =	sshll.u32 s2, $0x5;
	v3 =	vld [tilespmem:s3+$0x0]  }
0x279: {  	s2 =	sadd.s32 s2, s14;
	v4 =	vadd.f32 v10, v11  }
0x27a: {  	s17 =	sadd.s32 $0x10, s2  }
0x27b: {  	s19 =	sadd.s32 $0x5300, s8;
	s9 =	sor.u32 $0x300, s17;
	[tilespmem:s18+$0x15280] =	vst v4  }
0x27c: {  	s23 =	sor.u32 s15, s19;
	v4 =	vld [tilespmem:s9+$0xD000]  }
0x27d: {  	v10 =	vld [tilespmem:s23+$0x0];
	v2 =	vadd.f32 v3, v2  }
0x27e: {  	v11 =	vld [tilespmem:s21+$0x0]  }
0x27f: {  	s2 =	sor.u32 $0x300, s2;
	v3 =	vld [tilespmem:s28+$0xD000];
	[tilespmem:s20+$0x15280] =	vst v2  }
0x280: {  	s4 =	sor.u32 s6, s19;
	v2 =	vld [tilespmem:s2+$0xD000]  }
0x281: {  	v54 =	vld [tilespmem:s4+$0x0]  }
0x282: {  	[tilespmem:s5+$0x15000] =	vst v5;
	v4 =	vadd.f32 v10, v4  }
0x283: {  	v5 =	vld [tilespmem:s1+$0xD000]  }
0x284: {  	s24 =	sadd.s32 $0x5380, s8;
	s3 =	sor.u32 $0x380, s17;
	v10 =	vld [tilespmem:s12+$0x0];
	v3 =	vadd.f32 v11, v3;
	[tilespmem:s9+$0x15000] =	vst v4  }
0x285: {  	s26 =	sor.u32 s15, s24;
	v4 =	vld [tilespmem:s3+$0xD000]  }
0x286: {  	[tilespmem:s28+$0x15000] =	vst v3;
	v11 =	vld [tilespmem:s26+$0x0];
	v2 =	vadd.f32 v54, v2  }
0x287: {  	v3 =	vld [tilespmem:s0+$0xD000]  }
0x288: {  	v55 =	vld [tilespmem:s13+$0x0];
	[tilespmem:s2+$0x15000] =	vst v2  }
0x289: {  	s4 =	sor.u32 s6, s24;
	v2 =	vld [tilespmem:s7+$0xD000]  }
0x28a: {  	v6 =	vadd.f32 v6, v7;
	v7 =	vld [tilespmem:s4+$0x0]  }
0x28b: {  	v8 =	vadd.f32 v9, v8  }
0x28c: {  	[tilespmem:s22+$0x15000] =	vst v6;
	v5 =	vadd.f32 v10, v5  }
0x28d: {  	[tilespmem:s25+$0x15000] =	vst v8;
	v4 =	vadd.f32 v11, v4  }
0x28e: {  	[tilespmem:s1+$0x15000] =	vst v5;
	v3 =	vadd.f32 v55, v3  }
0x28f: {  	[tilespmem:s3+$0x15000] =	vst v4;
	v2 =	vadd.f32 v7, v2  }
0x290: {  	[tilespmem:s0+$0x15000] =	vst v3  }
0x291: {  	[tilespmem:s7+$0x15000] =	vst v2  }
0x292: {  	s0 =	rddreg [dreg:$0xd]  }
0x293: {  	s1 =	rddreg [dreg:$0x12]  }
0x294: {  	s0 =	sor.u32 @!p0 s1, s0  }
0x295: {  	v2 =	vld.msk @!p0 [tilespmem:s0+$0x0], $0xff;
	_ =	sdelay $0x4  }
0x296: {  	v3 =	vshll.u32 @!p0 v2, $0x3  }
0x297: {  	v4 =	vlaneseq.u32 @!p0;
	v2 =	vand.u32 @!p0 $0x7, v2;
	v3 =	vand.u32 @!p0 $0xFFFFFFC0, v3  }
0x298: {  	v2 =	vor.u32 @!p0 v2, v3;
	v3 =	vand.u32 @!p0 $0x7, v4;
	v4 =	vshrl.u32 @!p0 v4, $0x3  }
0x299: {  	v2 =	vperm.xlane @!p0 v2, v3;
	v3 =	vmul.u32 @!p0 $0x8, v4;
	_ =	sdelay $0x1  }
0x29a: {  	v2 =	vadd.s32 @!p0 v3, v2;
	_ =	sdelay $0x2  }
0x29b: {  	s2 =	rddreg [dreg:$0x4]  }
0x29c: {  	s5 =	rddreg [dreg:$0x13];
	s1 =	simm.s32 @!p0 $0xD000;
	s0 =	simm.s32 @!p0 $0x0  }
0x29d: {  	[tilespmem:s1], [sflag:$0x3] =	stream.indirect_vreg.gather @!p0 [hbm4b:s2+s0], $0x80, v2, vm1, $0xb8;
	[tilespmem:$0x19000] =	vst v63  }
0x29e: {  	s1 =	simm.s32 @!p0 $0xD800;
	s2 =	rddreg [dreg:$0x9]  }
0x29f: {  	[tilespmem:s1], [sflag:$0x3] =	stream.indirect_vreg.gather @!p0 [hbm4b:s2+s0], $0x80, v2, vm1, $0xb8;
	[tilespmem:$0x19000] =	vst v63  }
0x2a0: {  	s1 =	simm.s32 @!p0 $0xE000;
	s2 =	rddreg [dreg:$0xa]  }
0x2a1: {  	[tilespmem:s1], [sflag:$0x3] =	stream.indirect_vreg.gather @!p0 [hbm4b:s2+s0], $0x80, v2, vm1, $0xb8;
	[tilespmem:$0x19000] =	vst v63  }
0x2a2: {  	s8 =	simm.s32 $0x4;
	s1 =	simm.s32 @!p0 $0xE800;
	s2 =	rddreg [dreg:$0xb]  }
0x2a3: {  	[tilespmem:s1], [sflag:$0x3] =	stream.indirect_vreg.gather @!p0 [hbm4b:s2+s0], $0x80, v2, vm1, $0xb8;
	[tilespmem:$0x19000] =	vst v63  }
0x2a4: {  	s6 =	simm.s32 $0x0;
	s7 =	simm.s32 $0x15000;
	s0 =	sadd.s32 $0x800, s5  }
0x2a5: {  	[hbm4b:s0+s6] =	stream.linear.scatter [tilespmem:s7], [sflag:$0x7], $0x2000, $0x38;
	[tilespmem:$0x19000] =	vst v63  }
0x2a6: {  	_ =	swait.ge [sflag:s8], $0x2000  }
0x2a7: {  	[sflag:s8] =	ssyncset.done $0x0  }
0x2a8: {  	s18 =	simm.s32 $0x0;
	s1 =	simm.s32 @!p1 $0x8;
	[sflag:s8] =	ssyncadd.s32 $0xFFFFE000  }
0x2a9: {  	s13 =	sand.u32 $0x60, s18;
	_ =	swait.ge @!p1 [sflag:s1], $0x2000  }
0x2aa: {  	s6 =	sor.u32 $0x10, s13;
	s8 =	sand.u32 $0x1C00, s18;
	[sflag:s1] =	ssyncset.done @!p1 $0x0  }
0x2ab: {  	s9 =	sadd.s32 $0x7000, s8;
	s3 =	sor.u32 s8, s6;
	[sflag:s1] =	ssyncadd.s32 @!p1 $0xFFFFE000  }
0x2ac: {  	s10 =	sor.u32 s6, s9;
	v2 =	vld [tilespmem:s3+$0xF000]  }
0x2ad: {  	v3 =	vld [tilespmem:s10+$0x0];
	_ =	sdelay $0x2  }
0x2ae: {  	s1 =	sor.u32 s13, s9  }
0x2af: {  	s15 =	sor.u32 s13, s8;
	v4 =	vld [tilespmem:s1+$0x0]  }
0x2b0: {  	v2 =	vadd.f32 v3, v2;
	v3 =	vld [tilespmem:s15+$0xF000]  }
0x2b1: {  	s11 =	sadd.s32 $0x7080, s8  }
0x2b2: {  	s14 =	simm.s32 $0x20;
	s12 =	sor.u32 s6, s11;
	[tilespmem:s3+$0x17000] =	vst v2;
	v2 =	vld [tilespmem:s3+$0xF080]  }
0x2b3: {  	s24 =	simm.s32 $0x100;
	s1 =	sand.u32 $0x60, s14;
	v5 =	vld [tilespmem:s12+$0x0]  }
0x2b4: {  	s29 =	sand.u32 $0x1C00, s24;
	s2 =	sor.u32 $0x10, s1  }
0x2b5: {  	s16 =	sadd.s32 $0x7000, s29;
	v6 =	vld [tilespmem:s15+$0xF080];
	s20 =	sor.u32 s29, s2;
	v3 =	vadd.f32 v4, v3  }
0x2b6: {  	s17 =	sor.u32 s2, s16;
	v4 =	vld [tilespmem:s20+$0xF000]  }
0x2b7: {  	s4 =	sor.u32 s13, s11;
	[tilespmem:s15+$0x17000] =	vst v3;
	v3 =	vld [tilespmem:s17+$0x0]  }
0x2b8: {  	v2 =	vadd.f32 v5, v2;
	v5 =	vld [tilespmem:s4+$0x0]  }
0x2b9: {  	s19 =	sadd.s32 $0x7100, s8;
	v8 =	vld [tilespmem:s15+$0xF100]  }
0x2ba: {  	s21 =	sor.u32 s6, s19;
	[tilespmem:s3+$0x17080] =	vst v2;
	v2 =	vld [tilespmem:s3+$0xF100]  }
0x2bb: {  	v7 =	vld [tilespmem:s21+$0x0]  }
0x2bc: {  	v9 =	vld [tilespmem:s15+$0xF200];
	v3 =	vadd.f32 v3, v4  }
0x2bd: {  	s22 =	sadd.s32 $0x7080, s29;
	v56 =	vld [tilespmem:s3+$0xF280];
	v5 =	vadd.f32 v5, v6  }
0x2be: {  	s23 =	sor.u32 s2, s22;
	[tilespmem:s20+$0x17000] =	vst v3;
	v3 =	vld [tilespmem:s20+$0xF080]  }
0x2bf: {  	s4 =	sor.u32 s13, s19;
	[tilespmem:s15+$0x17080] =	vst v5;
	v5 =	vld [tilespmem:s23+$0x0]  }
0x2c0: {  	v2 =	vadd.f32 v7, v2;
	v6 =	vld [tilespmem:s4+$0x0]  }
0x2c1: {  	s25 =	sadd.s32 $0x7180, s8;
	v57 =	vld [tilespmem:s15+$0xF280]  }
0x2c2: {  	s26 =	sor.u32 s6, s25;
	[tilespmem:s3+$0x17100] =	vst v2;
	v2 =	vld [tilespmem:s3+$0xF180]  }
0x2c3: {  	s28 =	sor.u32 s1, s16;
	v7 =	vld [tilespmem:s26+$0x0]  }
0x2c4: {  	s5 =	sor.u32 s1, s29;
	v10 =	vld [tilespmem:s28+$0x0];
	v3 =	vadd.f32 v5, v3  }
0x2c5: {  	s0 =	sadd.s32 $0x7100, s29;
	v5 =	vadd.f32 v6, v8;
	v6 =	vld [tilespmem:s5+$0xF000]  }
0x2c6: {  	s19 =	sor.u32 s2, s0;
	[tilespmem:s20+$0x17080] =	vst v3;
	v3 =	vld [tilespmem:s20+$0xF100]  }
0x2c7: {  	[tilespmem:s15+$0x17100] =	vst v5;
	v5 =	vld [tilespmem:s19+$0x0]  }
0x2c8: {  	v4 =	vld [tilespmem:s15+$0xF180];
	v2 =	vadd.f32 v7, v2  }
0x2c9: {  	s21 =	sadd.s32 $0x7200, s8;
	s4 =	sor.u32 s13, s25;
	v8 =	vld [tilespmem:s3+$0xF200]  }
0x2ca: {  	s23 =	sor.u32 s6, s21;
	v7 =	vld [tilespmem:s4+$0x0];
	[tilespmem:s3+$0x17180] =	vst v2;
	v6 =	vadd.f32 v10, v6  }
0x2cb: {  	v2 =	vld [tilespmem:s23+$0x0]  }
0x2cc: {  	s7 =	sor.u32 s1, s22;
	s22 =	simm.s32 $0x40;
	v10 =	vld [tilespmem:s5+$0xF080];
	[tilespmem:s5+$0x17000] =	vst v6;
	v3 =	vadd.f32 v5, v3  }
0x2cd: {  	s10 =	sadd.s32 $0x7180, s29;
	s14 =	simm.s32 $0x200;
	s26 =	sand.u32 $0x60, s22;
	v5 =	vld [tilespmem:s7+$0x0]  }
0x2ce: {  	s11 =	sor.u32 s2, s10;
	s12 =	sand.u32 $0x1C00, s14;
	s7 =	sor.u32 $0x10, s26;
	[tilespmem:s20+$0x17100] =	vst v3;
	v3 =	vld [tilespmem:s20+$0xF180]  }
0x2cf: {  	v4 =	vadd.f32 v7, v4;
	s23 =	sor.u32 s12, s7;
	v6 =	vld [tilespmem:s11+$0x0];
	s11 =	sadd.s32 $0x7000, s12  }
0x2d0: {  	v2 =	vadd.f32 v2, v8;
	v8 =	vld [tilespmem:s23+$0xF000];
	s16 =	sor.u32 s7, s11  }
0x2d1: {  	[tilespmem:s15+$0x17180] =	vst v4;
	v7 =	vld [tilespmem:s16+$0x0]  }
0x2d2: {  	v11 =	vld [tilespmem:s5+$0xF100];
	s17 =	sadd.s32 $0x7280, s8;
	s4 =	sor.u32 s13, s21;
	[tilespmem:s3+$0x17200] =	vst v2;
	v2 =	vadd.f32 v5, v10  }
0x2d3: {  	s25 =	sor.u32 s6, s17;
	v5 =	vld [tilespmem:s4+$0x0]  }
0x2d4: {  	v4 =	vld [tilespmem:s25+$0x0];
	[tilespmem:s5+$0x17080] =	vst v2;
	v2 =	vadd.f32 v6, v3  }
0x2d5: {  	s28 =	sor.u32 s1, s0;
	s19 =	sadd.s32 $0x7200, s29;
	v6 =	vld [tilespmem:s20+$0xF200]  }
0x2d6: {  	s0 =	sor.u32 s2, s19;
	v3 =	vld [tilespmem:s28+$0x0];
	[tilespmem:s20+$0x17180] =	vst v2;
	v2 =	vadd.f32 v7, v8  }
0x2d7: {  	s25 =	sadd.s32 $0x7080, s12;
	v7 =	vld [tilespmem:s0+$0x0]  }
0x2d8: {  	s9 =	sor.u32 s7, s25;
	v5 =	vadd.f32 v5, v9;
	[tilespmem:s23+$0x17000] =	vst v2;
	v2 =	vld [tilespmem:s23+$0xF080]  }
0x2d9: {  	s0 =	sor.u32 s26, s11;
	v4 =	vadd.f32 v4, v56;
	v8 =	vld [tilespmem:s9+$0x0]  }
0x2da: {  	s16 =	sadd.s32 $0x7300, s8;
	s28 =	sor.u32 s13, s17;
	[tilespmem:s15+$0x17200] =	vst v5;
	v5 =	vld [tilespmem:s0+$0x0]  }
0x2db: {  	s21 =	sor.u32 s6, s16;
	[tilespmem:s3+$0x17280] =	vst v4;
	v9 =	vld [tilespmem:s28+$0x0];
	v3 =	vadd.f32 v3, v11  }
0x2dc: {  	v4 =	vld [tilespmem:s21+$0x0];
	s21 =	sor.u32 s26, s12  }
0x2dd: {  	[tilespmem:s5+$0x17100] =	vst v3;
	v3 =	vld [tilespmem:s21+$0xF000]  }
0x2de: {  	s4 =	sand.u32 $0x3, s18;
	v58 =	vld [tilespmem:s21+$0xF180]  }
0x2df: {  	s9 =	sor.u32 s1, s10;
	s3 =	sshll.u32 s4, $0x5;
	v6 =	vadd.f32 v7, v6;
	v14 =	vld [tilespmem:s21+$0xF200]  }
0x2e0: {  	s17 =	sadd.s32 $0x7280, s29;
	s4 =	sadd.s32 $0x0, s3;
	v7 =	vld [tilespmem:s9+$0x0]  }
0x2e1: {  	s10 =	sor.u32 s2, s17;
	s9 =	sadd.s32 $0x10, s4;
	v2 =	vadd.f32 v8, v2;
	[tilespmem:s20+$0x17200] =	vst v6;
	v8 =	vld [tilespmem:s5+$0xF180]  }
0x2e2: {  	s11 =	sadd.s32 $0x7100, s12;
	s0 =	sor.u32 $0x300, s9;
	v6 =	vld [tilespmem:s10+$0x0]  }
0x2e3: {  	s28 =	sor.u32 s7, s11;
	v10 =	vld [tilespmem:s0+$0xF000];
	[tilespmem:s23+$0x17080] =	vst v2  }
0x2e4: {  	v2 =	vld [tilespmem:s28+$0x0];
	v3 =	vadd.f32 v5, v3  }
0x2e5: {  	v5 =	vld [tilespmem:s20+$0xF280]  }
0x2e6: {  	[tilespmem:s21+$0x17000] =	vst v3;
	v3 =	vld [tilespmem:s23+$0xF100]  }
0x2e7: {  	s25 =	sor.u32 s26, s25;
	v7 =	vadd.f32 v7, v8;
	v8 =	vld [tilespmem:s21+$0xF080]  }
0x2e8: {  	v11 =	vld [tilespmem:s25+$0x0]  }
0x2e9: {  	v19 =	vld [tilespmem:s21+$0xF280];
	v4 =	vadd.f32 v4, v10  }
0x2ea: {  	s3 =	sadd.s32 $0x7380, s8;
	s28 =	sor.u32 s1, s19;
	v10 =	vld [tilespmem:s5+$0xF200];
	[tilespmem:s5+$0x17180] =	vst v7;
	v6 =	vadd.f32 v6, v5  }
0x2eb: {  	s6 =	sor.u32 s6, s3;
	s25 =	sadd.s32 $0x7300, s29;
	[tilespmem:s0+$0x17000] =	vst v4;
	s0 =	simm.s32 $0x1;
	v4 =	vld [tilespmem:s28+$0x0];
	v2 =	vadd.f32 v2, v3  }
0x2ec: {  	s19 =	sadd.s32 $0x7180, s12;
	s10 =	sor.u32 s2, s25;
	v5 =	vld [tilespmem:s6+$0x0];
	s8 =	sand.u32 $0x3, s0;
	[tilespmem:s20+$0x17280] =	vst v6  }
0x2ed: {  	s6 =	sshll.u32 s8, $0x5;
	s20 =	sor.u32 s7, s19;
	v3 =	vadd.f32 v11, v8;
	v6 =	vld [tilespmem:s10+$0x0];
	[tilespmem:s23+$0x17100] =	vst v2  }
0x2ee: {  	s10 =	sadd.s32 $0x100, s6;
	v2 =	vld [tilespmem:s20+$0x0]  }
0x2ef: {  	s28 =	sor.u32 s26, s11;
	s11 =	sadd.s32 $0x10, s10;
	[tilespmem:s21+$0x17080] =	vst v3;
	v3 =	vld [tilespmem:s23+$0xF180]  }
0x2f0: {  	s31 =	sor.u32 $0x300, s11;
	v4 =	vadd.f32 v4, v10;
	v7 =	vld [tilespmem:s28+$0x0]  }
0x2f1: {  	v8 =	vadd.f32 v9, v57;
	s20 =	simm.s32 $0x300;
	v9 =	vld [tilespmem:s31+$0xF000];
	s28 =	simm.s32 $0x60  }
0x2f2: {  	s17 =	sor.u32 s1, s17;
	v10 =	vld [tilespmem:s21+$0xF100];
	s8 =	sand.u32 $0x1C00, s20;
	[tilespmem:s5+$0x17200] =	vst v4;
	s6 =	sand.u32 $0x60, s28  }
0x2f3: {  	s16 =	sor.u32 s13, s16;
	[tilespmem:s15+$0x17280] =	vst v8;
	v8 =	vld [tilespmem:s17+$0x0];
	s15 =	sor.u32 $0x10, s6;
	s17 =	sadd.s32 $0x7000, s8  }
0x2f4: {  	v11 =	vld [tilespmem:s16+$0x0];
	s0 =	sor.u32 s15, s17;
	v2 =	vadd.f32 v2, v3  }
0x2f5: {  	s30 =	sor.u32 s8, s15;
	v3 =	vld [tilespmem:s0+$0x0];
	s0 =	sadd.s32 $0x7200, s12  }
0x2f6: {  	v4 =	vadd.f32 v6, v9;
	v6 =	vld [tilespmem:s30+$0xF000];
	s16 =	sor.u32 s7, s0;
	[tilespmem:s23+$0x17180] =	vst v2  }
0x2f7: {  	v2 =	vld [tilespmem:s16+$0x0]  }
0x2f8: {  	s9 =	sor.u32 $0x380, s9;
	[tilespmem:s31+$0x17000] =	vst v4;
	v4 =	vld [tilespmem:s23+$0xF200]  }
0x2f9: {  	v17 =	vld [tilespmem:s9+$0xF000];
	s17 =	sor.u32 s6, s17;
	v7 =	vadd.f32 v7, v10  }
0x2fa: {  	v10 =	vld [tilespmem:s17+$0x0];
	s31 =	sor.u32 s6, s8  }
0x2fb: {  	s19 =	sor.u32 s26, s19;
	s16 =	sadd.s32 $0x7380, s29;
	[tilespmem:s21+$0x17100] =	vst v7;
	v3 =	vadd.f32 v3, v6;
	v6 =	vld [tilespmem:s31+$0xF000]  }
0x2fc: {  	s2 =	sor.u32 s2, s16;
	v7 =	vld [tilespmem:s19+$0x0]  }
0x2fd: {  	v9 =	vld [tilespmem:s2+$0x0];
	s2 =	sadd.s32 $0x7080, s8;
	v2 =	vadd.f32 v2, v4  }
0x2fe: {  	s17 =	sadd.s32 $0x7280, s12;
	s19 =	sor.u32 s15, s2;
	[tilespmem:s30+$0x17000] =	vst v3;
	v4 =	vld [tilespmem:s30+$0xF080]  }
0x2ff: {  	v3 =	vld [tilespmem:s19+$0x0];
	s19 =	sor.u32 s7, s17;
	[tilespmem:s23+$0x17200] =	vst v2  }
0x300: {  	v2 =	vld [tilespmem:s19+$0x0];
	v6 =	vadd.f32 v10, v6  }
0x301: {  	v10 =	vld [tilespmem:s23+$0xF280]  }
0x302: {  	v13 =	vld [tilespmem:s31+$0xF080];
	s2 =	sor.u32 s6, s2;
	v7 =	vadd.f32 v7, v58;
	[tilespmem:s31+$0x17000] =	vst v6  }
0x303: {  	v6 =	vld [tilespmem:s2+$0x0]  }
0x304: {  	s0 =	sor.u32 s26, s0;
	v59 =	vld [tilespmem:s31+$0xF100];
	[tilespmem:s21+$0x17180] =	vst v7;
	v3 =	vadd.f32 v3, v4  }
0x305: {  	v7 =	vld [tilespmem:s0+$0x0];
	s0 =	sadd.s32 $0x7100, s8  }
0x306: {  	s19 =	sor.u32 s15, s0;
	v4 =	vld [tilespmem:s31+$0xF180];
	[tilespmem:s30+$0x17080] =	vst v3;
	v2 =	vadd.f32 v2, v10  }
0x307: {  	v15 =	vld [tilespmem:s19+$0x0];
	s19 =	sadd.s32 $0x7300, s12  }
0x308: {  	v3 =	vld [tilespmem:s31+$0xF200];
	[tilespmem:s23+$0x17280] =	vst v2;
	s23 =	sor.u32 s7, s19;
	v6 =	vadd.f32 v6, v13  }
0x309: {  	v60 =	vld [tilespmem:s23+$0x0]  }
0x30a: {  	s0 =	sor.u32 s6, s0;
	s2 =	simm.s32 $0x2;
	v7 =	vadd.f32 v7, v14;
	[tilespmem:s31+$0x17080] =	vst v6;
	v6 =	vld [tilespmem:s5+$0xF280]  }
0x30b: {  	s23 =	sand.u32 $0x3, s2;
	v61 =	vld [tilespmem:s0+$0x0];
	s0 =	sor.u32 $0x300, s4  }
0x30c: {  	[tilespmem:s21+$0x17200] =	vst v7;
	s4 =	sshll.u32 s23, $0x5;
	v7 =	vld [tilespmem:s0+$0xF000]  }
0x30d: {  	s17 =	sor.u32 s26, s17;
	v10 =	vld [tilespmem:s30+$0xF100];
	s4 =	sadd.s32 $0x200, s4  }
0x30e: {  	s11 =	sor.u32 $0x380, s11;
	v16 =	vld [tilespmem:s17+$0x0];
	s17 =	sadd.s32 $0x10, s4  }
0x30f: {  	s23 =	sor.u32 $0x300, s17;
	v6 =	vadd.f32 v8, v6;
	v8 =	vld [tilespmem:s11+$0xF000]  }
0x310: {  	v18 =	vld [tilespmem:s23+$0xF000]  }
0x311: {  	s29 =	sor.u32 $0x300, s10;
	v2 =	vld [tilespmem:s31+$0xF280];
	[tilespmem:s5+$0x17280] =	vst v6;
	v6 =	vadd.f32 v11, v7  }
0x312: {  	s14 =	sor.u32 s14, s22;
	s18 =	sor.u32 s18, s18;
	s25 =	sor.u32 s1, s25;
	v5 =	vadd.f32 v5, v17;
	v62 =	vld [tilespmem:s29+$0xF000]  }
0x313: {  	s3 =	sor.u32 s13, s3;
	s13 =	sor.u32 $0x380, s18;
	s10 =	simm.s32 $0x20;
	v7 =	vadd.f32 v15, v10;
	v63 =	vld [tilespmem:s25+$0x0];
	[tilespmem:s0+$0x17000] =	vst v6  }
0x314: {  	s18 =	simm.s32 $0x6;
	[tilespmem:s9+$0x17000] =	vst v5;
	s5 =	sor.u32 s24, s10;
	s10 =	sadd.s32 $0x7180, s8;
	v8 =	vadd.f32 v9, v8;
	v6 =	vld [tilespmem:s3+$0x0]  }
0x315: {  	s22 =	sor.u32 s1, s16;
	s24 =	sor.u32 s15, s10;
	s1 =	sor.u32 $0x380, s5;
	[tilespmem:s30+$0x17100] =	vst v7;
	v5 =	vadd.f32 v60, v18;
	v7 =	vld [tilespmem:s13+$0xF000]  }
0x316: {  	v11 =	vld [tilespmem:s30+$0xF180];
	s25 =	sor.u32 s20, s28;
	s28 =	sadd.s32 $0x7380, s12;
	s10 =	sor.u32 s6, s10;
	v9 =	vadd.f32 v16, v19;
	[tilespmem:s11+$0x17000] =	vst v8  }
0x317: {  	s0 =	sor.u32 $0x380, s14;
	s14 =	sor.u32 s26, s19;
	s7 =	sor.u32 s7, s28;
	v10 =	vld [tilespmem:s24+$0x0];
	v8 =	vadd.f32 v61, v59;
	[tilespmem:s23+$0x17000] =	vst v5  }
0x318: {  	s12 =	sor.u32 s26, s28;
	s5 =	sor.u32 $0x380, s25;
	s23 =	sor.u32 $0x380, s17;
	[tilespmem:s21+$0x17280] =	vst v9;
	v5 =	vadd.f32 v63, v62;
	v9 =	vld [tilespmem:s7+$0x0]  }
0x319: {  	s25 =	sor.u32 $0x300, s4;
	s21 =	simm.s32 $0x80;
	s7 =	simm.s32 $0x300;
	[tilespmem:s31+$0x17100] =	vst v8;
	v8 =	vld [tilespmem:s23+$0xF000]  }
.LBB2_9:
0x31a: {  	s3 =	sand.u32 $0x60, s21;
	v12 =	vld [tilespmem:s10+$0x0];
	s20 =	sadd.s32 $0x100, s20;
	[tilespmem:s29+$0x17000] =	vst v5;
	v6 =	vadd.f32 v6, v7;
	s29 =	smov.u32 s25  }
0x31b: {  	s24 =	sand.u32 $0x1C00, s20;
	s11 =	sor.u32 s20, s21;
	s4 =	sor.u32 $0x10, s3;
	v5 =	vld [tilespmem:s29+$0xF000]  }
0x31c: {  	s9 =	sor.u32 s3, s24;
	s16 =	sadd.s32 $0x7000, s24;
	s10 =	sor.u32 s24, s4;
	v7 =	vadd.f32 v10, v11;
	v10 =	vld [tilespmem:s30+$0xF200];
	[tilespmem:s13+$0x17000] =	vst v6  }
0x31d: {  	s17 =	sor.u32 s3, s16;
	v6 =	vld [tilespmem:s10+$0xF000];
	s13 =	sor.u32 s4, s16;
	s16 =	sadd.s32 $0x7200, s8  }
0x31e: {  	s18 =	sadd.s32 $0x2, s18;
	v11 =	vld [tilespmem:s13+$0x0];
	s19 =	sor.u32 s6, s16;
	[tilespmem:s30+$0x17180] =	vst v7;
	s13 =	sor.u32 s15, s16;
	v7 =	vadd.f32 v9, v8  }
0x31f: {  	p1 =	slt.u32 s18, $0x3E;
	s11 =	sor.u32 $0x380, s11;
	v4 =	vadd.f32 v12, v4;
	v8 =	vld [tilespmem:s13+$0x0];
	s13 =	smov.u32 s1  }
0x320: {  	s1 =	smov.u32 s0;
	s0 =	smov.u32 s5;
	s5 =	smov.u32 s11;
	v9 =	vld [tilespmem:s17+$0x0];
	[tilespmem:s23+$0x17000] =	vst v7  }
0x321: {  	v7 =	vld [tilespmem:s9+$0xF000];
	[tilespmem:s31+$0x17180] =	vst v4  }
0x322: {  	v12 =	vld [tilespmem:s9+$0xF080]  }
0x323: {  	v13 =	vld [tilespmem:s9+$0xF100];
	v4 =	vadd.f32 v11, v6  }
0x324: {  	s11 =	sadd.s32 $0x7080, s24;
	v6 =	vadd.f32 v8, v10;
	v8 =	vld [tilespmem:s30+$0xF280]  }
0x325: {  	s16 =	sor.u32 s3, s11;
	s11 =	sor.u32 s4, s11;
	s17 =	sadd.s32 $0x7280, s8;
	[tilespmem:s10+$0x17000] =	vst v4;
	v10 =	vld [tilespmem:s10+$0xF080]  }
0x326: {  	v4 =	vadd.f32 v9, v7;
	v7 =	vld [tilespmem:s11+$0x0];
	s11 =	sor.u32 s6, s17;
	[tilespmem:s30+$0x17200] =	vst v6;
	s17 =	sor.u32 s15, s17  }
0x327: {  	v6 =	vld [tilespmem:s17+$0x0]  }
0x328: {  	[tilespmem:s9+$0x17000] =	vst v4;
	v4 =	vld [tilespmem:s9+$0xF180]  }
0x329: {  	s2 =	sadd.s32 $0x1, s2;
	v9 =	vld [tilespmem:s16+$0x0]  }
0x32a: {  	s16 =	sand.u32 $0x3, s2;
	v11 =	vld [tilespmem:s19+$0x0]  }
0x32b: {  	s16 =	sshll.u32 s16, $0x5;
	v14 =	vld [tilespmem:s9+$0xF200];
	v7 =	vadd.f32 v7, v10  }
0x32c: {  	s17 =	sadd.s32 $0x7100, s24;
	s16 =	sadd.s32 s16, s7;
	s7 =	smov.u32 s20;
	v15 =	vld [tilespmem:s9+$0xF280];
	v6 =	vadd.f32 v6, v8  }
0x32d: {  	s19 =	sor.u32 s3, s17;
	s17 =	sor.u32 s4, s17;
	s23 =	sadd.s32 $0x10, s16;
	[tilespmem:s10+$0x17080] =	vst v7;
	v7 =	vld [tilespmem:s10+$0xF100]  }
0x32e: {  	s25 =	sor.u32 $0x300, s16;
	s16 =	sadd.s32 $0x7300, s8;
	v8 =	vadd.f32 v9, v12;
	v9 =	vld [tilespmem:s17+$0x0];
	[tilespmem:s30+$0x17280] =	vst v6;
	s17 =	sor.u32 $0x300, s23  }
0x32f: {  	s26 =	sor.u32 s6, s16;
	s16 =	sor.u32 s15, s16;
	s30 =	smov.u32 s10;
	v6 =	vadd.f32 v11, v3;
	v10 =	vld [tilespmem:s17+$0xF000]  }
0x330: {  	[tilespmem:s9+$0x17080] =	vst v8;
	v8 =	vld [tilespmem:s16+$0x0];
	v3 =	vmov v14  }
0x331: {  	v11 =	vld [tilespmem:s19+$0x0];
	[tilespmem:s31+$0x17200] =	vst v6  }
0x332: {  	v12 =	vld [tilespmem:s11+$0x0]  }
0x333: {  	v14 =	vld [tilespmem:s14+$0x0];
	s14 =	smov.u32 s26  }
0x334: {  	v9 =	vadd.f32 v9, v7;
	v7 =	vld [tilespmem:s13+$0xF000]  }
.Ltmp3:
0x335: {  	s11 =	sadd.s32 $0x7180, s24;
	v8 =	vadd.f32 v8, v10;
	v6 =	vld [tilespmem:s22+$0x0];
	s22 =	smov.u32 s12;
	(pc) =	sbr.rel @p1 .LBB2_9-.Ltmp3, $4  }
0x336: {  	s10 =	sor.u32 s3, s11;
	s11 =	sor.u32 s4, s11;
	v13 =	vadd.f32 v11, v13;
	[tilespmem:s30+$0x17100] =	vst v9;
	v11 =	vld [tilespmem:s30+$0xF180]  }
0x337: {  	s23 =	sor.u32 $0x380, s23;
	v10 =	vld [tilespmem:s11+$0x0];
	v9 =	vadd.f32 v12, v2;
	s11 =	sadd.s32 $0x7380, s8;
	[tilespmem:s17+$0x17000] =	vst v8;
	v2 =	vmov v15;
	s8 =	smov.u32 s24  }
0x338: {  	[tilespmem:s9+$0x17100] =	vst v13;
	s12 =	sor.u32 s6, s11;
	v8 =	vld [tilespmem:s23+$0xF000];
	s11 =	sor.u32 s15, s11;
	v5 =	vadd.f32 v14, v5;
	s6 =	smov.u32 s3  }
0x339: {  	s21 =	sadd.s32 $0x20, s21;
	s15 =	smov.u32 s4;
	[tilespmem:s31+$0x17280] =	vst v9;
	v9 =	vld [tilespmem:s11+$0x0];
	s31 =	smov.u32 s9  }
0x33a: {  	v12 =	vld [tilespmem:s10+$0x0];
	_ =	sdelay $0x2  }
0x33b: {  	v10 =	vadd.f32 v10, v11  }
0x33c: {  	s3 =	sadd.s32 $0x7200, s8  }
0x33d: {  	v54 =	vld [tilespmem:s30+$0xF200];
	s4 =	sor.u32 s15, s3;
	[tilespmem:s30+$0x17180] =	vst v10;
	v4 =	vadd.f32 v12, v4  }
0x33e: {  	v10 =	vld [tilespmem:s4+$0x0]  }
0x33f: {  	s3 =	sor.u32 s6, s3;
	[tilespmem:s31+$0x17180] =	vst v4  }
0x340: {  	v4 =	vld [tilespmem:s3+$0x0];
	_ =	sdelay $0x2  }
0x341: {  	v10 =	vadd.f32 v10, v54  }
0x342: {  	s11 =	sadd.s32 $0x7280, s8  }
0x343: {  	v55 =	vld [tilespmem:s30+$0xF280];
	s16 =	sor.u32 s15, s11;
	[tilespmem:s30+$0x17200] =	vst v10;
	v3 =	vadd.f32 v4, v3  }
0x344: {  	v56 =	vld [tilespmem:s16+$0x0]  }
0x345: {  	s3 =	sor.u32 s6, s11;
	[tilespmem:s31+$0x17200] =	vst v3  }
0x346: {  	v3 =	vld [tilespmem:s3+$0x0]  }
0x347: {  	s2 =	sadd.s32 $0x1, s2  }
0x348: {  	s2 =	sand.u32 $0x3, s2  }
0x349: {  	s2 =	sshll.u32 s2, $0x5;
	v4 =	vadd.f32 v56, v55  }
0x34a: {  	s17 =	sadd.s32 $0x7300, s8;
	v57 =	vld [tilespmem:s14+$0x0];
	s2 =	sadd.s32 s2, s7  }
0x34b: {  	v58 =	vld [tilespmem:s25+$0xF000];
	s18 =	sor.u32 s15, s17;
	s19 =	sadd.s32 $0x10, s2;
	[tilespmem:s30+$0x17280] =	vst v4;
	v2 =	vadd.f32 v3, v2  }
0x34c: {  	s20 =	sor.u32 $0x300, s19;
	v3 =	vld [tilespmem:s18+$0x0]  }
0x34d: {  	s3 =	sor.u32 s6, s17;
	v10 =	vld [tilespmem:s20+$0xF000];
	[tilespmem:s31+$0x17280] =	vst v2  }
0x34e: {  	s2 =	sor.u32 $0x300, s2;
	v2 =	vld [tilespmem:s3+$0x0]  }
0x34f: {  	v59 =	vld [tilespmem:s2+$0xF000]  }
0x350: {  	[tilespmem:s29+$0x17000] =	vst v5;
	v4 =	vadd.f32 v57, v58  }
0x351: {  	v5 =	vld [tilespmem:s22+$0x0]  }
0x352: {  	v60 =	vld [tilespmem:s1+$0xF000];
	[tilespmem:s25+$0x17000] =	vst v4;
	v3 =	vadd.f32 v3, v10  }
0x353: {  	s21 =	sadd.s32 $0x7380, s8;
	v4 =	vld [tilespmem:s12+$0x0]  }
0x354: {  	s24 =	sor.u32 s15, s21;
	v62 =	vld [tilespmem:s0+$0xF000];
	[tilespmem:s20+$0x17000] =	vst v3;
	v2 =	vadd.f32 v2, v59  }
0x355: {  	s28 =	sor.u32 $0x380, s19;
	v3 =	vld [tilespmem:s24+$0x0]  }
0x356: {  	s26 =	sor.u32 s6, s21;
	v61 =	vld [tilespmem:s28+$0xF000];
	[tilespmem:s2+$0x17000] =	vst v2  }
0x357: {  	v2 =	vld [tilespmem:s26+$0x0]  }
0x358: {  	v6 =	vadd.f32 v6, v7;
	v63 =	vld [tilespmem:s5+$0xF000]  }
0x359: {  	v8 =	vadd.f32 v9, v8  }
0x35a: {  	[tilespmem:s13+$0x17000] =	vst v6;
	v5 =	vadd.f32 v5, v60  }
0x35b: {  	[tilespmem:s23+$0x17000] =	vst v8;
	v4 =	vadd.f32 v4, v62  }
0x35c: {  	[tilespmem:s1+$0x17000] =	vst v5;
	v3 =	vadd.f32 v3, v61  }
0x35d: {  	[tilespmem:s0+$0x17000] =	vst v4;
	v2 =	vadd.f32 v2, v63  }
0x35e: {  	[tilespmem:s28+$0x17000] =	vst v3  }
0x35f: {  	[tilespmem:s5+$0x17000] =	vst v2  }
0x360: {  	s0 =	rddreg [dreg:$0xe]  }
0x361: {  	s1 =	rddreg [dreg:$0x12]  }
0x362: {  	s0 =	sor.u32 @!p0 s1, s0  }
0x363: {  	v2 =	vld.msk @!p0 [tilespmem:s0+$0x0], $0xff;
	_ =	sdelay $0x4  }
0x364: {  	v3 =	vshll.u32 @!p0 v2, $0x3  }
0x365: {  	v4 =	vlaneseq.u32 @!p0;
	v2 =	vand.u32 @!p0 $0x7, v2;
	v3 =	vand.u32 @!p0 $0xFFFFFFC0, v3  }
0x366: {  	v2 =	vor.u32 @!p0 v2, v3;
	v3 =	vand.u32 @!p0 $0x7, v4;
	v4 =	vshrl.u32 @!p0 v4, $0x3  }
0x367: {  	v2 =	vperm.xlane @!p0 v2, v3;
	v3 =	vmul.u32 @!p0 $0x8, v4;
	_ =	sdelay $0x1  }
0x368: {  	v2 =	vadd.s32 @!p0 v3, v2;
	_ =	sdelay $0x2  }
0x369: {  	s2 =	rddreg [dreg:$0x4]  }
0x36a: {  	s19 =	rddreg [dreg:$0x11];
	s1 =	simm.s32 @!p0 $0xF000;
	s0 =	simm.s32 @!p0 $0x0  }
0x36b: {  	[tilespmem:s1], [sflag:$0x4] =	stream.indirect_vreg.gather @!p0 [hbm4b:s2+s0], $0x80, v2, vm1, $0xb8;
	[tilespmem:$0x19000] =	vst v63  }
0x36c: {  	s1 =	simm.s32 @!p0 $0xF800;
	s2 =	rddreg [dreg:$0x9]  }
0x36d: {  	[tilespmem:s1], [sflag:$0x4] =	stream.indirect_vreg.gather @!p0 [hbm4b:s2+s0], $0x80, v2, vm1, $0xb8;
	[tilespmem:$0x19000] =	vst v63  }
0x36e: {  	s1 =	simm.s32 @!p0 $0x10000;
	s2 =	rddreg [dreg:$0xa]  }
0x36f: {  	[tilespmem:s1], [sflag:$0x4] =	stream.indirect_vreg.gather @!p0 [hbm4b:s2+s0], $0x80, v2, vm1, $0xb8;
	[tilespmem:$0x19000] =	vst v63  }
0x370: {  	s1 =	simm.s32 @!p0 $0x10800;
	s2 =	rddreg [dreg:$0xb]  }
0x371: {  	[tilespmem:s1], [sflag:$0x4] =	stream.indirect_vreg.gather @!p0 [hbm4b:s2+s0], $0x80, v2, vm1, $0xb8;
	[tilespmem:$0x19000] =	vst v63  }
0x372: {  	p0 =	sne.s32 s19, $0x20  }
.Ltmp4:
0x373: {  	_ = 	snop;
	(pc) =	sbr.rel @p0 .LBB2_2-.Ltmp4, $4  }
0x374: {  	_ = 	snop  }
0x375: {  	s29 =	rddreg [dreg:$0x13]  }
0x376: {  	s30 =	simm.s32 $0x0;
	s31 =	simm.s32 $0x17000;
	s0 =	sadd.s32 $0xC00, s29  }
0x377: {  	[hbm4b:s0+s30] =	stream.linear.scatter [tilespmem:s31], [sflag:$0x8], $0x2000, $0x38;
	[tilespmem:$0x19000] =	vst v63  }
0x378: {  	s6 =	simm.s32 $0x5  }
0x379: {  	_ =	swait.ge [sflag:s6], $0x2000  }
0x37a: {  	[sflag:s6] =	ssyncset.done $0x0  }
0x37b: {  	s0 =	simm.s32 $0x6;
	[sflag:s6] =	ssyncadd.s32 $0xFFFFE000  }
0x37c: {  	_ =	swait.ge [sflag:s0], $0x2000  }
0x37d: {  	[sflag:s0] =	ssyncset.done $0x0  }
0x37e: {  	s30 =	simm.s32 $0x7;
	[sflag:s0] =	ssyncadd.s32 $0xFFFFE000  }
0x37f: {  	_ =	swait.ge [sflag:s30], $0x2000  }
0x380: {  	[sflag:s30] =	ssyncset.done $0x0  }
0x381: {  	s1 =	simm.s32 $0x8;
	[sflag:s30] =	ssyncadd.s32 $0xFFFFE000  }
0x382: {  	_ =	swait.ge [sflag:s1], $0x2000  }
0x383: {  	s2 =	rddreg [dreg:$0x10]  }
0x384: {  	s31 =	rddreg [dreg:$0xf];
	s2 =	sadd.s32 $0x1, s2  }
0x385: {  	p0 =	sne.s32 s2, s31  }
.Ltmp5:
0x386: {  	_ = 	snop;
	(pc) =	sbr.rel @p0 .LBB2_1-.Ltmp5, $3  }
0x387: {  	_ =	sdelay $0x1  }
0x388: {  	[sflag:s1] =	ssyncset.done $0x0  }
0x389: {  	[sflag:s1] =	ssyncadd.s32 $0xFFFFE000  }
0x38a: {  	_ =	sfence.sel $0x180000  }
0x38b: {  	[bflag:$0x0] =	sbarrier.arrive $0xFFFF  }
0x38c: {  	_ =	strace $0x90000047  }
0x38d: {  	s0 =	stileid.u32;
	[bflag:$0x2] =	sbarrier.arrive $0xFFFF  }
0x38e: {  	p0 =	sne.s32 s0, $0x0;
	s0 =	rddreg [dreg:$0x3]  }
0x38f: {  	s0 =	sadd.s32 @!p0 $0x100000, s0  }
0x390: {  	[sflag:s0] =	ssyncadd.tile.s32 @!p0 $0x1;
	_ =	shalt  }
.Lfunc_end2:
_tile_overlayer_lowered:
.L_overlay_start_2:
0x391: {  	(tag) =	ssettag $0x2  }
0x392: {  	s0 =	rddreg [dreg:$0x0];
	s2 =	stileid.u32  }
0x393: {  	s1 =	rddreg [dreg:$0x1];
	p0 =	sne.s32 s2, $0x0  }
0x394: {  	s3 =	rddreg [dreg:$0x2];
	[bflag:$0x3] =	sbarrier.arrive $0xFFFF;
	s2 =	simm.s32 @!p0 $0x1C09  }
0x395: {  	[timem:s3], [sflag:s2] =	dma.local @!p0 [hbm:s0], s1  }
0x396: {  	s0 =	simm.s32 @!p0 $0x9  }
0x397: {  	_ =	swait.ge @!p0 [sflag:s0], s1  }
0x398: {  	s1 =	ssub.s32 @!p0 $0x0, s1;
	[sflag:s0] =	ssyncset.done @!p0 $0x0  }
0x399: {  	[sflag:s0] =	ssyncadd.s32 @!p0 s1  }
0x39a: {  	[bflag:$0x3] =	sbarrier.arrive $0xFFFF  }
0x39b: {  	_ =	shalt  }

</sc_bundles>
